<compile_context>
chip_gen: v7x
topology: tpu7x:2x2x1
jax: 0.10.2.dev20260603
libtpu: 0.0.44.dev20260713+nightly
codegen_flags: <defaults>
</compile_context>

<pallas_src>
import functools

import jax
import jax.numpy as jnp
from jax import lax
from jax.experimental import pallas as pl
from jax.experimental.pallas import tpu as pltpu
from jax.experimental.pallas import tpu_sc as plsc

PIXEL_SCALE = 0.2619
N_VERTS = 32768
N = 2 * N_VERTS
NROWS = 2 * N
TOTAL_NNZ = 2 * N * 16

NC = 2
NS = 16
L = 16
NW = NC * NS
CHUNK = TOTAL_NNZ // NW
BLK = 4096
NBLK = CHUNK // BLK
ACC_SLICE = NROWS // NS


def _sc_partial(x_flat, vals, rows, cols):
    mesh = plsc.VectorSubcoreMesh(core_axis_name="c", subcore_axis_name="s")

    @functools.partial(
        pl.kernel,
        out_type=jax.ShapeDtypeStruct((NC, NROWS), jnp.float32),
        mesh=mesh,
        scratch_types=[
            pltpu.VMEM((N,), jnp.float32),
            [pltpu.VMEM((BLK,), jnp.int32)] * 2,
            [pltpu.VMEM((BLK,), jnp.float32)] * 2,
            [pltpu.VMEM((BLK,), jnp.int32)] * 3,
            [pltpu.VMEM((BLK,), jnp.float32)] * 3,
            pltpu.VMEM_SHARED((NROWS,), jnp.float32),
            [pltpu.SemaphoreType.DMA] * 2,
            [pltpu.SemaphoreType.DMA] * 3,
        ],
        compiler_params=pltpu.CompilerParams(needs_layout_passes=False),
    )
    def k(x_hbm, vals_hbm, rows_hbm, cols_hbm, out_hbm,
          x_v, cols_v, vals_v, rows_v, prod_v, acc_sh, in_sem, sc_sem):
        c = lax.axis_index("c")
        s = lax.axis_index("s")
        wid = c * NS + s
        base = wid * CHUNK

        pltpu.sync_copy(x_hbm, x_v)

        def zero_body(i, carry):
            prod_v[0][pl.ds(i * L, L)] = jnp.zeros((L,), jnp.float32)
            return carry
        lax.fori_loop(0, BLK // L, zero_body, 0)
        for h in range(ACC_SLICE // BLK):
            pltpu.sync_copy(prod_v[0],
                            acc_sh.at[pl.ds(s * ACC_SLICE + h * BLK, BLK)])
        plsc.subcore_barrier()

        def issue_inputs(b):
            p2, p3 = b % 2, b % 3
            off = base + b * BLK
            return (
                pltpu.async_copy(cols_hbm.at[pl.ds(off, BLK)], cols_v[p2], in_sem[p2]),
                pltpu.async_copy(vals_hbm.at[pl.ds(off, BLK)], vals_v[p2], in_sem[p2]),
                pltpu.async_copy(rows_hbm.at[pl.ds(off, BLK)], rows_v[p3], in_sem[p2]),
            )

        in_desc = {0: issue_inputs(0)}
        sc_desc = {}
        for b in range(NBLK):
            p2, p3 = b % 2, b % 3
            if b + 1 < NBLK:
                if b >= 2:
                    sc_desc.pop(b - 2).wait()
                in_desc[b + 1] = issue_inputs(b + 1)
            for d in in_desc.pop(b):
                d.wait()

            @plsc.parallel_loop(0, BLK, step=L, unroll=8)
            def prod_body(i, p2=p2, p3=p3):
                sl = pl.ds(i, L)
                xg = plsc.load_gather(x_v, [cols_v[p2][sl]])
                prod_v[p3][sl] = vals_v[p2][sl] * xg

            sc_desc[b] = pltpu.async_copy(
                prod_v[p3], acc_sh.at[rows_v[p3]], sc_sem[p3], add=True)

        for b in sorted(sc_desc):
            sc_desc.pop(b).wait()

        plsc.subcore_barrier()
        for h in range(ACC_SLICE // BLK):
            off = s * ACC_SLICE + h * BLK
            pltpu.sync_copy(acc_sh.at[pl.ds(off, BLK)], prod_v[h % 3])
            pltpu.sync_copy(prod_v[h % 3], out_hbm.at[c, pl.ds(off, BLK)])

    return k(x_flat, vals, rows, cols)


def _combine(partial):
    p = partial.reshape(NC, NROWS // 128, 128)

    def body(p_ref, o_ref):
        o_ref[...] = (p_ref[0] + p_ref[1]) * (1.0 / PIXEL_SCALE)

    return pl.pallas_call(
        body,
        out_shape=jax.ShapeDtypeStruct((NROWS // 128, 128), jnp.float32),
    )(p)


def kernel(x, vals, rows, cols):
    x_flat = x.reshape(-1)
    partial = _sc_partial(x_flat, vals, rows, cols)
    grad = _combine(partial).reshape(2, 2, N_VERTS)
    return jnp.moveaxis(grad, 0, -1)

# --- scband reference (transcript-rebuilt; emitter-appended) ---
"""Pipeline reference for scband-fenics-gradient-v1-37065567765142 (READ-ONLY COPY).

The authoritative reference and input builder live on the scoring server;
editing this copy changes nothing except your own understanding.
"""

import jax, jax.numpy as jnp
import numpy as np

PIXEL_SCALE = 0.2619
N_VERTS = 32768
ORDER_COMPONENTS = 2  # order-1 tangent vector field
N = ORDER_COMPONENTS * N_VERTS  # flattened input size
NNZ = 2 * N * 16


def setup_inputs(seed: int = 0) -> dict:
    key = jax.random.key(seed)
    k1, k2, k3, k4 = jax.random.split(key, 4)
    x = jax.random.normal(k1, (ORDER_COMPONENTS, N_VERTS), dtype=jnp.float32)
    vals = jax.random.normal(k2, (NNZ,), dtype=jnp.float32)
    rows = jax.random.randint(k3, (NNZ,), 0, 2 * N, dtype=jnp.int32)
    cols = jax.random.randint(k4, (NNZ,), 0, N, dtype=jnp.int32)
    return {"x": x, "vals": vals, "rows": rows, "cols": cols}


def reference(x, vals, rows, cols):
    # FenicsGradient_v1.transform:
    #   grad = self.ops[order] @ X.flatten()   (sparse [2N, N] matvec)
    #   grad = grad.reshape([2, *X.shape])
    #   grad = moveaxis(grad, 0, -1) / pixel_scale
    x_flat = x.reshape(-1)
    gathered = vals * jnp.take(x_flat, cols)          # gather from input vector
    grad_flat = jax.ops.segment_sum(gathered, rows, num_segments=2 * x_flat.shape[0])  # scatter-add rows
    grad = grad_flat.reshape((2,) + x.shape)
    grad = jnp.moveaxis(grad, 0, -1)
    grad = grad / PIXEL_SCALE
    return grad

if __name__ == "__main__":
    import jax
    _d = setup_inputs()
    print(jax.jit(kernel)(*tuple(_d.values())))

</pallas_src>

<mosaic_0001>
#map = affine_map<(d0, d1) -> (0)>
#map1 = affine_map<(d0, d1) -> (0, 0)>
module attributes {stable_mosaic.version = 14 : i64} {
  func.func @k(%arg0: i32, %arg1: i32, %arg2: memref<65536xf32, #tpu.memory_space<hbm>>, %arg3: memref<2097152xf32, #tpu.memory_space<hbm>>, %arg4: memref<2097152xi32, #tpu.memory_space<hbm>>, %arg5: memref<2097152xi32, #tpu.memory_space<hbm>>, %arg6: memref<2x131072xf32, #tpu.memory_space<hbm>>, %arg7: memref<65536xf32, #tpu.memory_space<vmem>>, %arg8: memref<4096xi32, #tpu.memory_space<vmem>>, %arg9: memref<4096xi32, #tpu.memory_space<vmem>>, %arg10: memref<4096xf32, #tpu.memory_space<vmem>>, %arg11: memref<4096xf32, #tpu.memory_space<vmem>>, %arg12: memref<4096xi32, #tpu.memory_space<vmem>>, %arg13: memref<4096xi32, #tpu.memory_space<vmem>>, %arg14: memref<4096xi32, #tpu.memory_space<vmem>>, %arg15: memref<4096xf32, #tpu.memory_space<vmem>>, %arg16: memref<4096xf32, #tpu.memory_space<vmem>>, %arg17: memref<4096xf32, #tpu.memory_space<vmem>>, %arg18: memref<131072xf32, #tpu.memory_space<vmem_shared>>, %arg19: memref<!tpu.dma_semaphore, #tpu.memory_space<semaphore_mem>>, %arg20: memref<!tpu.dma_semaphore, #tpu.memory_space<semaphore_mem>>, %arg21: memref<!tpu.dma_semaphore, #tpu.memory_space<semaphore_mem>>, %arg22: memref<!tpu.dma_semaphore, #tpu.memory_space<semaphore_mem>>, %arg23: memref<!tpu.dma_semaphore, #tpu.memory_space<semaphore_mem>>) attributes {dimension_semantics = [#tpu.dimension_semantics<core_parallel>, #tpu.dimension_semantics<subcore_parallel>], iteration_bounds = array<i64: 2, 16>, scalar_prefetch = 0 : i64, scratch_operands = 17 : i64, tpu.core_type = #tpu.core_type<sc_vector_subcore>, window_params = [{transform_indices = #map}, {transform_indices = #map}, {transform_indices = #map}, {transform_indices = #map}, {transform_indices = #map1}]} {
    %mul3A = arith.constant 16 : i32
    %mul3A_0 = arith.muli %arg0, %mul3A : i32
    %add3A = arith.addi %mul3A_0, %arg1 : i32
    %mul3A_1 = arith.constant 65536 : i32
    %mul3A_2 = arith.muli %add3A, %mul3A_1 : i32
    "tpu.region"() ({
      %run_scoped3A = tpu.sem_alloc : memref<!tpu.dma_semaphore, #tpu.memory_space<semaphore_mem>>
      tpu.enqueue_dma source(%arg2 : memref<65536xf32, #tpu.memory_space<hbm>>) target(%arg7 : memref<65536xf32, #tpu.memory_space<vmem>>) target_semaphore(%run_scoped3A : memref<!tpu.dma_semaphore, #tpu.memory_space<semaphore_mem>>)
      tpu.wait_dma2 semaphore(%run_scoped3A : memref<!tpu.dma_semaphore, #tpu.memory_space<semaphore_mem>>) src(%arg2 : memref<65536xf32, #tpu.memory_space<hbm>>) dst(%arg7 : memref<65536xf32, #tpu.memory_space<vmem>>)
      tpu.yield
    }) : () -> ()
    %scan3A = arith.constant 0 : i32
    %scan3A_3 = arith.constant 0 : i32
    %scan3A_4 = arith.constant 256 : i32
    %scan3A_5 = arith.addi %scan3A_3, %scan3A_4 : i32
    %scan3A_6 = arith.constant 1 : i32
    scf.for %scan3A_358 = %scan3A_3 to %scan3A_5 step %scan3A_6  : i32 {
      %broadcast_in_dim3A = arith.constant 0.000000e+00 : f32
      %broadcast_in_dim3A_359 = vector.broadcast %broadcast_in_dim3A : f32 to vector<16xf32>
      %mul3A_360 = arith.constant 16 : i32
      %mul3A_361 = arith.muli %scan3A_358, %mul3A_360 : i32
      %swap3A = arith.index_cast %mul3A_361 : i32 to index
      %swap3A_362 = tpu.vector_load %arg15[%swap3A] {strides = array<i32>} : memref<4096xf32, #tpu.memory_space<vmem>>, vector<16xf32>,
      tpu.vector_store %arg15[%swap3A], %broadcast_in_dim3A_359 {strides = array<i32>} : memref<4096xf32, #tpu.memory_space<vmem>>, vector<16xf32>,
    }
    %scan3A_7 = arith.constant 256 : i32
    %mul3A_8 = arith.constant 8192 : i32
    %mul3A_9 = arith.muli %arg1, %mul3A_8 : i32
    %add3A_10 = arith.constant 0 : i32
    %add3A_11 = arith.addi %mul3A_9, %add3A_10 : i32
    "tpu.region"() ({
      %run_scoped3A = tpu.sem_alloc : memref<!tpu.dma_semaphore, #tpu.memory_space<semaphore_mem>>
      %dma_start3A_358 = tpu.memref_slice %arg18[%add3A_11] : memref<131072xf32, #tpu.memory_space<vmem_shared>> -> memref<4096xf32, #tpu.memory_space<vmem_shared>>
      %dma_start3A_359 = tpu.memref_slice %arg18[%add3A_11] : memref<131072xf32, #tpu.memory_space<vmem_shared>> -> memref<4096xf32, #tpu.memory_space<vmem_shared>>
      tpu.enqueue_dma source(%arg15 : memref<4096xf32, #tpu.memory_space<vmem>>) target(%dma_start3A_359 : memref<4096xf32, #tpu.memory_space<vmem_shared>>) target_semaphore(%run_scoped3A : memref<!tpu.dma_semaphore, #tpu.memory_space<semaphore_mem>>)
      %dma_wait3A_360 = tpu.memref_slice %arg18[%add3A_11] : memref<131072xf32, #tpu.memory_space<vmem_shared>> -> memref<4096xf32, #tpu.memory_space<vmem_shared>>
      %dma_wait3A_361 = tpu.memref_slice %arg18[%add3A_11] : memref<131072xf32, #tpu.memory_space<vmem_shared>> -> memref<4096xf32, #tpu.memory_space<vmem_shared>>
      tpu.wait_dma2 semaphore(%run_scoped3A : memref<!tpu.dma_semaphore, #tpu.memory_space<semaphore_mem>>) src(%arg15 : memref<4096xf32, #tpu.memory_space<vmem>>) dst(%dma_wait3A_361 : memref<4096xf32, #tpu.memory_space<vmem_shared>>)
      tpu.yield
    }) : () -> ()
    %mul3A_12 = arith.constant 8192 : i32
    %mul3A_13 = arith.muli %arg1, %mul3A_12 : i32
    %add3A_14 = arith.constant 4096 : i32
    %add3A_15 = arith.addi %mul3A_13, %add3A_14 : i32
    "tpu.region"() ({
      %run_scoped3A = tpu.sem_alloc : memref<!tpu.dma_semaphore, #tpu.memory_space<semaphore_mem>>
      %dma_start3A_358 = tpu.memref_slice %arg18[%add3A_15] : memref<131072xf32, #tpu.memory_space<vmem_shared>> -> memref<4096xf32, #tpu.memory_space<vmem_shared>>
      %dma_start3A_359 = tpu.memref_slice %arg18[%add3A_15] : memref<131072xf32, #tpu.memory_space<vmem_shared>> -> memref<4096xf32, #tpu.memory_space<vmem_shared>>
      tpu.enqueue_dma source(%arg15 : memref<4096xf32, #tpu.memory_space<vmem>>) target(%dma_start3A_359 : memref<4096xf32, #tpu.memory_space<vmem_shared>>) target_semaphore(%run_scoped3A : memref<!tpu.dma_semaphore, #tpu.memory_space<semaphore_mem>>)
      %dma_wait3A_360 = tpu.memref_slice %arg18[%add3A_15] : memref<131072xf32, #tpu.memory_space<vmem_shared>> -> memref<4096xf32, #tpu.memory_space<vmem_shared>>
      %dma_wait3A_361 = tpu.memref_slice %arg18[%add3A_15] : memref<131072xf32, #tpu.memory_space<vmem_shared>> -> memref<4096xf32, #tpu.memory_space<vmem_shared>>
      tpu.wait_dma2 semaphore(%run_scoped3A : memref<!tpu.dma_semaphore, #tpu.memory_space<semaphore_mem>>) src(%arg15 : memref<4096xf32, #tpu.memory_space<vmem>>) dst(%dma_wait3A_361 : memref<4096xf32, #tpu.memory_space<vmem_shared>>)
      tpu.yield
    }) : () -> ()
    %barrier3A = arith.constant 0 : index
    tpu.barrier barrier_id(%barrier3A)
    %add3A_16 = arith.constant 0 : i32
    %add3A_17 = arith.addi %mul3A_2, %add3A_16 : i32
    %dma_start3A = tpu.memref_slice %arg5[%add3A_17] : memref<2097152xi32, #tpu.memory_space<hbm>> -> memref<4096xi32, #tpu.memory_space<hbm>>
    %dma_start3A_18 = tpu.memref_slice %arg5[%add3A_17] : memref<2097152xi32, #tpu.memory_space<hbm>> -> memref<4096xi32, #tpu.memory_space<hbm>>
    tpu.enqueue_dma source(%dma_start3A_18 : memref<4096xi32, #tpu.memory_space<hbm>>) target(%arg8 : memref<4096xi32, #tpu.memory_space<vmem>>) target_semaphore(%arg19 : memref<!tpu.dma_semaphore, #tpu.memory_space<semaphore_mem>>)
    %dma_start3A_19 = tpu.memref_slice %arg3[%add3A_17] : memref<2097152xf32, #tpu.memory_space<hbm>> -> memref<4096xf32, #tpu.memory_space<hbm>>
    %dma_start3A_20 = tpu.memref_slice %arg3[%add3A_17] : memref<2097152xf32, #tpu.memory_space<hbm>> -> memref<4096xf32, #tpu.memory_space<hbm>>
    tpu.enqueue_dma source(%dma_start3A_20 : memref<4096xf32, #tpu.memory_space<hbm>>) target(%arg10 : memref<4096xf32, #tpu.memory_space<vmem>>) target_semaphore(%arg19 : memref<!tpu.dma_semaphore, #tpu.memory_space<semaphore_mem>>)
    %dma_start3A_21 = tpu.memref_slice %arg4[%add3A_17] : memref<2097152xi32, #tpu.memory_space<hbm>> -> memref<4096xi32, #tpu.memory_space<hbm>>
    %dma_start3A_22 = tpu.memref_slice %arg4[%add3A_17] : memref<2097152xi32, #tpu.memory_space<hbm>> -> memref<4096xi32, #tpu.memory_space<hbm>>
    tpu.enqueue_dma source(%dma_start3A_22 : memref<4096xi32, #tpu.memory_space<hbm>>) target(%arg12 : memref<4096xi32, #tpu.memory_space<vmem>>) target_semaphore(%arg19 : memref<!tpu.dma_semaphore, #tpu.memory_space<semaphore_mem>>)
    %add3A_23 = arith.constant 4096 : i32
    %add3A_24 = arith.addi %mul3A_2, %add3A_23 : i32
    %dma_start3A_25 = tpu.memref_slice %arg5[%add3A_24] : memref<2097152xi32, #tpu.memory_space<hbm>> -> memref<4096xi32, #tpu.memory_space<hbm>>
    %dma_start3A_26 = tpu.memref_slice %arg5[%add3A_24] : memref<2097152xi32, #tpu.memory_space<hbm>> -> memref<4096xi32, #tpu.memory_space<hbm>>
    tpu.enqueue_dma source(%dma_start3A_26 : memref<4096xi32, #tpu.memory_space<hbm>>) target(%arg9 : memref<4096xi32, #tpu.memory_space<vmem>>) target_semaphore(%arg20 : memref<!tpu.dma_semaphore, #tpu.memory_space<semaphore_mem>>)
    %dma_start3A_27 = tpu.memref_slice %arg3[%add3A_24] : memref<2097152xf32, #tpu.memory_space<hbm>> -> memref<4096xf32, #tpu.memory_space<hbm>>
    %dma_start3A_28 = tpu.memref_slice %arg3[%add3A_24] : memref<2097152xf32, #tpu.memory_space<hbm>> -> memref<4096xf32, #tpu.memory_space<hbm>>
    tpu.enqueue_dma source(%dma_start3A_28 : memref<4096xf32, #tpu.memory_space<hbm>>) target(%arg11 : memref<4096xf32, #tpu.memory_space<vmem>>) target_semaphore(%arg20 : memref<!tpu.dma_semaphore, #tpu.memory_space<semaphore_mem>>)
    %dma_start3A_29 = tpu.memref_slice %arg4[%add3A_24] : memref<2097152xi32, #tpu.memory_space<hbm>> -> memref<4096xi32, #tpu.memory_space<hbm>>
    %dma_start3A_30 = tpu.memref_slice %arg4[%add3A_24] : memref<2097152xi32, #tpu.memory_space<hbm>> -> memref<4096xi32, #tpu.memory_space<hbm>>
    tpu.enqueue_dma source(%dma_start3A_30 : memref<4096xi32, #tpu.memory_space<hbm>>) target(%arg13 : memref<4096xi32, #tpu.memory_space<vmem>>) target_semaphore(%arg20 : memref<!tpu.dma_semaphore, #tpu.memory_space<semaphore_mem>>)
    %dma_wait3A = tpu.memref_slice %arg5[%add3A_17] : memref<2097152xi32, #tpu.memory_space<hbm>> -> memref<4096xi32, #tpu.memory_space<hbm>>
    %dma_wait3A_31 = tpu.memref_slice %arg5[%add3A_17] : memref<2097152xi32, #tpu.memory_space<hbm>> -> memref<4096xi32, #tpu.memory_space<hbm>>
    tpu.wait_dma2 semaphore(%arg19 : memref<!tpu.dma_semaphore, #tpu.memory_space<semaphore_mem>>) src(%dma_wait3A_31 : memref<4096xi32, #tpu.memory_space<hbm>>) dst(%arg8 : memref<4096xi32, #tpu.memory_space<vmem>>)
    %dma_wait3A_32 = tpu.memref_slice %arg3[%add3A_17] : memref<2097152xf32, #tpu.memory_space<hbm>> -> memref<4096xf32, #tpu.memory_space<hbm>>
    %dma_wait3A_33 = tpu.memref_slice %arg3[%add3A_17] : memref<2097152xf32, #tpu.memory_space<hbm>> -> memref<4096xf32, #tpu.memory_space<hbm>>
    tpu.wait_dma2 semaphore(%arg19 : memref<!tpu.dma_semaphore, #tpu.memory_space<semaphore_mem>>) src(%dma_wait3A_33 : memref<4096xf32, #tpu.memory_space<hbm>>) dst(%arg10 : memref<4096xf32, #tpu.memory_space<vmem>>)
    %dma_wait3A_34 = tpu.memref_slice %arg4[%add3A_17] : memref<2097152xi32, #tpu.memory_space<hbm>> -> memref<4096xi32, #tpu.memory_space<hbm>>
    %dma_wait3A_35 = tpu.memref_slice %arg4[%add3A_17] : memref<2097152xi32, #tpu.memory_space<hbm>> -> memref<4096xi32, #tpu.memory_space<hbm>>
    tpu.wait_dma2 semaphore(%arg19 : memref<!tpu.dma_semaphore, #tpu.memory_space<semaphore_mem>>) src(%dma_wait3A_35 : memref<4096xi32, #tpu.memory_space<hbm>>) dst(%arg12 : memref<4096xi32, #tpu.memory_space<vmem>>)
    %parallel_loop3A = arith.constant 0 : i32
    %parallel_loop3A_36 = arith.constant 4096 : i32
    %parallel_loop3A_37 = arith.constant 16 : i32
    scf.for %parallel_loop3A_358 = %parallel_loop3A to %parallel_loop3A_36 step %parallel_loop3A_37  : i32 {
      %parallel_loop3A_359 = arith.index_cast %parallel_loop3A_358 : i32 to index
      %parallel_loop3A_360 = tpu.vector_load %arg8[%parallel_loop3A_359] {strides = array<i32>} : memref<4096xi32, #tpu.memory_space<vmem>>, vector<16xi32>,
      %parallel_loop3A_361 = tpu.vector_load_idx %arg7[%parallel_loop3A_360] : memref<65536xf32, #tpu.memory_space<vmem>>[vector<16xi32>], vector<16xf32>,
      %parallel_loop3A_362 = arith.index_cast %parallel_loop3A_358 : i32 to index
      %parallel_loop3A_363 = tpu.vector_load %arg10[%parallel_loop3A_362] {strides = array<i32>} : memref<4096xf32, #tpu.memory_space<vmem>>, vector<16xf32>,
      %parallel_loop3A_364 = arith.mulf %parallel_loop3A_363, %parallel_loop3A_361 : vector<16xf32>
      %parallel_loop3A_365 = arith.index_cast %parallel_loop3A_358 : i32 to index
      %parallel_loop3A_366 = tpu.vector_load %arg15[%parallel_loop3A_365] {strides = array<i32>} : memref<4096xf32, #tpu.memory_space<vmem>>, vector<16xf32>,
      tpu.vector_store %arg15[%parallel_loop3A_365], %parallel_loop3A_364 {strides = array<i32>} : memref<4096xf32, #tpu.memory_space<vmem>>, vector<16xf32>,
    } {sc.loop_unroll_factor = 8 : i64, sc.parallel_access}
    %dma_start3A_38 = arith.constant 0 : i32
    %dma_start3A_39 = tpu.memref_slice %arg18[%dma_start3A_38] : memref<131072xf32, #tpu.memory_space<vmem_shared>> -> memref<131072xf32, #tpu.memory_space<vmem_shared>>
    tpu.enqueue_indirect_dma source(%arg15 : memref<4096xf32, #tpu.memory_space<vmem>>) target(%dma_start3A_39 : memref<131072xf32, #tpu.memory_space<vmem_shared>>) offsets(%arg12 : memref<4096xi32, #tpu.memory_space<vmem>>) semaphore(%arg21 : memref<!tpu.dma_semaphore, #tpu.memory_space<semaphore_mem>>) {add = true}
    %add3A_40 = arith.constant 8192 : i32
    %add3A_41 = arith.addi %mul3A_2, %add3A_40 : i32
    %dma_start3A_42 = tpu.memref_slice %arg5[%add3A_41] : memref<2097152xi32, #tpu.memory_space<hbm>> -> memref<4096xi32, #tpu.memory_space<hbm>>
    %dma_start3A_43 = tpu.memref_slice %arg5[%add3A_41] : memref<2097152xi32, #tpu.memory_space<hbm>> -> memref<4096xi32, #tpu.memory_space<hbm>>
    tpu.enqueue_dma source(%dma_start3A_43 : memref<4096xi32, #tpu.memory_space<hbm>>) target(%arg8 : memref<4096xi32, #tpu.memory_space<vmem>>) target_semaphore(%arg19 : memref<!tpu.dma_semaphore, #tpu.memory_space<semaphore_mem>>)
    %dma_start3A_44 = tpu.memref_slice %arg3[%add3A_41] : memref<2097152xf32, #tpu.memory_space<hbm>> -> memref<4096xf32, #tpu.memory_space<hbm>>
    %dma_start3A_45 = tpu.memref_slice %arg3[%add3A_41] : memref<2097152xf32, #tpu.memory_space<hbm>> -> memref<4096xf32, #tpu.memory_space<hbm>>
    tpu.enqueue_dma source(%dma_start3A_45 : memref<4096xf32, #tpu.memory_space<hbm>>) target(%arg10 : memref<4096xf32, #tpu.memory_space<vmem>>) target_semaphore(%arg19 : memref<!tpu.dma_semaphore, #tpu.memory_space<semaphore_mem>>)
    %dma_start3A_46 = tpu.memref_slice %arg4[%add3A_41] : memref<2097152xi32, #tpu.memory_space<hbm>> -> memref<4096xi32, #tpu.memory_space<hbm>>
    %dma_start3A_47 = tpu.memref_slice %arg4[%add3A_41] : memref<2097152xi32, #tpu.memory_space<hbm>> -> memref<4096xi32, #tpu.memory_space<hbm>>
    tpu.enqueue_dma source(%dma_start3A_47 : memref<4096xi32, #tpu.memory_space<hbm>>) target(%arg14 : memref<4096xi32, #tpu.memory_space<vmem>>) target_semaphore(%arg19 : memref<!tpu.dma_semaphore, #tpu.memory_space<semaphore_mem>>)
    %dma_wait3A_48 = tpu.memref_slice %arg5[%add3A_24] : memref<2097152xi32, #tpu.memory_space<hbm>> -> memref<4096xi32, #tpu.memory_space<hbm>>
    %dma_wait3A_49 = tpu.memref_slice %arg5[%add3A_24] : memref<2097152xi32, #tpu.memory_space<hbm>> -> memref<4096xi32, #tpu.memory_space<hbm>>
    tpu.wait_dma2 semaphore(%arg20 : memref<!tpu.dma_semaphore, #tpu.memory_space<semaphore_mem>>) src(%dma_wait3A_49 : memref<4096xi32, #tpu.memory_space<hbm>>) dst(%arg9 : memref<4096xi32, #tpu.memory_space<vmem>>)
    %dma_wait3A_50 = tpu.memref_slice %arg3[%add3A_24] : memref<2097152xf32, #tpu.memory_space<hbm>> -> memref<4096xf32, #tpu.memory_space<hbm>>
    %dma_wait3A_51 = tpu.memref_slice %arg3[%add3A_24] : memref<2097152xf32, #tpu.memory_space<hbm>> -> memref<4096xf32, #tpu.memory_space<hbm>>
    tpu.wait_dma2 semaphore(%arg20 : memref<!tpu.dma_semaphore, #tpu.memory_space<semaphore_mem>>) src(%dma_wait3A_51 : memref<4096xf32, #tpu.memory_space<hbm>>) dst(%arg11 : memref<4096xf32, #tpu.memory_space<vmem>>)
    %dma_wait3A_52 = tpu.memref_slice %arg4[%add3A_24] : memref<2097152xi32, #tpu.memory_space<hbm>> -> memref<4096xi32, #tpu.memory_space<hbm>>
    %dma_wait3A_53 = tpu.memref_slice %arg4[%add3A_24] : memref<2097152xi32, #tpu.memory_space<hbm>> -> memref<4096xi32, #tpu.memory_space<hbm>>
    tpu.wait_dma2 semaphore(%arg20 : memref<!tpu.dma_semaphore, #tpu.memory_space<semaphore_mem>>) src(%dma_wait3A_53 : memref<4096xi32, #tpu.memory_space<hbm>>) dst(%arg13 : memref<4096xi32, #tpu.memory_space<vmem>>)
    %parallel_loop3A_54 = arith.constant 0 : i32
    %parallel_loop3A_55 = arith.constant 4096 : i32
    %parallel_loop3A_56 = arith.constant 16 : i32
    scf.for %parallel_loop3A_358 = %parallel_loop3A_54 to %parallel_loop3A_55 step %parallel_loop3A_56  : i32 {
      %parallel_loop3A_359 = arith.index_cast %parallel_loop3A_358 : i32 to index
      %parallel_loop3A_360 = tpu.vector_load %arg9[%parallel_loop3A_359] {strides = array<i32>} : memref<4096xi32, #tpu.memory_space<vmem>>, vector<16xi32>,
      %parallel_loop3A_361 = tpu.vector_load_idx %arg7[%parallel_loop3A_360] : memref<65536xf32, #tpu.memory_space<vmem>>[vector<16xi32>], vector<16xf32>,
      %parallel_loop3A_362 = arith.index_cast %parallel_loop3A_358 : i32 to index
      %parallel_loop3A_363 = tpu.vector_load %arg11[%parallel_loop3A_362] {strides = array<i32>} : memref<4096xf32, #tpu.memory_space<vmem>>, vector<16xf32>,
      %parallel_loop3A_364 = arith.mulf %parallel_loop3A_363, %parallel_loop3A_361 : vector<16xf32>
      %parallel_loop3A_365 = arith.index_cast %parallel_loop3A_358 : i32 to index
      %parallel_loop3A_366 = tpu.vector_load %arg16[%parallel_loop3A_365] {strides = array<i32>} : memref<4096xf32, #tpu.memory_space<vmem>>, vector<16xf32>,
      tpu.vector_store %arg16[%parallel_loop3A_365], %parallel_loop3A_364 {strides = array<i32>} : memref<4096xf32, #tpu.memory_space<vmem>>, vector<16xf32>,
    } {sc.loop_unroll_factor = 8 : i64, sc.parallel_access}
    %dma_start3A_57 = arith.constant 0 : i32
    %dma_start3A_58 = tpu.memref_slice %arg18[%dma_start3A_57] : memref<131072xf32, #tpu.memory_space<vmem_shared>> -> memref<131072xf32, #tpu.memory_space<vmem_shared>>
    tpu.enqueue_indirect_dma source(%arg16 : memref<4096xf32, #tpu.memory_space<vmem>>) target(%dma_start3A_58 : memref<131072xf32, #tpu.memory_space<vmem_shared>>) offsets(%arg13 : memref<4096xi32, #tpu.memory_space<vmem>>) semaphore(%arg22 : memref<!tpu.dma_semaphore, #tpu.memory_space<semaphore_mem>>) {add = true}
    %dma_wait3A_59 = arith.constant 0 : i32
    %dma_wait3A_60 = tpu.memref_slice %arg18[%dma_wait3A_59] : memref<131072xf32, #tpu.memory_space<vmem_shared>> -> memref<131072xf32, #tpu.memory_space<vmem_shared>>
    tpu.wait_indirect_dma semaphore(%arg21 : memref<!tpu.dma_semaphore, #tpu.memory_space<semaphore_mem>>) src(%arg15 : memref<4096xf32, #tpu.memory_space<vmem>>) dst(%dma_wait3A_60 : memref<131072xf32, #tpu.memory_space<vmem_shared>>)
    %add3A_61 = arith.constant 12288 : i32
    %add3A_62 = arith.addi %mul3A_2, %add3A_61 : i32
    %dma_start3A_63 = tpu.memref_slice %arg5[%add3A_62] : memref<2097152xi32, #tpu.memory_space<hbm>> -> memref<4096xi32, #tpu.memory_space<hbm>>
    %dma_start3A_64 = tpu.memref_slice %arg5[%add3A_62] : memref<2097152xi32, #tpu.memory_space<hbm>> -> memref<4096xi32, #tpu.memory_space<hbm>>
    tpu.enqueue_dma source(%dma_start3A_64 : memref<4096xi32, #tpu.memory_space<hbm>>) target(%arg9 : memref<4096xi32, #tpu.memory_space<vmem>>) target_semaphore(%arg20 : memref<!tpu.dma_semaphore, #tpu.memory_space<semaphore_mem>>)
    %dma_start3A_65 = tpu.memref_slice %arg3[%add3A_62] : memref<2097152xf32, #tpu.memory_space<hbm>> -> memref<4096xf32, #tpu.memory_space<hbm>>
    %dma_start3A_66 = tpu.memref_slice %arg3[%add3A_62] : memref<2097152xf32, #tpu.memory_space<hbm>> -> memref<4096xf32, #tpu.memory_space<hbm>>
    tpu.enqueue_dma source(%dma_start3A_66 : memref<4096xf32, #tpu.memory_space<hbm>>) target(%arg11 : memref<4096xf32, #tpu.memory_space<vmem>>) target_semaphore(%arg20 : memref<!tpu.dma_semaphore, #tpu.memory_space<semaphore_mem>>)
    %dma_start3A_67 = tpu.memref_slice %arg4[%add3A_62] : memref<2097152xi32, #tpu.memory_space<hbm>> -> memref<4096xi32, #tpu.memory_space<hbm>>
    %dma_start3A_68 = tpu.memref_slice %arg4[%add3A_62] : memref<2097152xi32, #tpu.memory_space<hbm>> -> memref<4096xi32, #tpu.memory_space<hbm>>
    tpu.enqueue_dma source(%dma_start3A_68 : memref<4096xi32, #tpu.memory_space<hbm>>) target(%arg12 : memref<4096xi32, #tpu.memory_space<vmem>>) target_semaphore(%arg20 : memref<!tpu.dma_semaphore, #tpu.memory_space<semaphore_mem>>)
    %dma_wait3A_69 = tpu.memref_slice %arg5[%add3A_41] : memref<2097152xi32, #tpu.memory_space<hbm>> -> memref<4096xi32, #tpu.memory_space<hbm>>
    %dma_wait3A_70 = tpu.memref_slice %arg5[%add3A_41] : memref<2097152xi32, #tpu.memory_space<hbm>> -> memref<4096xi32, #tpu.memory_space<hbm>>
    tpu.wait_dma2 semaphore(%arg19 : memref<!tpu.dma_semaphore, #tpu.memory_space<semaphore_mem>>) src(%dma_wait3A_70 : memref<4096xi32, #tpu.memory_space<hbm>>) dst(%arg8 : memref<4096xi32, #tpu.memory_space<vmem>>)
    %dma_wait3A_71 = tpu.memref_slice %arg3[%add3A_41] : memref<2097152xf32, #tpu.memory_space<hbm>> -> memref<4096xf32, #tpu.memory_space<hbm>>
    %dma_wait3A_72 = tpu.memref_slice %arg3[%add3A_41] : memref<2097152xf32, #tpu.memory_space<hbm>> -> memref<4096xf32, #tpu.memory_space<hbm>>
    tpu.wait_dma2 semaphore(%arg19 : memref<!tpu.dma_semaphore, #tpu.memory_space<semaphore_mem>>) src(%dma_wait3A_72 : memref<4096xf32, #tpu.memory_space<hbm>>) dst(%arg10 : memref<4096xf32, #tpu.memory_space<vmem>>)
    %dma_wait3A_73 = tpu.memref_slice %arg4[%add3A_41] : memref<2097152xi32, #tpu.memory_space<hbm>> -> memref<4096xi32, #tpu.memory_space<hbm>>
    %dma_wait3A_74 = tpu.memref_slice %arg4[%add3A_41] : memref<2097152xi32, #tpu.memory_space<hbm>> -> memref<4096xi32, #tpu.memory_space<hbm>>
    tpu.wait_dma2 semaphore(%arg19 : memref<!tpu.dma_semaphore, #tpu.memory_space<semaphore_mem>>) src(%dma_wait3A_74 : memref<4096xi32, #tpu.memory_space<hbm>>) dst(%arg14 : memref<4096xi32, #tpu.memory_space<vmem>>)
    %parallel_loop3A_75 = arith.constant 0 : i32
    %parallel_loop3A_76 = arith.constant 4096 : i32
    %parallel_loop3A_77 = arith.constant 16 : i32
    scf.for %parallel_loop3A_358 = %parallel_loop3A_75 to %parallel_loop3A_76 step %parallel_loop3A_77  : i32 {
      %parallel_loop3A_359 = arith.index_cast %parallel_loop3A_358 : i32 to index
      %parallel_loop3A_360 = tpu.vector_load %arg8[%parallel_loop3A_359] {strides = array<i32>} : memref<4096xi32, #tpu.memory_space<vmem>>, vector<16xi32>,
      %parallel_loop3A_361 = tpu.vector_load_idx %arg7[%parallel_loop3A_360] : memref<65536xf32, #tpu.memory_space<vmem>>[vector<16xi32>], vector<16xf32>,
      %parallel_loop3A_362 = arith.index_cast %parallel_loop3A_358 : i32 to index
      %parallel_loop3A_363 = tpu.vector_load %arg10[%parallel_loop3A_362] {strides = array<i32>} : memref<4096xf32, #tpu.memory_space<vmem>>, vector<16xf32>,
      %parallel_loop3A_364 = arith.mulf %parallel_loop3A_363, %parallel_loop3A_361 : vector<16xf32>
      %parallel_loop3A_365 = arith.index_cast %parallel_loop3A_358 : i32 to index
      %parallel_loop3A_366 = tpu.vector_load %arg17[%parallel_loop3A_365] {strides = array<i32>} : memref<4096xf32, #tpu.memory_space<vmem>>, vector<16xf32>,
      tpu.vector_store %arg17[%parallel_loop3A_365], %parallel_loop3A_364 {strides = array<i32>} : memref<4096xf32, #tpu.memory_space<vmem>>, vector<16xf32>,
    } {sc.loop_unroll_factor = 8 : i64, sc.parallel_access}
    %dma_start3A_78 = arith.constant 0 : i32
    %dma_start3A_79 = tpu.memref_slice %arg18[%dma_start3A_78] : memref<131072xf32, #tpu.memory_space<vmem_shared>> -> memref<131072xf32, #tpu.memory_space<vmem_shared>>
    tpu.enqueue_indirect_dma source(%arg17 : memref<4096xf32, #tpu.memory_space<vmem>>) target(%dma_start3A_79 : memref<131072xf32, #tpu.memory_space<vmem_shared>>) offsets(%arg14 : memref<4096xi32, #tpu.memory_space<vmem>>) semaphore(%arg23 : memref<!tpu.dma_semaphore, #tpu.memory_space<semaphore_mem>>) {add = true}
    %dma_wait3A_80 = arith.constant 0 : i32
    %dma_wait3A_81 = tpu.memref_slice %arg18[%dma_wait3A_80] : memref<131072xf32, #tpu.memory_space<vmem_shared>> -> memref<131072xf32, #tpu.memory_space<vmem_shared>>
    tpu.wait_indirect_dma semaphore(%arg22 : memref<!tpu.dma_semaphore, #tpu.memory_space<semaphore_mem>>) src(%arg16 : memref<4096xf32, #tpu.memory_space<vmem>>) dst(%dma_wait3A_81 : memref<131072xf32, #tpu.memory_space<vmem_shared>>)
    %add3A_82 = arith.constant 16384 : i32
    %add3A_83 = arith.addi %mul3A_2, %add3A_82 : i32
    %dma_start3A_84 = tpu.memref_slice %arg5[%add3A_83] : memref<2097152xi32, #tpu.memory_space<hbm>> -> memref<4096xi32, #tpu.memory_space<hbm>>
    %dma_start3A_85 = tpu.memref_slice %arg5[%add3A_83] : memref<2097152xi32, #tpu.memory_space<hbm>> -> memref<4096xi32, #tpu.memory_space<hbm>>
    tpu.enqueue_dma source(%dma_start3A_85 : memref<4096xi32, #tpu.memory_space<hbm>>) target(%arg8 : memref<4096xi32, #tpu.memory_space<vmem>>) target_semaphore(%arg19 : memref<!tpu.dma_semaphore, #tpu.memory_space<semaphore_mem>>)
    %dma_start3A_86 = tpu.memref_slice %arg3[%add3A_83] : memref<2097152xf32, #tpu.memory_space<hbm>> -> memref<4096xf32, #tpu.memory_space<hbm>>
    %dma_start3A_87 = tpu.memref_slice %arg3[%add3A_83] : memref<2097152xf32, #tpu.memory_space<hbm>> -> memref<4096xf32, #tpu.memory_space<hbm>>
    tpu.enqueue_dma source(%dma_start3A_87 : memref<4096xf32, #tpu.memory_space<hbm>>) target(%arg10 : memref<4096xf32, #tpu.memory_space<vmem>>) target_semaphore(%arg19 : memref<!tpu.dma_semaphore, #tpu.memory_space<semaphore_mem>>)
    %dma_start3A_88 = tpu.memref_slice %arg4[%add3A_83] : memref<2097152xi32, #tpu.memory_space<hbm>> -> memref<4096xi32, #tpu.memory_space<hbm>>
    %dma_start3A_89 = tpu.memref_slice %arg4[%add3A_83] : memref<2097152xi32, #tpu.memory_space<hbm>> -> memref<4096xi32, #tpu.memory_space<hbm>>
    tpu.enqueue_dma source(%dma_start3A_89 : memref<4096xi32, #tpu.memory_space<hbm>>) target(%arg13 : memref<4096xi32, #tpu.memory_space<vmem>>) target_semaphore(%arg19 : memref<!tpu.dma_semaphore, #tpu.memory_space<semaphore_mem>>)
    %dma_wait3A_90 = tpu.memref_slice %arg5[%add3A_62] : memref<2097152xi32, #tpu.memory_space<hbm>> -> memref<4096xi32, #tpu.memory_space<hbm>>
    %dma_wait3A_91 = tpu.memref_slice %arg5[%add3A_62] : memref<2097152xi32, #tpu.memory_space<hbm>> -> memref<4096xi32, #tpu.memory_space<hbm>>
    tpu.wait_dma2 semaphore(%arg20 : memref<!tpu.dma_semaphore, #tpu.memory_space<semaphore_mem>>) src(%dma_wait3A_91 : memref<4096xi32, #tpu.memory_space<hbm>>) dst(%arg9 : memref<4096xi32, #tpu.memory_space<vmem>>)
    %dma_wait3A_92 = tpu.memref_slice %arg3[%add3A_62] : memref<2097152xf32, #tpu.memory_space<hbm>> -> memref<4096xf32, #tpu.memory_space<hbm>>
    %dma_wait3A_93 = tpu.memref_slice %arg3[%add3A_62] : memref<2097152xf32, #tpu.memory_space<hbm>> -> memref<4096xf32, #tpu.memory_space<hbm>>
    tpu.wait_dma2 semaphore(%arg20 : memref<!tpu.dma_semaphore, #tpu.memory_space<semaphore_mem>>) src(%dma_wait3A_93 : memref<4096xf32, #tpu.memory_space<hbm>>) dst(%arg11 : memref<4096xf32, #tpu.memory_space<vmem>>)
    %dma_wait3A_94 = tpu.memref_slice %arg4[%add3A_62] : memref<2097152xi32, #tpu.memory_space<hbm>> -> memref<4096xi32, #tpu.memory_space<hbm>>
    %dma_wait3A_95 = tpu.memref_slice %arg4[%add3A_62] : memref<2097152xi32, #tpu.memory_space<hbm>> -> memref<4096xi32, #tpu.memory_space<hbm>>
    tpu.wait_dma2 semaphore(%arg20 : memref<!tpu.dma_semaphore, #tpu.memory_space<semaphore_mem>>) src(%dma_wait3A_95 : memref<4096xi32, #tpu.memory_space<hbm>>) dst(%arg12 : memref<4096xi32, #tpu.memory_space<vmem>>)
    %parallel_loop3A_96 = arith.constant 0 : i32
    %parallel_loop3A_97 = arith.constant 4096 : i32
    %parallel_loop3A_98 = arith.constant 16 : i32
    scf.for %parallel_loop3A_358 = %parallel_loop3A_96 to %parallel_loop3A_97 step %parallel_loop3A_98  : i32 {
      %parallel_loop3A_359 = arith.index_cast %parallel_loop3A_358 : i32 to index
      %parallel_loop3A_360 = tpu.vector_load %arg9[%parallel_loop3A_359] {strides = array<i32>} : memref<4096xi32, #tpu.memory_space<vmem>>, vector<16xi32>,
      %parallel_loop3A_361 = tpu.vector_load_idx %arg7[%parallel_loop3A_360] : memref<65536xf32, #tpu.memory_space<vmem>>[vector<16xi32>], vector<16xf32>,
      %parallel_loop3A_362 = arith.index_cast %parallel_loop3A_358 : i32 to index
      %parallel_loop3A_363 = tpu.vector_load %arg11[%parallel_loop3A_362] {strides = array<i32>} : memref<4096xf32, #tpu.memory_space<vmem>>, vector<16xf32>,
      %parallel_loop3A_364 = arith.mulf %parallel_loop3A_363, %parallel_loop3A_361 : vector<16xf32>
      %parallel_loop3A_365 = arith.index_cast %parallel_loop3A_358 : i32 to index
      %parallel_loop3A_366 = tpu.vector_load %arg15[%parallel_loop3A_365] {strides = array<i32>} : memref<4096xf32, #tpu.memory_space<vmem>>, vector<16xf32>,
      tpu.vector_store %arg15[%parallel_loop3A_365], %parallel_loop3A_364 {strides = array<i32>} : memref<4096xf32, #tpu.memory_space<vmem>>, vector<16xf32>,
    } {sc.loop_unroll_factor = 8 : i64, sc.parallel_access}
    %dma_start3A_99 = arith.constant 0 : i32
    %dma_start3A_100 = tpu.memref_slice %arg18[%dma_start3A_99] : memref<131072xf32, #tpu.memory_space<vmem_shared>> -> memref<131072xf32, #tpu.memory_space<vmem_shared>>
    tpu.enqueue_indirect_dma source(%arg15 : memref<4096xf32, #tpu.memory_space<vmem>>) target(%dma_start3A_100 : memref<131072xf32, #tpu.memory_space<vmem_shared>>) offsets(%arg12 : memref<4096xi32, #tpu.memory_space<vmem>>) semaphore(%arg21 : memref<!tpu.dma_semaphore, #tpu.memory_space<semaphore_mem>>) {add = true}
    %dma_wait3A_101 = arith.constant 0 : i32
    %dma_wait3A_102 = tpu.memref_slice %arg18[%dma_wait3A_101] : memref<131072xf32, #tpu.memory_space<vmem_shared>> -> memref<131072xf32, #tpu.memory_space<vmem_shared>>
    tpu.wait_indirect_dma semaphore(%arg23 : memref<!tpu.dma_semaphore, #tpu.memory_space<semaphore_mem>>) src(%arg17 : memref<4096xf32, #tpu.memory_space<vmem>>) dst(%dma_wait3A_102 : memref<131072xf32, #tpu.memory_space<vmem_shared>>)
    %add3A_103 = arith.constant 20480 : i32
    %add3A_104 = arith.addi %mul3A_2, %add3A_103 : i32
    %dma_start3A_105 = tpu.memref_slice %arg5[%add3A_104] : memref<2097152xi32, #tpu.memory_space<hbm>> -> memref<4096xi32, #tpu.memory_space<hbm>>
    %dma_start3A_106 = tpu.memref_slice %arg5[%add3A_104] : memref<2097152xi32, #tpu.memory_space<hbm>> -> memref<4096xi32, #tpu.memory_space<hbm>>
    tpu.enqueue_dma source(%dma_start3A_106 : memref<4096xi32, #tpu.memory_space<hbm>>) target(%arg9 : memref<4096xi32, #tpu.memory_space<vmem>>) target_semaphore(%arg20 : memref<!tpu.dma_semaphore, #tpu.memory_space<semaphore_mem>>)
    %dma_start3A_107 = tpu.memref_slice %arg3[%add3A_104] : memref<2097152xf32, #tpu.memory_space<hbm>> -> memref<4096xf32, #tpu.memory_space<hbm>>
    %dma_start3A_108 = tpu.memref_slice %arg3[%add3A_104] : memref<2097152xf32, #tpu.memory_space<hbm>> -> memref<4096xf32, #tpu.memory_space<hbm>>
    tpu.enqueue_dma source(%dma_start3A_108 : memref<4096xf32, #tpu.memory_space<hbm>>) target(%arg11 : memref<4096xf32, #tpu.memory_space<vmem>>) target_semaphore(%arg20 : memref<!tpu.dma_semaphore, #tpu.memory_space<semaphore_mem>>)
    %dma_start3A_109 = tpu.memref_slice %arg4[%add3A_104] : memref<2097152xi32, #tpu.memory_space<hbm>> -> memref<4096xi32, #tpu.memory_space<hbm>>
    %dma_start3A_110 = tpu.memref_slice %arg4[%add3A_104] : memref<2097152xi32, #tpu.memory_space<hbm>> -> memref<4096xi32, #tpu.memory_space<hbm>>
    tpu.enqueue_dma source(%dma_start3A_110 : memref<4096xi32, #tpu.memory_space<hbm>>) target(%arg14 : memref<4096xi32, #tpu.memory_space<vmem>>) target_semaphore(%arg20 : memref<!tpu.dma_semaphore, #tpu.memory_space<semaphore_mem>>)
    %dma_wait3A_111 = tpu.memref_slice %arg5[%add3A_83] : memref<2097152xi32, #tpu.memory_space<hbm>> -> memref<4096xi32, #tpu.memory_space<hbm>>
    %dma_wait3A_112 = tpu.memref_slice %arg5[%add3A_83] : memref<2097152xi32, #tpu.memory_space<hbm>> -> memref<4096xi32, #tpu.memory_space<hbm>>
    tpu.wait_dma2 semaphore(%arg19 : memref<!tpu.dma_semaphore, #tpu.memory_space<semaphore_mem>>) src(%dma_wait3A_112 : memref<4096xi32, #tpu.memory_space<hbm>>) dst(%arg8 : memref<4096xi32, #tpu.memory_space<vmem>>)
    %dma_wait3A_113 = tpu.memref_slice %arg3[%add3A_83] : memref<2097152xf32, #tpu.memory_space<hbm>> -> memref<4096xf32, #tpu.memory_space<hbm>>
    %dma_wait3A_114 = tpu.memref_slice %arg3[%add3A_83] : memref<2097152xf32, #tpu.memory_space<hbm>> -> memref<4096xf32, #tpu.memory_space<hbm>>
    tpu.wait_dma2 semaphore(%arg19 : memref<!tpu.dma_semaphore, #tpu.memory_space<semaphore_mem>>) src(%dma_wait3A_114 : memref<4096xf32, #tpu.memory_space<hbm>>) dst(%arg10 : memref<4096xf32, #tpu.memory_space<vmem>>)
    %dma_wait3A_115 = tpu.memref_slice %arg4[%add3A_83] : memref<2097152xi32, #tpu.memory_space<hbm>> -> memref<4096xi32, #tpu.memory_space<hbm>>
    %dma_wait3A_116 = tpu.memref_slice %arg4[%add3A_83] : memref<2097152xi32, #tpu.memory_space<hbm>> -> memref<4096xi32, #tpu.memory_space<hbm>>
    tpu.wait_dma2 semaphore(%arg19 : memref<!tpu.dma_semaphore, #tpu.memory_space<semaphore_mem>>) src(%dma_wait3A_116 : memref<4096xi32, #tpu.memory_space<hbm>>) dst(%arg13 : memref<4096xi32, #tpu.memory_space<vmem>>)
    %parallel_loop3A_117 = arith.constant 0 : i32
    %parallel_loop3A_118 = arith.constant 4096 : i32
    %parallel_loop3A_119 = arith.constant 16 : i32
    scf.for %parallel_loop3A_358 = %parallel_loop3A_117 to %parallel_loop3A_118 step %parallel_loop3A_119  : i32 {
      %parallel_loop3A_359 = arith.index_cast %parallel_loop3A_358 : i32 to index
      %parallel_loop3A_360 = tpu.vector_load %arg8[%parallel_loop3A_359] {strides = array<i32>} : memref<4096xi32, #tpu.memory_space<vmem>>, vector<16xi32>,
      %parallel_loop3A_361 = tpu.vector_load_idx %arg7[%parallel_loop3A_360] : memref<65536xf32, #tpu.memory_space<vmem>>[vector<16xi32>], vector<16xf32>,
      %parallel_loop3A_362 = arith.index_cast %parallel_loop3A_358 : i32 to index
      %parallel_loop3A_363 = tpu.vector_load %arg10[%parallel_loop3A_362] {strides = array<i32>} : memref<4096xf32, #tpu.memory_space<vmem>>, vector<16xf32>,
      %parallel_loop3A_364 = arith.mulf %parallel_loop3A_363, %parallel_loop3A_361 : vector<16xf32>
      %parallel_loop3A_365 = arith.index_cast %parallel_loop3A_358 : i32 to index
      %parallel_loop3A_366 = tpu.vector_load %arg16[%parallel_loop3A_365] {strides = array<i32>} : memref<4096xf32, #tpu.memory_space<vmem>>, vector<16xf32>,
      tpu.vector_store %arg16[%parallel_loop3A_365], %parallel_loop3A_364 {strides = array<i32>} : memref<4096xf32, #tpu.memory_space<vmem>>, vector<16xf32>,
    } {sc.loop_unroll_factor = 8 : i64, sc.parallel_access}
    %dma_start3A_120 = arith.constant 0 : i32
    %dma_start3A_121 = tpu.memref_slice %arg18[%dma_start3A_120] : memref<131072xf32, #tpu.memory_space<vmem_shared>> -> memref<131072xf32, #tpu.memory_space<vmem_shared>>
    tpu.enqueue_indirect_dma source(%arg16 : memref<4096xf32, #tpu.memory_space<vmem>>) target(%dma_start3A_121 : memref<131072xf32, #tpu.memory_space<vmem_shared>>) offsets(%arg13 : memref<4096xi32, #tpu.memory_space<vmem>>) semaphore(%arg22 : memref<!tpu.dma_semaphore, #tpu.memory_space<semaphore_mem>>) {add = true}
    %dma_wait3A_122 = arith.constant 0 : i32
    %dma_wait3A_123 = tpu.memref_slice %arg18[%dma_wait3A_122] : memref<131072xf32, #tpu.memory_space<vmem_shared>> -> memref<131072xf32, #tpu.memory_space<vmem_shared>>
    tpu.wait_indirect_dma semaphore(%arg21 : memref<!tpu.dma_semaphore, #tpu.memory_space<semaphore_mem>>) src(%arg15 : memref<4096xf32, #tpu.memory_space<vmem>>) dst(%dma_wait3A_123 : memref<131072xf32, #tpu.memory_space<vmem_shared>>)
    %add3A_124 = arith.constant 24576 : i32
    %add3A_125 = arith.addi %mul3A_2, %add3A_124 : i32
    %dma_start3A_126 = tpu.memref_slice %arg5[%add3A_125] : memref<2097152xi32, #tpu.memory_space<hbm>> -> memref<4096xi32, #tpu.memory_space<hbm>>
    %dma_start3A_127 = tpu.memref_slice %arg5[%add3A_125] : memref<2097152xi32, #tpu.memory_space<hbm>> -> memref<4096xi32, #tpu.memory_space<hbm>>
    tpu.enqueue_dma source(%dma_start3A_127 : memref<4096xi32, #tpu.memory_space<hbm>>) target(%arg8 : memref<4096xi32, #tpu.memory_space<vmem>>) target_semaphore(%arg19 : memref<!tpu.dma_semaphore, #tpu.memory_space<semaphore_mem>>)
    %dma_start3A_128 = tpu.memref_slice %arg3[%add3A_125] : memref<2097152xf32, #tpu.memory_space<hbm>> -> memref<4096xf32, #tpu.memory_space<hbm>>
    %dma_start3A_129 = tpu.memref_slice %arg3[%add3A_125] : memref<2097152xf32, #tpu.memory_space<hbm>> -> memref<4096xf32, #tpu.memory_space<hbm>>
    tpu.enqueue_dma source(%dma_start3A_129 : memref<4096xf32, #tpu.memory_space<hbm>>) target(%arg10 : memref<4096xf32, #tpu.memory_space<vmem>>) target_semaphore(%arg19 : memref<!tpu.dma_semaphore, #tpu.memory_space<semaphore_mem>>)
    %dma_start3A_130 = tpu.memref_slice %arg4[%add3A_125] : memref<2097152xi32, #tpu.memory_space<hbm>> -> memref<4096xi32, #tpu.memory_space<hbm>>
    %dma_start3A_131 = tpu.memref_slice %arg4[%add3A_125] : memref<2097152xi32, #tpu.memory_space<hbm>> -> memref<4096xi32, #tpu.memory_space<hbm>>
    tpu.enqueue_dma source(%dma_start3A_131 : memref<4096xi32, #tpu.memory_space<hbm>>) target(%arg12 : memref<4096xi32, #tpu.memory_space<vmem>>) target_semaphore(%arg19 : memref<!tpu.dma_semaphore, #tpu.memory_space<semaphore_mem>>)
    %dma_wait3A_132 = tpu.memref_slice %arg5[%add3A_104] : memref<2097152xi32, #tpu.memory_space<hbm>> -> memref<4096xi32, #tpu.memory_space<hbm>>
    %dma_wait3A_133 = tpu.memref_slice %arg5[%add3A_104] : memref<2097152xi32, #tpu.memory_space<hbm>> -> memref<4096xi32, #tpu.memory_space<hbm>>
    tpu.wait_dma2 semaphore(%arg20 : memref<!tpu.dma_semaphore, #tpu.memory_space<semaphore_mem>>) src(%dma_wait3A_133 : memref<4096xi32, #tpu.memory_space<hbm>>) dst(%arg9 : memref<4096xi32, #tpu.memory_space<vmem>>)
    %dma_wait3A_134 = tpu.memref_slice %arg3[%add3A_104] : memref<2097152xf32, #tpu.memory_space<hbm>> -> memref<4096xf32, #tpu.memory_space<hbm>>
    %dma_wait3A_135 = tpu.memref_slice %arg3[%add3A_104] : memref<2097152xf32, #tpu.memory_space<hbm>> -> memref<4096xf32, #tpu.memory_space<hbm>>
    tpu.wait_dma2 semaphore(%arg20 : memref<!tpu.dma_semaphore, #tpu.memory_space<semaphore_mem>>) src(%dma_wait3A_135 : memref<4096xf32, #tpu.memory_space<hbm>>) dst(%arg11 : memref<4096xf32, #tpu.memory_space<vmem>>)
    %dma_wait3A_136 = tpu.memref_slice %arg4[%add3A_104] : memref<2097152xi32, #tpu.memory_space<hbm>> -> memref<4096xi32, #tpu.memory_space<hbm>>
    %dma_wait3A_137 = tpu.memref_slice %arg4[%add3A_104] : memref<2097152xi32, #tpu.memory_space<hbm>> -> memref<4096xi32, #tpu.memory_space<hbm>>
    tpu.wait_dma2 semaphore(%arg20 : memref<!tpu.dma_semaphore, #tpu.memory_space<semaphore_mem>>) src(%dma_wait3A_137 : memref<4096xi32, #tpu.memory_space<hbm>>) dst(%arg14 : memref<4096xi32, #tpu.memory_space<vmem>>)
    %parallel_loop3A_138 = arith.constant 0 : i32
    %parallel_loop3A_139 = arith.constant 4096 : i32
    %parallel_loop3A_140 = arith.constant 16 : i32
    scf.for %parallel_loop3A_358 = %parallel_loop3A_138 to %parallel_loop3A_139 step %parallel_loop3A_140  : i32 {
      %parallel_loop3A_359 = arith.index_cast %parallel_loop3A_358 : i32 to index
      %parallel_loop3A_360 = tpu.vector_load %arg9[%parallel_loop3A_359] {strides = array<i32>} : memref<4096xi32, #tpu.memory_space<vmem>>, vector<16xi32>,
      %parallel_loop3A_361 = tpu.vector_load_idx %arg7[%parallel_loop3A_360] : memref<65536xf32, #tpu.memory_space<vmem>>[vector<16xi32>], vector<16xf32>,
      %parallel_loop3A_362 = arith.index_cast %parallel_loop3A_358 : i32 to index
      %parallel_loop3A_363 = tpu.vector_load %arg11[%parallel_loop3A_362] {strides = array<i32>} : memref<4096xf32, #tpu.memory_space<vmem>>, vector<16xf32>,
      %parallel_loop3A_364 = arith.mulf %parallel_loop3A_363, %parallel_loop3A_361 : vector<16xf32>
      %parallel_loop3A_365 = arith.index_cast %parallel_loop3A_358 : i32 to index
      %parallel_loop3A_366 = tpu.vector_load %arg17[%parallel_loop3A_365] {strides = array<i32>} : memref<4096xf32, #tpu.memory_space<vmem>>, vector<16xf32>,
      tpu.vector_store %arg17[%parallel_loop3A_365], %parallel_loop3A_364 {strides = array<i32>} : memref<4096xf32, #tpu.memory_space<vmem>>, vector<16xf32>,
    } {sc.loop_unroll_factor = 8 : i64, sc.parallel_access}
    %dma_start3A_141 = arith.constant 0 : i32
    %dma_start3A_142 = tpu.memref_slice %arg18[%dma_start3A_141] : memref<131072xf32, #tpu.memory_space<vmem_shared>> -> memref<131072xf32, #tpu.memory_space<vmem_shared>>
    tpu.enqueue_indirect_dma source(%arg17 : memref<4096xf32, #tpu.memory_space<vmem>>) target(%dma_start3A_142 : memref<131072xf32, #tpu.memory_space<vmem_shared>>) offsets(%arg14 : memref<4096xi32, #tpu.memory_space<vmem>>) semaphore(%arg23 : memref<!tpu.dma_semaphore, #tpu.memory_space<semaphore_mem>>) {add = true}
    %dma_wait3A_143 = arith.constant 0 : i32
    %dma_wait3A_144 = tpu.memref_slice %arg18[%dma_wait3A_143] : memref<131072xf32, #tpu.memory_space<vmem_shared>> -> memref<131072xf32, #tpu.memory_space<vmem_shared>>
    tpu.wait_indirect_dma semaphore(%arg22 : memref<!tpu.dma_semaphore, #tpu.memory_space<semaphore_mem>>) src(%arg16 : memref<4096xf32, #tpu.memory_space<vmem>>) dst(%dma_wait3A_144 : memref<131072xf32, #tpu.memory_space<vmem_shared>>)
    %add3A_145 = arith.constant 28672 : i32
    %add3A_146 = arith.addi %mul3A_2, %add3A_145 : i32
    %dma_start3A_147 = tpu.memref_slice %arg5[%add3A_146] : memref<2097152xi32, #tpu.memory_space<hbm>> -> memref<4096xi32, #tpu.memory_space<hbm>>
    %dma_start3A_148 = tpu.memref_slice %arg5[%add3A_146] : memref<2097152xi32, #tpu.memory_space<hbm>> -> memref<4096xi32, #tpu.memory_space<hbm>>
    tpu.enqueue_dma source(%dma_start3A_148 : memref<4096xi32, #tpu.memory_space<hbm>>) target(%arg9 : memref<4096xi32, #tpu.memory_space<vmem>>) target_semaphore(%arg20 : memref<!tpu.dma_semaphore, #tpu.memory_space<semaphore_mem>>)
    %dma_start3A_149 = tpu.memref_slice %arg3[%add3A_146] : memref<2097152xf32, #tpu.memory_space<hbm>> -> memref<4096xf32, #tpu.memory_space<hbm>>
    %dma_start3A_150 = tpu.memref_slice %arg3[%add3A_146] : memref<2097152xf32, #tpu.memory_space<hbm>> -> memref<4096xf32, #tpu.memory_space<hbm>>
    tpu.enqueue_dma source(%dma_start3A_150 : memref<4096xf32, #tpu.memory_space<hbm>>) target(%arg11 : memref<4096xf32, #tpu.memory_space<vmem>>) target_semaphore(%arg20 : memref<!tpu.dma_semaphore, #tpu.memory_space<semaphore_mem>>)
    %dma_start3A_151 = tpu.memref_slice %arg4[%add3A_146] : memref<2097152xi32, #tpu.memory_space<hbm>> -> memref<4096xi32, #tpu.memory_space<hbm>>
    %dma_start3A_152 = tpu.memref_slice %arg4[%add3A_146] : memref<2097152xi32, #tpu.memory_space<hbm>> -> memref<4096xi32, #tpu.memory_space<hbm>>
    tpu.enqueue_dma source(%dma_start3A_152 : memref<4096xi32, #tpu.memory_space<hbm>>) target(%arg13 : memref<4096xi32, #tpu.memory_space<vmem>>) target_semaphore(%arg20 : memref<!tpu.dma_semaphore, #tpu.memory_space<semaphore_mem>>)
    %dma_wait3A_153 = tpu.memref_slice %arg5[%add3A_125] : memref<2097152xi32, #tpu.memory_space<hbm>> -> memref<4096xi32, #tpu.memory_space<hbm>>
    %dma_wait3A_154 = tpu.memref_slice %arg5[%add3A_125] : memref<2097152xi32, #tpu.memory_space<hbm>> -> memref<4096xi32, #tpu.memory_space<hbm>>
    tpu.wait_dma2 semaphore(%arg19 : memref<!tpu.dma_semaphore, #tpu.memory_space<semaphore_mem>>) src(%dma_wait3A_154 : memref<4096xi32, #tpu.memory_space<hbm>>) dst(%arg8 : memref<4096xi32, #tpu.memory_space<vmem>>)
    %dma_wait3A_155 = tpu.memref_slice %arg3[%add3A_125] : memref<2097152xf32, #tpu.memory_space<hbm>> -> memref<4096xf32, #tpu.memory_space<hbm>>
    %dma_wait3A_156 = tpu.memref_slice %arg3[%add3A_125] : memref<2097152xf32, #tpu.memory_space<hbm>> -> memref<4096xf32, #tpu.memory_space<hbm>>
    tpu.wait_dma2 semaphore(%arg19 : memref<!tpu.dma_semaphore, #tpu.memory_space<semaphore_mem>>) src(%dma_wait3A_156 : memref<4096xf32, #tpu.memory_space<hbm>>) dst(%arg10 : memref<4096xf32, #tpu.memory_space<vmem>>)
    %dma_wait3A_157 = tpu.memref_slice %arg4[%add3A_125] : memref<2097152xi32, #tpu.memory_space<hbm>> -> memref<4096xi32, #tpu.memory_space<hbm>>
    %dma_wait3A_158 = tpu.memref_slice %arg4[%add3A_125] : memref<2097152xi32, #tpu.memory_space<hbm>> -> memref<4096xi32, #tpu.memory_space<hbm>>
    tpu.wait_dma2 semaphore(%arg19 : memref<!tpu.dma_semaphore, #tpu.memory_space<semaphore_mem>>) src(%dma_wait3A_158 : memref<4096xi32, #tpu.memory_space<hbm>>) dst(%arg12 : memref<4096xi32, #tpu.memory_space<vmem>>)
    %parallel_loop3A_159 = arith.constant 0 : i32
    %parallel_loop3A_160 = arith.constant 4096 : i32
    %parallel_loop3A_161 = arith.constant 16 : i32
    scf.for %parallel_loop3A_358 = %parallel_loop3A_159 to %parallel_loop3A_160 step %parallel_loop3A_161  : i32 {
      %parallel_loop3A_359 = arith.index_cast %parallel_loop3A_358 : i32 to index
      %parallel_loop3A_360 = tpu.vector_load %arg8[%parallel_loop3A_359] {strides = array<i32>} : memref<4096xi32, #tpu.memory_space<vmem>>, vector<16xi32>,
      %parallel_loop3A_361 = tpu.vector_load_idx %arg7[%parallel_loop3A_360] : memref<65536xf32, #tpu.memory_space<vmem>>[vector<16xi32>], vector<16xf32>,
      %parallel_loop3A_362 = arith.index_cast %parallel_loop3A_358 : i32 to index
      %parallel_loop3A_363 = tpu.vector_load %arg10[%parallel_loop3A_362] {strides = array<i32>} : memref<4096xf32, #tpu.memory_space<vmem>>, vector<16xf32>,
      %parallel_loop3A_364 = arith.mulf %parallel_loop3A_363, %parallel_loop3A_361 : vector<16xf32>
      %parallel_loop3A_365 = arith.index_cast %parallel_loop3A_358 : i32 to index
      %parallel_loop3A_366 = tpu.vector_load %arg15[%parallel_loop3A_365] {strides = array<i32>} : memref<4096xf32, #tpu.memory_space<vmem>>, vector<16xf32>,
      tpu.vector_store %arg15[%parallel_loop3A_365], %parallel_loop3A_364 {strides = array<i32>} : memref<4096xf32, #tpu.memory_space<vmem>>, vector<16xf32>,
    } {sc.loop_unroll_factor = 8 : i64, sc.parallel_access}
    %dma_start3A_162 = arith.constant 0 : i32
    %dma_start3A_163 = tpu.memref_slice %arg18[%dma_start3A_162] : memref<131072xf32, #tpu.memory_space<vmem_shared>> -> memref<131072xf32, #tpu.memory_space<vmem_shared>>
    tpu.enqueue_indirect_dma source(%arg15 : memref<4096xf32, #tpu.memory_space<vmem>>) target(%dma_start3A_163 : memref<131072xf32, #tpu.memory_space<vmem_shared>>) offsets(%arg12 : memref<4096xi32, #tpu.memory_space<vmem>>) semaphore(%arg21 : memref<!tpu.dma_semaphore, #tpu.memory_space<semaphore_mem>>) {add = true}
    %dma_wait3A_164 = arith.constant 0 : i32
    %dma_wait3A_165 = tpu.memref_slice %arg18[%dma_wait3A_164] : memref<131072xf32, #tpu.memory_space<vmem_shared>> -> memref<131072xf32, #tpu.memory_space<vmem_shared>>
    tpu.wait_indirect_dma semaphore(%arg23 : memref<!tpu.dma_semaphore, #tpu.memory_space<semaphore_mem>>) src(%arg17 : memref<4096xf32, #tpu.memory_space<vmem>>) dst(%dma_wait3A_165 : memref<131072xf32, #tpu.memory_space<vmem_shared>>)
    %add3A_166 = arith.constant 32768 : i32
    %add3A_167 = arith.addi %mul3A_2, %add3A_166 : i32
    %dma_start3A_168 = tpu.memref_slice %arg5[%add3A_167] : memref<2097152xi32, #tpu.memory_space<hbm>> -> memref<4096xi32, #tpu.memory_space<hbm>>
    %dma_start3A_169 = tpu.memref_slice %arg5[%add3A_167] : memref<2097152xi32, #tpu.memory_space<hbm>> -> memref<4096xi32, #tpu.memory_space<hbm>>
    tpu.enqueue_dma source(%dma_start3A_169 : memref<4096xi32, #tpu.memory_space<hbm>>) target(%arg8 : memref<4096xi32, #tpu.memory_space<vmem>>) target_semaphore(%arg19 : memref<!tpu.dma_semaphore, #tpu.memory_space<semaphore_mem>>)
    %dma_start3A_170 = tpu.memref_slice %arg3[%add3A_167] : memref<2097152xf32, #tpu.memory_space<hbm>> -> memref<4096xf32, #tpu.memory_space<hbm>>
    %dma_start3A_171 = tpu.memref_slice %arg3[%add3A_167] : memref<2097152xf32, #tpu.memory_space<hbm>> -> memref<4096xf32, #tpu.memory_space<hbm>>
    tpu.enqueue_dma source(%dma_start3A_171 : memref<4096xf32, #tpu.memory_space<hbm>>) target(%arg10 : memref<4096xf32, #tpu.memory_space<vmem>>) target_semaphore(%arg19 : memref<!tpu.dma_semaphore, #tpu.memory_space<semaphore_mem>>)
    %dma_start3A_172 = tpu.memref_slice %arg4[%add3A_167] : memref<2097152xi32, #tpu.memory_space<hbm>> -> memref<4096xi32, #tpu.memory_space<hbm>>
    %dma_start3A_173 = tpu.memref_slice %arg4[%add3A_167] : memref<2097152xi32, #tpu.memory_space<hbm>> -> memref<4096xi32, #tpu.memory_space<hbm>>
    tpu.enqueue_dma source(%dma_start3A_173 : memref<4096xi32, #tpu.memory_space<hbm>>) target(%arg14 : memref<4096xi32, #tpu.memory_space<vmem>>) target_semaphore(%arg19 : memref<!tpu.dma_semaphore, #tpu.memory_space<semaphore_mem>>)
    %dma_wait3A_174 = tpu.memref_slice %arg5[%add3A_146] : memref<2097152xi32, #tpu.memory_space<hbm>> -> memref<4096xi32, #tpu.memory_space<hbm>>
    %dma_wait3A_175 = tpu.memref_slice %arg5[%add3A_146] : memref<2097152xi32, #tpu.memory_space<hbm>> -> memref<4096xi32, #tpu.memory_space<hbm>>
    tpu.wait_dma2 semaphore(%arg20 : memref<!tpu.dma_semaphore, #tpu.memory_space<semaphore_mem>>) src(%dma_wait3A_175 : memref<4096xi32, #tpu.memory_space<hbm>>) dst(%arg9 : memref<4096xi32, #tpu.memory_space<vmem>>)
    %dma_wait3A_176 = tpu.memref_slice %arg3[%add3A_146] : memref<2097152xf32, #tpu.memory_space<hbm>> -> memref<4096xf32, #tpu.memory_space<hbm>>
    %dma_wait3A_177 = tpu.memref_slice %arg3[%add3A_146] : memref<2097152xf32, #tpu.memory_space<hbm>> -> memref<4096xf32, #tpu.memory_space<hbm>>
    tpu.wait_dma2 semaphore(%arg20 : memref<!tpu.dma_semaphore, #tpu.memory_space<semaphore_mem>>) src(%dma_wait3A_177 : memref<4096xf32, #tpu.memory_space<hbm>>) dst(%arg11 : memref<4096xf32, #tpu.memory_space<vmem>>)
    %dma_wait3A_178 = tpu.memref_slice %arg4[%add3A_146] : memref<2097152xi32, #tpu.memory_space<hbm>> -> memref<4096xi32, #tpu.memory_space<hbm>>
    %dma_wait3A_179 = tpu.memref_slice %arg4[%add3A_146] : memref<2097152xi32, #tpu.memory_space<hbm>> -> memref<4096xi32, #tpu.memory_space<hbm>>
    tpu.wait_dma2 semaphore(%arg20 : memref<!tpu.dma_semaphore, #tpu.memory_space<semaphore_mem>>) src(%dma_wait3A_179 : memref<4096xi32, #tpu.memory_space<hbm>>) dst(%arg13 : memref<4096xi32, #tpu.memory_space<vmem>>)
    %parallel_loop3A_180 = arith.constant 0 : i32
    %parallel_loop3A_181 = arith.constant 4096 : i32
    %parallel_loop3A_182 = arith.constant 16 : i32
    scf.for %parallel_loop3A_358 = %parallel_loop3A_180 to %parallel_loop3A_181 step %parallel_loop3A_182  : i32 {
      %parallel_loop3A_359 = arith.index_cast %parallel_loop3A_358 : i32 to index
      %parallel_loop3A_360 = tpu.vector_load %arg9[%parallel_loop3A_359] {strides = array<i32>} : memref<4096xi32, #tpu.memory_space<vmem>>, vector<16xi32>,
      %parallel_loop3A_361 = tpu.vector_load_idx %arg7[%parallel_loop3A_360] : memref<65536xf32, #tpu.memory_space<vmem>>[vector<16xi32>], vector<16xf32>,
      %parallel_loop3A_362 = arith.index_cast %parallel_loop3A_358 : i32 to index
      %parallel_loop3A_363 = tpu.vector_load %arg11[%parallel_loop3A_362] {strides = array<i32>} : memref<4096xf32, #tpu.memory_space<vmem>>, vector<16xf32>,
      %parallel_loop3A_364 = arith.mulf %parallel_loop3A_363, %parallel_loop3A_361 : vector<16xf32>
      %parallel_loop3A_365 = arith.index_cast %parallel_loop3A_358 : i32 to index
      %parallel_loop3A_366 = tpu.vector_load %arg16[%parallel_loop3A_365] {strides = array<i32>} : memref<4096xf32, #tpu.memory_space<vmem>>, vector<16xf32>,
      tpu.vector_store %arg16[%parallel_loop3A_365], %parallel_loop3A_364 {strides = array<i32>} : memref<4096xf32, #tpu.memory_space<vmem>>, vector<16xf32>,
    } {sc.loop_unroll_factor = 8 : i64, sc.parallel_access}
    %dma_start3A_183 = arith.constant 0 : i32
    %dma_start3A_184 = tpu.memref_slice %arg18[%dma_start3A_183] : memref<131072xf32, #tpu.memory_space<vmem_shared>> -> memref<131072xf32, #tpu.memory_space<vmem_shared>>
    tpu.enqueue_indirect_dma source(%arg16 : memref<4096xf32, #tpu.memory_space<vmem>>) target(%dma_start3A_184 : memref<131072xf32, #tpu.memory_space<vmem_shared>>) offsets(%arg13 : memref<4096xi32, #tpu.memory_space<vmem>>) semaphore(%arg22 : memref<!tpu.dma_semaphore, #tpu.memory_space<semaphore_mem>>) {add = true}
    %dma_wait3A_185 = arith.constant 0 : i32
    %dma_wait3A_186 = tpu.memref_slice %arg18[%dma_wait3A_185] : memref<131072xf32, #tpu.memory_space<vmem_shared>> -> memref<131072xf32, #tpu.memory_space<vmem_shared>>
    tpu.wait_indirect_dma semaphore(%arg21 : memref<!tpu.dma_semaphore, #tpu.memory_space<semaphore_mem>>) src(%arg15 : memref<4096xf32, #tpu.memory_space<vmem>>) dst(%dma_wait3A_186 : memref<131072xf32, #tpu.memory_space<vmem_shared>>)
    %add3A_187 = arith.constant 36864 : i32
    %add3A_188 = arith.addi %mul3A_2, %add3A_187 : i32
    %dma_start3A_189 = tpu.memref_slice %arg5[%add3A_188] : memref<2097152xi32, #tpu.memory_space<hbm>> -> memref<4096xi32, #tpu.memory_space<hbm>>
    %dma_start3A_190 = tpu.memref_slice %arg5[%add3A_188] : memref<2097152xi32, #tpu.memory_space<hbm>> -> memref<4096xi32, #tpu.memory_space<hbm>>
    tpu.enqueue_dma source(%dma_start3A_190 : memref<4096xi32, #tpu.memory_space<hbm>>) target(%arg9 : memref<4096xi32, #tpu.memory_space<vmem>>) target_semaphore(%arg20 : memref<!tpu.dma_semaphore, #tpu.memory_space<semaphore_mem>>)
    %dma_start3A_191 = tpu.memref_slice %arg3[%add3A_188] : memref<2097152xf32, #tpu.memory_space<hbm>> -> memref<4096xf32, #tpu.memory_space<hbm>>
    %dma_start3A_192 = tpu.memref_slice %arg3[%add3A_188] : memref<2097152xf32, #tpu.memory_space<hbm>> -> memref<4096xf32, #tpu.memory_space<hbm>>
    tpu.enqueue_dma source(%dma_start3A_192 : memref<4096xf32, #tpu.memory_space<hbm>>) target(%arg11 : memref<4096xf32, #tpu.memory_space<vmem>>) target_semaphore(%arg20 : memref<!tpu.dma_semaphore, #tpu.memory_space<semaphore_mem>>)
    %dma_start3A_193 = tpu.memref_slice %arg4[%add3A_188] : memref<2097152xi32, #tpu.memory_space<hbm>> -> memref<4096xi32, #tpu.memory_space<hbm>>
    %dma_start3A_194 = tpu.memref_slice %arg4[%add3A_188] : memref<2097152xi32, #tpu.memory_space<hbm>> -> memref<4096xi32, #tpu.memory_space<hbm>>
    tpu.enqueue_dma source(%dma_start3A_194 : memref<4096xi32, #tpu.memory_space<hbm>>) target(%arg12 : memref<4096xi32, #tpu.memory_space<vmem>>) target_semaphore(%arg20 : memref<!tpu.dma_semaphore, #tpu.memory_space<semaphore_mem>>)
    %dma_wait3A_195 = tpu.memref_slice %arg5[%add3A_167] : memref<2097152xi32, #tpu.memory_space<hbm>> -> memref<4096xi32, #tpu.memory_space<hbm>>
    %dma_wait3A_196 = tpu.memref_slice %arg5[%add3A_167] : memref<2097152xi32, #tpu.memory_space<hbm>> -> memref<4096xi32, #tpu.memory_space<hbm>>
    tpu.wait_dma2 semaphore(%arg19 : memref<!tpu.dma_semaphore, #tpu.memory_space<semaphore_mem>>) src(%dma_wait3A_196 : memref<4096xi32, #tpu.memory_space<hbm>>) dst(%arg8 : memref<4096xi32, #tpu.memory_space<vmem>>)
    %dma_wait3A_197 = tpu.memref_slice %arg3[%add3A_167] : memref<2097152xf32, #tpu.memory_space<hbm>> -> memref<4096xf32, #tpu.memory_space<hbm>>
    %dma_wait3A_198 = tpu.memref_slice %arg3[%add3A_167] : memref<2097152xf32, #tpu.memory_space<hbm>> -> memref<4096xf32, #tpu.memory_space<hbm>>
    tpu.wait_dma2 semaphore(%arg19 : memref<!tpu.dma_semaphore, #tpu.memory_space<semaphore_mem>>) src(%dma_wait3A_198 : memref<4096xf32, #tpu.memory_space<hbm>>) dst(%arg10 : memref<4096xf32, #tpu.memory_space<vmem>>)
    %dma_wait3A_199 = tpu.memref_slice %arg4[%add3A_167] : memref<2097152xi32, #tpu.memory_space<hbm>> -> memref<4096xi32, #tpu.memory_space<hbm>>
    %dma_wait3A_200 = tpu.memref_slice %arg4[%add3A_167] : memref<2097152xi32, #tpu.memory_space<hbm>> -> memref<4096xi32, #tpu.memory_space<hbm>>
    tpu.wait_dma2 semaphore(%arg19 : memref<!tpu.dma_semaphore, #tpu.memory_space<semaphore_mem>>) src(%dma_wait3A_200 : memref<4096xi32, #tpu.memory_space<hbm>>) dst(%arg14 : memref<4096xi32, #tpu.memory_space<vmem>>)
    %parallel_loop3A_201 = arith.constant 0 : i32
    %parallel_loop3A_202 = arith.constant 4096 : i32
    %parallel_loop3A_203 = arith.constant 16 : i32
    scf.for %parallel_loop3A_358 = %parallel_loop3A_201 to %parallel_loop3A_202 step %parallel_loop3A_203  : i32 {
      %parallel_loop3A_359 = arith.index_cast %parallel_loop3A_358 : i32 to index
      %parallel_loop3A_360 = tpu.vector_load %arg8[%parallel_loop3A_359] {strides = array<i32>} : memref<4096xi32, #tpu.memory_space<vmem>>, vector<16xi32>,
      %parallel_loop3A_361 = tpu.vector_load_idx %arg7[%parallel_loop3A_360] : memref<65536xf32, #tpu.memory_space<vmem>>[vector<16xi32>], vector<16xf32>,
      %parallel_loop3A_362 = arith.index_cast %parallel_loop3A_358 : i32 to index
      %parallel_loop3A_363 = tpu.vector_load %arg10[%parallel_loop3A_362] {strides = array<i32>} : memref<4096xf32, #tpu.memory_space<vmem>>, vector<16xf32>,
      %parallel_loop3A_364 = arith.mulf %parallel_loop3A_363, %parallel_loop3A_361 : vector<16xf32>
      %parallel_loop3A_365 = arith.index_cast %parallel_loop3A_358 : i32 to index
      %parallel_loop3A_366 = tpu.vector_load %arg17[%parallel_loop3A_365] {strides = array<i32>} : memref<4096xf32, #tpu.memory_space<vmem>>, vector<16xf32>,
      tpu.vector_store %arg17[%parallel_loop3A_365], %parallel_loop3A_364 {strides = array<i32>} : memref<4096xf32, #tpu.memory_space<vmem>>, vector<16xf32>,
    } {sc.loop_unroll_factor = 8 : i64, sc.parallel_access}
    %dma_start3A_204 = arith.constant 0 : i32
    %dma_start3A_205 = tpu.memref_slice %arg18[%dma_start3A_204] : memref<131072xf32, #tpu.memory_space<vmem_shared>> -> memref<131072xf32, #tpu.memory_space<vmem_shared>>
    tpu.enqueue_indirect_dma source(%arg17 : memref<4096xf32, #tpu.memory_space<vmem>>) target(%dma_start3A_205 : memref<131072xf32, #tpu.memory_space<vmem_shared>>) offsets(%arg14 : memref<4096xi32, #tpu.memory_space<vmem>>) semaphore(%arg23 : memref<!tpu.dma_semaphore, #tpu.memory_space<semaphore_mem>>) {add = true}
    %dma_wait3A_206 = arith.constant 0 : i32
    %dma_wait3A_207 = tpu.memref_slice %arg18[%dma_wait3A_206] : memref<131072xf32, #tpu.memory_space<vmem_shared>> -> memref<131072xf32, #tpu.memory_space<vmem_shared>>
    tpu.wait_indirect_dma semaphore(%arg22 : memref<!tpu.dma_semaphore, #tpu.memory_space<semaphore_mem>>) src(%arg16 : memref<4096xf32, #tpu.memory_space<vmem>>) dst(%dma_wait3A_207 : memref<131072xf32, #tpu.memory_space<vmem_shared>>)
    %add3A_208 = arith.constant 40960 : i32
    %add3A_209 = arith.addi %mul3A_2, %add3A_208 : i32
    %dma_start3A_210 = tpu.memref_slice %arg5[%add3A_209] : memref<2097152xi32, #tpu.memory_space<hbm>> -> memref<4096xi32, #tpu.memory_space<hbm>>
    %dma_start3A_211 = tpu.memref_slice %arg5[%add3A_209] : memref<2097152xi32, #tpu.memory_space<hbm>> -> memref<4096xi32, #tpu.memory_space<hbm>>
    tpu.enqueue_dma source(%dma_start3A_211 : memref<4096xi32, #tpu.memory_space<hbm>>) target(%arg8 : memref<4096xi32, #tpu.memory_space<vmem>>) target_semaphore(%arg19 : memref<!tpu.dma_semaphore, #tpu.memory_space<semaphore_mem>>)
    %dma_start3A_212 = tpu.memref_slice %arg3[%add3A_209] : memref<2097152xf32, #tpu.memory_space<hbm>> -> memref<4096xf32, #tpu.memory_space<hbm>>
    %dma_start3A_213 = tpu.memref_slice %arg3[%add3A_209] : memref<2097152xf32, #tpu.memory_space<hbm>> -> memref<4096xf32, #tpu.memory_space<hbm>>
    tpu.enqueue_dma source(%dma_start3A_213 : memref<4096xf32, #tpu.memory_space<hbm>>) target(%arg10 : memref<4096xf32, #tpu.memory_space<vmem>>) target_semaphore(%arg19 : memref<!tpu.dma_semaphore, #tpu.memory_space<semaphore_mem>>)
    %dma_start3A_214 = tpu.memref_slice %arg4[%add3A_209] : memref<2097152xi32, #tpu.memory_space<hbm>> -> memref<4096xi32, #tpu.memory_space<hbm>>
    %dma_start3A_215 = tpu.memref_slice %arg4[%add3A_209] : memref<2097152xi32, #tpu.memory_space<hbm>> -> memref<4096xi32, #tpu.memory_space<hbm>>
    tpu.enqueue_dma source(%dma_start3A_215 : memref<4096xi32, #tpu.memory_space<hbm>>) target(%arg13 : memref<4096xi32, #tpu.memory_space<vmem>>) target_semaphore(%arg19 : memref<!tpu.dma_semaphore, #tpu.memory_space<semaphore_mem>>)
    %dma_wait3A_216 = tpu.memref_slice %arg5[%add3A_188] : memref<2097152xi32, #tpu.memory_space<hbm>> -> memref<4096xi32, #tpu.memory_space<hbm>>
    %dma_wait3A_217 = tpu.memref_slice %arg5[%add3A_188] : memref<2097152xi32, #tpu.memory_space<hbm>> -> memref<4096xi32, #tpu.memory_space<hbm>>
    tpu.wait_dma2 semaphore(%arg20 : memref<!tpu.dma_semaphore, #tpu.memory_space<semaphore_mem>>) src(%dma_wait3A_217 : memref<4096xi32, #tpu.memory_space<hbm>>) dst(%arg9 : memref<4096xi32, #tpu.memory_space<vmem>>)
    %dma_wait3A_218 = tpu.memref_slice %arg3[%add3A_188] : memref<2097152xf32, #tpu.memory_space<hbm>> -> memref<4096xf32, #tpu.memory_space<hbm>>
    %dma_wait3A_219 = tpu.memref_slice %arg3[%add3A_188] : memref<2097152xf32, #tpu.memory_space<hbm>> -> memref<4096xf32, #tpu.memory_space<hbm>>
    tpu.wait_dma2 semaphore(%arg20 : memref<!tpu.dma_semaphore, #tpu.memory_space<semaphore_mem>>) src(%dma_wait3A_219 : memref<4096xf32, #tpu.memory_space<hbm>>) dst(%arg11 : memref<4096xf32, #tpu.memory_space<vmem>>)
    %dma_wait3A_220 = tpu.memref_slice %arg4[%add3A_188] : memref<2097152xi32, #tpu.memory_space<hbm>> -> memref<4096xi32, #tpu.memory_space<hbm>>
    %dma_wait3A_221 = tpu.memref_slice %arg4[%add3A_188] : memref<2097152xi32, #tpu.memory_space<hbm>> -> memref<4096xi32, #tpu.memory_space<hbm>>
    tpu.wait_dma2 semaphore(%arg20 : memref<!tpu.dma_semaphore, #tpu.memory_space<semaphore_mem>>) src(%dma_wait3A_221 : memref<4096xi32, #tpu.memory_space<hbm>>) dst(%arg12 : memref<4096xi32, #tpu.memory_space<vmem>>)
    %parallel_loop3A_222 = arith.constant 0 : i32
    %parallel_loop3A_223 = arith.constant 4096 : i32
    %parallel_loop3A_224 = arith.constant 16 : i32
    scf.for %parallel_loop3A_358 = %parallel_loop3A_222 to %parallel_loop3A_223 step %parallel_loop3A_224  : i32 {
      %parallel_loop3A_359 = arith.index_cast %parallel_loop3A_358 : i32 to index
      %parallel_loop3A_360 = tpu.vector_load %arg9[%parallel_loop3A_359] {strides = array<i32>} : memref<4096xi32, #tpu.memory_space<vmem>>, vector<16xi32>,
      %parallel_loop3A_361 = tpu.vector_load_idx %arg7[%parallel_loop3A_360] : memref<65536xf32, #tpu.memory_space<vmem>>[vector<16xi32>], vector<16xf32>,
      %parallel_loop3A_362 = arith.index_cast %parallel_loop3A_358 : i32 to index
      %parallel_loop3A_363 = tpu.vector_load %arg11[%parallel_loop3A_362] {strides = array<i32>} : memref<4096xf32, #tpu.memory_space<vmem>>, vector<16xf32>,
      %parallel_loop3A_364 = arith.mulf %parallel_loop3A_363, %parallel_loop3A_361 : vector<16xf32>
      %parallel_loop3A_365 = arith.index_cast %parallel_loop3A_358 : i32 to index
      %parallel_loop3A_366 = tpu.vector_load %arg15[%parallel_loop3A_365] {strides = array<i32>} : memref<4096xf32, #tpu.memory_space<vmem>>, vector<16xf32>,
      tpu.vector_store %arg15[%parallel_loop3A_365], %parallel_loop3A_364 {strides = array<i32>} : memref<4096xf32, #tpu.memory_space<vmem>>, vector<16xf32>,
    } {sc.loop_unroll_factor = 8 : i64, sc.parallel_access}
    %dma_start3A_225 = arith.constant 0 : i32
    %dma_start3A_226 = tpu.memref_slice %arg18[%dma_start3A_225] : memref<131072xf32, #tpu.memory_space<vmem_shared>> -> memref<131072xf32, #tpu.memory_space<vmem_shared>>
    tpu.enqueue_indirect_dma source(%arg15 : memref<4096xf32, #tpu.memory_space<vmem>>) target(%dma_start3A_226 : memref<131072xf32, #tpu.memory_space<vmem_shared>>) offsets(%arg12 : memref<4096xi32, #tpu.memory_space<vmem>>) semaphore(%arg21 : memref<!tpu.dma_semaphore, #tpu.memory_space<semaphore_mem>>) {add = true}
    %dma_wait3A_227 = arith.constant 0 : i32
    %dma_wait3A_228 = tpu.memref_slice %arg18[%dma_wait3A_227] : memref<131072xf32, #tpu.memory_space<vmem_shared>> -> memref<131072xf32, #tpu.memory_space<vmem_shared>>
    tpu.wait_indirect_dma semaphore(%arg23 : memref<!tpu.dma_semaphore, #tpu.memory_space<semaphore_mem>>) src(%arg17 : memref<4096xf32, #tpu.memory_space<vmem>>) dst(%dma_wait3A_228 : memref<131072xf32, #tpu.memory_space<vmem_shared>>)
    %add3A_229 = arith.constant 45056 : i32
    %add3A_230 = arith.addi %mul3A_2, %add3A_229 : i32
    %dma_start3A_231 = tpu.memref_slice %arg5[%add3A_230] : memref<2097152xi32, #tpu.memory_space<hbm>> -> memref<4096xi32, #tpu.memory_space<hbm>>
    %dma_start3A_232 = tpu.memref_slice %arg5[%add3A_230] : memref<2097152xi32, #tpu.memory_space<hbm>> -> memref<4096xi32, #tpu.memory_space<hbm>>
    tpu.enqueue_dma source(%dma_start3A_232 : memref<4096xi32, #tpu.memory_space<hbm>>) target(%arg9 : memref<4096xi32, #tpu.memory_space<vmem>>) target_semaphore(%arg20 : memref<!tpu.dma_semaphore, #tpu.memory_space<semaphore_mem>>)
    %dma_start3A_233 = tpu.memref_slice %arg3[%add3A_230] : memref<2097152xf32, #tpu.memory_space<hbm>> -> memref<4096xf32, #tpu.memory_space<hbm>>
    %dma_start3A_234 = tpu.memref_slice %arg3[%add3A_230] : memref<2097152xf32, #tpu.memory_space<hbm>> -> memref<4096xf32, #tpu.memory_space<hbm>>
    tpu.enqueue_dma source(%dma_start3A_234 : memref<4096xf32, #tpu.memory_space<hbm>>) target(%arg11 : memref<4096xf32, #tpu.memory_space<vmem>>) target_semaphore(%arg20 : memref<!tpu.dma_semaphore, #tpu.memory_space<semaphore_mem>>)
    %dma_start3A_235 = tpu.memref_slice %arg4[%add3A_230] : memref<2097152xi32, #tpu.memory_space<hbm>> -> memref<4096xi32, #tpu.memory_space<hbm>>
    %dma_start3A_236 = tpu.memref_slice %arg4[%add3A_230] : memref<2097152xi32, #tpu.memory_space<hbm>> -> memref<4096xi32, #tpu.memory_space<hbm>>
    tpu.enqueue_dma source(%dma_start3A_236 : memref<4096xi32, #tpu.memory_space<hbm>>) target(%arg14 : memref<4096xi32, #tpu.memory_space<vmem>>) target_semaphore(%arg20 : memref<!tpu.dma_semaphore, #tpu.memory_space<semaphore_mem>>)
    %dma_wait3A_237 = tpu.memref_slice %arg5[%add3A_209] : memref<2097152xi32, #tpu.memory_space<hbm>> -> memref<4096xi32, #tpu.memory_space<hbm>>
    %dma_wait3A_238 = tpu.memref_slice %arg5[%add3A_209] : memref<2097152xi32, #tpu.memory_space<hbm>> -> memref<4096xi32, #tpu.memory_space<hbm>>
    tpu.wait_dma2 semaphore(%arg19 : memref<!tpu.dma_semaphore, #tpu.memory_space<semaphore_mem>>) src(%dma_wait3A_238 : memref<4096xi32, #tpu.memory_space<hbm>>) dst(%arg8 : memref<4096xi32, #tpu.memory_space<vmem>>)
    %dma_wait3A_239 = tpu.memref_slice %arg3[%add3A_209] : memref<2097152xf32, #tpu.memory_space<hbm>> -> memref<4096xf32, #tpu.memory_space<hbm>>
    %dma_wait3A_240 = tpu.memref_slice %arg3[%add3A_209] : memref<2097152xf32, #tpu.memory_space<hbm>> -> memref<4096xf32, #tpu.memory_space<hbm>>
    tpu.wait_dma2 semaphore(%arg19 : memref<!tpu.dma_semaphore, #tpu.memory_space<semaphore_mem>>) src(%dma_wait3A_240 : memref<4096xf32, #tpu.memory_space<hbm>>) dst(%arg10 : memref<4096xf32, #tpu.memory_space<vmem>>)
    %dma_wait3A_241 = tpu.memref_slice %arg4[%add3A_209] : memref<2097152xi32, #tpu.memory_space<hbm>> -> memref<4096xi32, #tpu.memory_space<hbm>>
    %dma_wait3A_242 = tpu.memref_slice %arg4[%add3A_209] : memref<2097152xi32, #tpu.memory_space<hbm>> -> memref<4096xi32, #tpu.memory_space<hbm>>
    tpu.wait_dma2 semaphore(%arg19 : memref<!tpu.dma_semaphore, #tpu.memory_space<semaphore_mem>>) src(%dma_wait3A_242 : memref<4096xi32, #tpu.memory_space<hbm>>) dst(%arg13 : memref<4096xi32, #tpu.memory_space<vmem>>)
    %parallel_loop3A_243 = arith.constant 0 : i32
    %parallel_loop3A_244 = arith.constant 4096 : i32
    %parallel_loop3A_245 = arith.constant 16 : i32
    scf.for %parallel_loop3A_358 = %parallel_loop3A_243 to %parallel_loop3A_244 step %parallel_loop3A_245  : i32 {
      %parallel_loop3A_359 = arith.index_cast %parallel_loop3A_358 : i32 to index
      %parallel_loop3A_360 = tpu.vector_load %arg8[%parallel_loop3A_359] {strides = array<i32>} : memref<4096xi32, #tpu.memory_space<vmem>>, vector<16xi32>,
      %parallel_loop3A_361 = tpu.vector_load_idx %arg7[%parallel_loop3A_360] : memref<65536xf32, #tpu.memory_space<vmem>>[vector<16xi32>], vector<16xf32>,
      %parallel_loop3A_362 = arith.index_cast %parallel_loop3A_358 : i32 to index
      %parallel_loop3A_363 = tpu.vector_load %arg10[%parallel_loop3A_362] {strides = array<i32>} : memref<4096xf32, #tpu.memory_space<vmem>>, vector<16xf32>,
      %parallel_loop3A_364 = arith.mulf %parallel_loop3A_363, %parallel_loop3A_361 : vector<16xf32>
      %parallel_loop3A_365 = arith.index_cast %parallel_loop3A_358 : i32 to index
      %parallel_loop3A_366 = tpu.vector_load %arg16[%parallel_loop3A_365] {strides = array<i32>} : memref<4096xf32, #tpu.memory_space<vmem>>, vector<16xf32>,
      tpu.vector_store %arg16[%parallel_loop3A_365], %parallel_loop3A_364 {strides = array<i32>} : memref<4096xf32, #tpu.memory_space<vmem>>, vector<16xf32>,
    } {sc.loop_unroll_factor = 8 : i64, sc.parallel_access}
    %dma_start3A_246 = arith.constant 0 : i32
    %dma_start3A_247 = tpu.memref_slice %arg18[%dma_start3A_246] : memref<131072xf32, #tpu.memory_space<vmem_shared>> -> memref<131072xf32, #tpu.memory_space<vmem_shared>>
    tpu.enqueue_indirect_dma source(%arg16 : memref<4096xf32, #tpu.memory_space<vmem>>) target(%dma_start3A_247 : memref<131072xf32, #tpu.memory_space<vmem_shared>>) offsets(%arg13 : memref<4096xi32, #tpu.memory_space<vmem>>) semaphore(%arg22 : memref<!tpu.dma_semaphore, #tpu.memory_space<semaphore_mem>>) {add = true}
    %dma_wait3A_248 = arith.constant 0 : i32
    %dma_wait3A_249 = tpu.memref_slice %arg18[%dma_wait3A_248] : memref<131072xf32, #tpu.memory_space<vmem_shared>> -> memref<131072xf32, #tpu.memory_space<vmem_shared>>
    tpu.wait_indirect_dma semaphore(%arg21 : memref<!tpu.dma_semaphore, #tpu.memory_space<semaphore_mem>>) src(%arg15 : memref<4096xf32, #tpu.memory_space<vmem>>) dst(%dma_wait3A_249 : memref<131072xf32, #tpu.memory_space<vmem_shared>>)
    %add3A_250 = arith.constant 49152 : i32
    %add3A_251 = arith.addi %mul3A_2, %add3A_250 : i32
    %dma_start3A_252 = tpu.memref_slice %arg5[%add3A_251] : memref<2097152xi32, #tpu.memory_space<hbm>> -> memref<4096xi32, #tpu.memory_space<hbm>>
    %dma_start3A_253 = tpu.memref_slice %arg5[%add3A_251] : memref<2097152xi32, #tpu.memory_space<hbm>> -> memref<4096xi32, #tpu.memory_space<hbm>>
    tpu.enqueue_dma source(%dma_start3A_253 : memref<4096xi32, #tpu.memory_space<hbm>>) target(%arg8 : memref<4096xi32, #tpu.memory_space<vmem>>) target_semaphore(%arg19 : memref<!tpu.dma_semaphore, #tpu.memory_space<semaphore_mem>>)
    %dma_start3A_254 = tpu.memref_slice %arg3[%add3A_251] : memref<2097152xf32, #tpu.memory_space<hbm>> -> memref<4096xf32, #tpu.memory_space<hbm>>
    %dma_start3A_255 = tpu.memref_slice %arg3[%add3A_251] : memref<2097152xf32, #tpu.memory_space<hbm>> -> memref<4096xf32, #tpu.memory_space<hbm>>
    tpu.enqueue_dma source(%dma_start3A_255 : memref<4096xf32, #tpu.memory_space<hbm>>) target(%arg10 : memref<4096xf32, #tpu.memory_space<vmem>>) target_semaphore(%arg19 : memref<!tpu.dma_semaphore, #tpu.memory_space<semaphore_mem>>)
    %dma_start3A_256 = tpu.memref_slice %arg4[%add3A_251] : memref<2097152xi32, #tpu.memory_space<hbm>> -> memref<4096xi32, #tpu.memory_space<hbm>>
    %dma_start3A_257 = tpu.memref_slice %arg4[%add3A_251] : memref<2097152xi32, #tpu.memory_space<hbm>> -> memref<4096xi32, #tpu.memory_space<hbm>>
    tpu.enqueue_dma source(%dma_start3A_257 : memref<4096xi32, #tpu.memory_space<hbm>>) target(%arg12 : memref<4096xi32, #tpu.memory_space<vmem>>) target_semaphore(%arg19 : memref<!tpu.dma_semaphore, #tpu.memory_space<semaphore_mem>>)
    %dma_wait3A_258 = tpu.memref_slice %arg5[%add3A_230] : memref<2097152xi32, #tpu.memory_space<hbm>> -> memref<4096xi32, #tpu.memory_space<hbm>>
    %dma_wait3A_259 = tpu.memref_slice %arg5[%add3A_230] : memref<2097152xi32, #tpu.memory_space<hbm>> -> memref<4096xi32, #tpu.memory_space<hbm>>
    tpu.wait_dma2 semaphore(%arg20 : memref<!tpu.dma_semaphore, #tpu.memory_space<semaphore_mem>>) src(%dma_wait3A_259 : memref<4096xi32, #tpu.memory_space<hbm>>) dst(%arg9 : memref<4096xi32, #tpu.memory_space<vmem>>)
    %dma_wait3A_260 = tpu.memref_slice %arg3[%add3A_230] : memref<2097152xf32, #tpu.memory_space<hbm>> -> memref<4096xf32, #tpu.memory_space<hbm>>
    %dma_wait3A_261 = tpu.memref_slice %arg3[%add3A_230] : memref<2097152xf32, #tpu.memory_space<hbm>> -> memref<4096xf32, #tpu.memory_space<hbm>>
    tpu.wait_dma2 semaphore(%arg20 : memref<!tpu.dma_semaphore, #tpu.memory_space<semaphore_mem>>) src(%dma_wait3A_261 : memref<4096xf32, #tpu.memory_space<hbm>>) dst(%arg11 : memref<4096xf32, #tpu.memory_space<vmem>>)
    %dma_wait3A_262 = tpu.memref_slice %arg4[%add3A_230] : memref<2097152xi32, #tpu.memory_space<hbm>> -> memref<4096xi32, #tpu.memory_space<hbm>>
    %dma_wait3A_263 = tpu.memref_slice %arg4[%add3A_230] : memref<2097152xi32, #tpu.memory_space<hbm>> -> memref<4096xi32, #tpu.memory_space<hbm>>
    tpu.wait_dma2 semaphore(%arg20 : memref<!tpu.dma_semaphore, #tpu.memory_space<semaphore_mem>>) src(%dma_wait3A_263 : memref<4096xi32, #tpu.memory_space<hbm>>) dst(%arg14 : memref<4096xi32, #tpu.memory_space<vmem>>)
    %parallel_loop3A_264 = arith.constant 0 : i32
    %parallel_loop3A_265 = arith.constant 4096 : i32
    %parallel_loop3A_266 = arith.constant 16 : i32
    scf.for %parallel_loop3A_358 = %parallel_loop3A_264 to %parallel_loop3A_265 step %parallel_loop3A_266  : i32 {
      %parallel_loop3A_359 = arith.index_cast %parallel_loop3A_358 : i32 to index
      %parallel_loop3A_360 = tpu.vector_load %arg9[%parallel_loop3A_359] {strides = array<i32>} : memref<4096xi32, #tpu.memory_space<vmem>>, vector<16xi32>,
      %parallel_loop3A_361 = tpu.vector_load_idx %arg7[%parallel_loop3A_360] : memref<65536xf32, #tpu.memory_space<vmem>>[vector<16xi32>], vector<16xf32>,
      %parallel_loop3A_362 = arith.index_cast %parallel_loop3A_358 : i32 to index
      %parallel_loop3A_363 = tpu.vector_load %arg11[%parallel_loop3A_362] {strides = array<i32>} : memref<4096xf32, #tpu.memory_space<vmem>>, vector<16xf32>,
      %parallel_loop3A_364 = arith.mulf %parallel_loop3A_363, %parallel_loop3A_361 : vector<16xf32>
      %parallel_loop3A_365 = arith.index_cast %parallel_loop3A_358 : i32 to index
      %parallel_loop3A_366 = tpu.vector_load %arg17[%parallel_loop3A_365] {strides = array<i32>} : memref<4096xf32, #tpu.memory_space<vmem>>, vector<16xf32>,
      tpu.vector_store %arg17[%parallel_loop3A_365], %parallel_loop3A_364 {strides = array<i32>} : memref<4096xf32, #tpu.memory_space<vmem>>, vector<16xf32>,
    } {sc.loop_unroll_factor = 8 : i64, sc.parallel_access}
    %dma_start3A_267 = arith.constant 0 : i32
    %dma_start3A_268 = tpu.memref_slice %arg18[%dma_start3A_267] : memref<131072xf32, #tpu.memory_space<vmem_shared>> -> memref<131072xf32, #tpu.memory_space<vmem_shared>>
    tpu.enqueue_indirect_dma source(%arg17 : memref<4096xf32, #tpu.memory_space<vmem>>) target(%dma_start3A_268 : memref<131072xf32, #tpu.memory_space<vmem_shared>>) offsets(%arg14 : memref<4096xi32, #tpu.memory_space<vmem>>) semaphore(%arg23 : memref<!tpu.dma_semaphore, #tpu.memory_space<semaphore_mem>>) {add = true}
    %dma_wait3A_269 = arith.constant 0 : i32
    %dma_wait3A_270 = tpu.memref_slice %arg18[%dma_wait3A_269] : memref<131072xf32, #tpu.memory_space<vmem_shared>> -> memref<131072xf32, #tpu.memory_space<vmem_shared>>
    tpu.wait_indirect_dma semaphore(%arg22 : memref<!tpu.dma_semaphore, #tpu.memory_space<semaphore_mem>>) src(%arg16 : memref<4096xf32, #tpu.memory_space<vmem>>) dst(%dma_wait3A_270 : memref<131072xf32, #tpu.memory_space<vmem_shared>>)
    %add3A_271 = arith.constant 53248 : i32
    %add3A_272 = arith.addi %mul3A_2, %add3A_271 : i32
    %dma_start3A_273 = tpu.memref_slice %arg5[%add3A_272] : memref<2097152xi32, #tpu.memory_space<hbm>> -> memref<4096xi32, #tpu.memory_space<hbm>>
    %dma_start3A_274 = tpu.memref_slice %arg5[%add3A_272] : memref<2097152xi32, #tpu.memory_space<hbm>> -> memref<4096xi32, #tpu.memory_space<hbm>>
    tpu.enqueue_dma source(%dma_start3A_274 : memref<4096xi32, #tpu.memory_space<hbm>>) target(%arg9 : memref<4096xi32, #tpu.memory_space<vmem>>) target_semaphore(%arg20 : memref<!tpu.dma_semaphore, #tpu.memory_space<semaphore_mem>>)
    %dma_start3A_275 = tpu.memref_slice %arg3[%add3A_272] : memref<2097152xf32, #tpu.memory_space<hbm>> -> memref<4096xf32, #tpu.memory_space<hbm>>
    %dma_start3A_276 = tpu.memref_slice %arg3[%add3A_272] : memref<2097152xf32, #tpu.memory_space<hbm>> -> memref<4096xf32, #tpu.memory_space<hbm>>
    tpu.enqueue_dma source(%dma_start3A_276 : memref<4096xf32, #tpu.memory_space<hbm>>) target(%arg11 : memref<4096xf32, #tpu.memory_space<vmem>>) target_semaphore(%arg20 : memref<!tpu.dma_semaphore, #tpu.memory_space<semaphore_mem>>)
    %dma_start3A_277 = tpu.memref_slice %arg4[%add3A_272] : memref<2097152xi32, #tpu.memory_space<hbm>> -> memref<4096xi32, #tpu.memory_space<hbm>>
    %dma_start3A_278 = tpu.memref_slice %arg4[%add3A_272] : memref<2097152xi32, #tpu.memory_space<hbm>> -> memref<4096xi32, #tpu.memory_space<hbm>>
    tpu.enqueue_dma source(%dma_start3A_278 : memref<4096xi32, #tpu.memory_space<hbm>>) target(%arg13 : memref<4096xi32, #tpu.memory_space<vmem>>) target_semaphore(%arg20 : memref<!tpu.dma_semaphore, #tpu.memory_space<semaphore_mem>>)
    %dma_wait3A_279 = tpu.memref_slice %arg5[%add3A_251] : memref<2097152xi32, #tpu.memory_space<hbm>> -> memref<4096xi32, #tpu.memory_space<hbm>>
    %dma_wait3A_280 = tpu.memref_slice %arg5[%add3A_251] : memref<2097152xi32, #tpu.memory_space<hbm>> -> memref<4096xi32, #tpu.memory_space<hbm>>
    tpu.wait_dma2 semaphore(%arg19 : memref<!tpu.dma_semaphore, #tpu.memory_space<semaphore_mem>>) src(%dma_wait3A_280 : memref<4096xi32, #tpu.memory_space<hbm>>) dst(%arg8 : memref<4096xi32, #tpu.memory_space<vmem>>)
    %dma_wait3A_281 = tpu.memref_slice %arg3[%add3A_251] : memref<2097152xf32, #tpu.memory_space<hbm>> -> memref<4096xf32, #tpu.memory_space<hbm>>
    %dma_wait3A_282 = tpu.memref_slice %arg3[%add3A_251] : memref<2097152xf32, #tpu.memory_space<hbm>> -> memref<4096xf32, #tpu.memory_space<hbm>>
    tpu.wait_dma2 semaphore(%arg19 : memref<!tpu.dma_semaphore, #tpu.memory_space<semaphore_mem>>) src(%dma_wait3A_282 : memref<4096xf32, #tpu.memory_space<hbm>>) dst(%arg10 : memref<4096xf32, #tpu.memory_space<vmem>>)
    %dma_wait3A_283 = tpu.memref_slice %arg4[%add3A_251] : memref<2097152xi32, #tpu.memory_space<hbm>> -> memref<4096xi32, #tpu.memory_space<hbm>>
    %dma_wait3A_284 = tpu.memref_slice %arg4[%add3A_251] : memref<2097152xi32, #tpu.memory_space<hbm>> -> memref<4096xi32, #tpu.memory_space<hbm>>
    tpu.wait_dma2 semaphore(%arg19 : memref<!tpu.dma_semaphore, #tpu.memory_space<semaphore_mem>>) src(%dma_wait3A_284 : memref<4096xi32, #tpu.memory_space<hbm>>) dst(%arg12 : memref<4096xi32, #tpu.memory_space<vmem>>)
    %parallel_loop3A_285 = arith.constant 0 : i32
    %parallel_loop3A_286 = arith.constant 4096 : i32
    %parallel_loop3A_287 = arith.constant 16 : i32
    scf.for %parallel_loop3A_358 = %parallel_loop3A_285 to %parallel_loop3A_286 step %parallel_loop3A_287  : i32 {
      %parallel_loop3A_359 = arith.index_cast %parallel_loop3A_358 : i32 to index
      %parallel_loop3A_360 = tpu.vector_load %arg8[%parallel_loop3A_359] {strides = array<i32>} : memref<4096xi32, #tpu.memory_space<vmem>>, vector<16xi32>,
      %parallel_loop3A_361 = tpu.vector_load_idx %arg7[%parallel_loop3A_360] : memref<65536xf32, #tpu.memory_space<vmem>>[vector<16xi32>], vector<16xf32>,
      %parallel_loop3A_362 = arith.index_cast %parallel_loop3A_358 : i32 to index
      %parallel_loop3A_363 = tpu.vector_load %arg10[%parallel_loop3A_362] {strides = array<i32>} : memref<4096xf32, #tpu.memory_space<vmem>>, vector<16xf32>,
      %parallel_loop3A_364 = arith.mulf %parallel_loop3A_363, %parallel_loop3A_361 : vector<16xf32>
      %parallel_loop3A_365 = arith.index_cast %parallel_loop3A_358 : i32 to index
      %parallel_loop3A_366 = tpu.vector_load %arg15[%parallel_loop3A_365] {strides = array<i32>} : memref<4096xf32, #tpu.memory_space<vmem>>, vector<16xf32>,
      tpu.vector_store %arg15[%parallel_loop3A_365], %parallel_loop3A_364 {strides = array<i32>} : memref<4096xf32, #tpu.memory_space<vmem>>, vector<16xf32>,
    } {sc.loop_unroll_factor = 8 : i64, sc.parallel_access}
    %dma_start3A_288 = arith.constant 0 : i32
    %dma_start3A_289 = tpu.memref_slice %arg18[%dma_start3A_288] : memref<131072xf32, #tpu.memory_space<vmem_shared>> -> memref<131072xf32, #tpu.memory_space<vmem_shared>>
    tpu.enqueue_indirect_dma source(%arg15 : memref<4096xf32, #tpu.memory_space<vmem>>) target(%dma_start3A_289 : memref<131072xf32, #tpu.memory_space<vmem_shared>>) offsets(%arg12 : memref<4096xi32, #tpu.memory_space<vmem>>) semaphore(%arg21 : memref<!tpu.dma_semaphore, #tpu.memory_space<semaphore_mem>>) {add = true}
    %dma_wait3A_290 = arith.constant 0 : i32
    %dma_wait3A_291 = tpu.memref_slice %arg18[%dma_wait3A_290] : memref<131072xf32, #tpu.memory_space<vmem_shared>> -> memref<131072xf32, #tpu.memory_space<vmem_shared>>
    tpu.wait_indirect_dma semaphore(%arg23 : memref<!tpu.dma_semaphore, #tpu.memory_space<semaphore_mem>>) src(%arg17 : memref<4096xf32, #tpu.memory_space<vmem>>) dst(%dma_wait3A_291 : memref<131072xf32, #tpu.memory_space<vmem_shared>>)
    %add3A_292 = arith.constant 57344 : i32
    %add3A_293 = arith.addi %mul3A_2, %add3A_292 : i32
    %dma_start3A_294 = tpu.memref_slice %arg5[%add3A_293] : memref<2097152xi32, #tpu.memory_space<hbm>> -> memref<4096xi32, #tpu.memory_space<hbm>>
    %dma_start3A_295 = tpu.memref_slice %arg5[%add3A_293] : memref<2097152xi32, #tpu.memory_space<hbm>> -> memref<4096xi32, #tpu.memory_space<hbm>>
    tpu.enqueue_dma source(%dma_start3A_295 : memref<4096xi32, #tpu.memory_space<hbm>>) target(%arg8 : memref<4096xi32, #tpu.memory_space<vmem>>) target_semaphore(%arg19 : memref<!tpu.dma_semaphore, #tpu.memory_space<semaphore_mem>>)
    %dma_start3A_296 = tpu.memref_slice %arg3[%add3A_293] : memref<2097152xf32, #tpu.memory_space<hbm>> -> memref<4096xf32, #tpu.memory_space<hbm>>
    %dma_start3A_297 = tpu.memref_slice %arg3[%add3A_293] : memref<2097152xf32, #tpu.memory_space<hbm>> -> memref<4096xf32, #tpu.memory_space<hbm>>
    tpu.enqueue_dma source(%dma_start3A_297 : memref<4096xf32, #tpu.memory_space<hbm>>) target(%arg10 : memref<4096xf32, #tpu.memory_space<vmem>>) target_semaphore(%arg19 : memref<!tpu.dma_semaphore, #tpu.memory_space<semaphore_mem>>)
    %dma_start3A_298 = tpu.memref_slice %arg4[%add3A_293] : memref<2097152xi32, #tpu.memory_space<hbm>> -> memref<4096xi32, #tpu.memory_space<hbm>>
    %dma_start3A_299 = tpu.memref_slice %arg4[%add3A_293] : memref<2097152xi32, #tpu.memory_space<hbm>> -> memref<4096xi32, #tpu.memory_space<hbm>>
    tpu.enqueue_dma source(%dma_start3A_299 : memref<4096xi32, #tpu.memory_space<hbm>>) target(%arg14 : memref<4096xi32, #tpu.memory_space<vmem>>) target_semaphore(%arg19 : memref<!tpu.dma_semaphore, #tpu.memory_space<semaphore_mem>>)
    %dma_wait3A_300 = tpu.memref_slice %arg5[%add3A_272] : memref<2097152xi32, #tpu.memory_space<hbm>> -> memref<4096xi32, #tpu.memory_space<hbm>>
    %dma_wait3A_301 = tpu.memref_slice %arg5[%add3A_272] : memref<2097152xi32, #tpu.memory_space<hbm>> -> memref<4096xi32, #tpu.memory_space<hbm>>
    tpu.wait_dma2 semaphore(%arg20 : memref<!tpu.dma_semaphore, #tpu.memory_space<semaphore_mem>>) src(%dma_wait3A_301 : memref<4096xi32, #tpu.memory_space<hbm>>) dst(%arg9 : memref<4096xi32, #tpu.memory_space<vmem>>)
    %dma_wait3A_302 = tpu.memref_slice %arg3[%add3A_272] : memref<2097152xf32, #tpu.memory_space<hbm>> -> memref<4096xf32, #tpu.memory_space<hbm>>
    %dma_wait3A_303 = tpu.memref_slice %arg3[%add3A_272] : memref<2097152xf32, #tpu.memory_space<hbm>> -> memref<4096xf32, #tpu.memory_space<hbm>>
    tpu.wait_dma2 semaphore(%arg20 : memref<!tpu.dma_semaphore, #tpu.memory_space<semaphore_mem>>) src(%dma_wait3A_303 : memref<4096xf32, #tpu.memory_space<hbm>>) dst(%arg11 : memref<4096xf32, #tpu.memory_space<vmem>>)
    %dma_wait3A_304 = tpu.memref_slice %arg4[%add3A_272] : memref<2097152xi32, #tpu.memory_space<hbm>> -> memref<4096xi32, #tpu.memory_space<hbm>>
    %dma_wait3A_305 = tpu.memref_slice %arg4[%add3A_272] : memref<2097152xi32, #tpu.memory_space<hbm>> -> memref<4096xi32, #tpu.memory_space<hbm>>
    tpu.wait_dma2 semaphore(%arg20 : memref<!tpu.dma_semaphore, #tpu.memory_space<semaphore_mem>>) src(%dma_wait3A_305 : memref<4096xi32, #tpu.memory_space<hbm>>) dst(%arg13 : memref<4096xi32, #tpu.memory_space<vmem>>)
    %parallel_loop3A_306 = arith.constant 0 : i32
    %parallel_loop3A_307 = arith.constant 4096 : i32
    %parallel_loop3A_308 = arith.constant 16 : i32
    scf.for %parallel_loop3A_358 = %parallel_loop3A_306 to %parallel_loop3A_307 step %parallel_loop3A_308  : i32 {
      %parallel_loop3A_359 = arith.index_cast %parallel_loop3A_358 : i32 to index
      %parallel_loop3A_360 = tpu.vector_load %arg9[%parallel_loop3A_359] {strides = array<i32>} : memref<4096xi32, #tpu.memory_space<vmem>>, vector<16xi32>,
      %parallel_loop3A_361 = tpu.vector_load_idx %arg7[%parallel_loop3A_360] : memref<65536xf32, #tpu.memory_space<vmem>>[vector<16xi32>], vector<16xf32>,
      %parallel_loop3A_362 = arith.index_cast %parallel_loop3A_358 : i32 to index
      %parallel_loop3A_363 = tpu.vector_load %arg11[%parallel_loop3A_362] {strides = array<i32>} : memref<4096xf32, #tpu.memory_space<vmem>>, vector<16xf32>,
      %parallel_loop3A_364 = arith.mulf %parallel_loop3A_363, %parallel_loop3A_361 : vector<16xf32>
      %parallel_loop3A_365 = arith.index_cast %parallel_loop3A_358 : i32 to index
      %parallel_loop3A_366 = tpu.vector_load %arg16[%parallel_loop3A_365] {strides = array<i32>} : memref<4096xf32, #tpu.memory_space<vmem>>, vector<16xf32>,
      tpu.vector_store %arg16[%parallel_loop3A_365], %parallel_loop3A_364 {strides = array<i32>} : memref<4096xf32, #tpu.memory_space<vmem>>, vector<16xf32>,
    } {sc.loop_unroll_factor = 8 : i64, sc.parallel_access}
    %dma_start3A_309 = arith.constant 0 : i32
    %dma_start3A_310 = tpu.memref_slice %arg18[%dma_start3A_309] : memref<131072xf32, #tpu.memory_space<vmem_shared>> -> memref<131072xf32, #tpu.memory_space<vmem_shared>>
    tpu.enqueue_indirect_dma source(%arg16 : memref<4096xf32, #tpu.memory_space<vmem>>) target(%dma_start3A_310 : memref<131072xf32, #tpu.memory_space<vmem_shared>>) offsets(%arg13 : memref<4096xi32, #tpu.memory_space<vmem>>) semaphore(%arg22 : memref<!tpu.dma_semaphore, #tpu.memory_space<semaphore_mem>>) {add = true}
    %dma_wait3A_311 = arith.constant 0 : i32
    %dma_wait3A_312 = tpu.memref_slice %arg18[%dma_wait3A_311] : memref<131072xf32, #tpu.memory_space<vmem_shared>> -> memref<131072xf32, #tpu.memory_space<vmem_shared>>
    tpu.wait_indirect_dma semaphore(%arg21 : memref<!tpu.dma_semaphore, #tpu.memory_space<semaphore_mem>>) src(%arg15 : memref<4096xf32, #tpu.memory_space<vmem>>) dst(%dma_wait3A_312 : memref<131072xf32, #tpu.memory_space<vmem_shared>>)
    %add3A_313 = arith.constant 61440 : i32
    %add3A_314 = arith.addi %mul3A_2, %add3A_313 : i32
    %dma_start3A_315 = tpu.memref_slice %arg5[%add3A_314] : memref<2097152xi32, #tpu.memory_space<hbm>> -> memref<4096xi32, #tpu.memory_space<hbm>>
    %dma_start3A_316 = tpu.memref_slice %arg5[%add3A_314] : memref<2097152xi32, #tpu.memory_space<hbm>> -> memref<4096xi32, #tpu.memory_space<hbm>>
    tpu.enqueue_dma source(%dma_start3A_316 : memref<4096xi32, #tpu.memory_space<hbm>>) target(%arg9 : memref<4096xi32, #tpu.memory_space<vmem>>) target_semaphore(%arg20 : memref<!tpu.dma_semaphore, #tpu.memory_space<semaphore_mem>>)
    %dma_start3A_317 = tpu.memref_slice %arg3[%add3A_314] : memref<2097152xf32, #tpu.memory_space<hbm>> -> memref<4096xf32, #tpu.memory_space<hbm>>
    %dma_start3A_318 = tpu.memref_slice %arg3[%add3A_314] : memref<2097152xf32, #tpu.memory_space<hbm>> -> memref<4096xf32, #tpu.memory_space<hbm>>
    tpu.enqueue_dma source(%dma_start3A_318 : memref<4096xf32, #tpu.memory_space<hbm>>) target(%arg11 : memref<4096xf32, #tpu.memory_space<vmem>>) target_semaphore(%arg20 : memref<!tpu.dma_semaphore, #tpu.memory_space<semaphore_mem>>)
    %dma_start3A_319 = tpu.memref_slice %arg4[%add3A_314] : memref<2097152xi32, #tpu.memory_space<hbm>> -> memref<4096xi32, #tpu.memory_space<hbm>>
    %dma_start3A_320 = tpu.memref_slice %arg4[%add3A_314] : memref<2097152xi32, #tpu.memory_space<hbm>> -> memref<4096xi32, #tpu.memory_space<hbm>>
    tpu.enqueue_dma source(%dma_start3A_320 : memref<4096xi32, #tpu.memory_space<hbm>>) target(%arg12 : memref<4096xi32, #tpu.memory_space<vmem>>) target_semaphore(%arg20 : memref<!tpu.dma_semaphore, #tpu.memory_space<semaphore_mem>>)
    %dma_wait3A_321 = tpu.memref_slice %arg5[%add3A_293] : memref<2097152xi32, #tpu.memory_space<hbm>> -> memref<4096xi32, #tpu.memory_space<hbm>>
    %dma_wait3A_322 = tpu.memref_slice %arg5[%add3A_293] : memref<2097152xi32, #tpu.memory_space<hbm>> -> memref<4096xi32, #tpu.memory_space<hbm>>
    tpu.wait_dma2 semaphore(%arg19 : memref<!tpu.dma_semaphore, #tpu.memory_space<semaphore_mem>>) src(%dma_wait3A_322 : memref<4096xi32, #tpu.memory_space<hbm>>) dst(%arg8 : memref<4096xi32, #tpu.memory_space<vmem>>)
    %dma_wait3A_323 = tpu.memref_slice %arg3[%add3A_293] : memref<2097152xf32, #tpu.memory_space<hbm>> -> memref<4096xf32, #tpu.memory_space<hbm>>
    %dma_wait3A_324 = tpu.memref_slice %arg3[%add3A_293] : memref<2097152xf32, #tpu.memory_space<hbm>> -> memref<4096xf32, #tpu.memory_space<hbm>>
    tpu.wait_dma2 semaphore(%arg19 : memref<!tpu.dma_semaphore, #tpu.memory_space<semaphore_mem>>) src(%dma_wait3A_324 : memref<4096xf32, #tpu.memory_space<hbm>>) dst(%arg10 : memref<4096xf32, #tpu.memory_space<vmem>>)
    %dma_wait3A_325 = tpu.memref_slice %arg4[%add3A_293] : memref<2097152xi32, #tpu.memory_space<hbm>> -> memref<4096xi32, #tpu.memory_space<hbm>>
    %dma_wait3A_326 = tpu.memref_slice %arg4[%add3A_293] : memref<2097152xi32, #tpu.memory_space<hbm>> -> memref<4096xi32, #tpu.memory_space<hbm>>
    tpu.wait_dma2 semaphore(%arg19 : memref<!tpu.dma_semaphore, #tpu.memory_space<semaphore_mem>>) src(%dma_wait3A_326 : memref<4096xi32, #tpu.memory_space<hbm>>) dst(%arg14 : memref<4096xi32, #tpu.memory_space<vmem>>)
    %parallel_loop3A_327 = arith.constant 0 : i32
    %parallel_loop3A_328 = arith.constant 4096 : i32
    %parallel_loop3A_329 = arith.constant 16 : i32
    scf.for %parallel_loop3A_358 = %parallel_loop3A_327 to %parallel_loop3A_328 step %parallel_loop3A_329  : i32 {
      %parallel_loop3A_359 = arith.index_cast %parallel_loop3A_358 : i32 to index
      %parallel_loop3A_360 = tpu.vector_load %arg8[%parallel_loop3A_359] {strides = array<i32>} : memref<4096xi32, #tpu.memory_space<vmem>>, vector<16xi32>,
      %parallel_loop3A_361 = tpu.vector_load_idx %arg7[%parallel_loop3A_360] : memref<65536xf32, #tpu.memory_space<vmem>>[vector<16xi32>], vector<16xf32>,
      %parallel_loop3A_362 = arith.index_cast %parallel_loop3A_358 : i32 to index
      %parallel_loop3A_363 = tpu.vector_load %arg10[%parallel_loop3A_362] {strides = array<i32>} : memref<4096xf32, #tpu.memory_space<vmem>>, vector<16xf32>,
      %parallel_loop3A_364 = arith.mulf %parallel_loop3A_363, %parallel_loop3A_361 : vector<16xf32>
      %parallel_loop3A_365 = arith.index_cast %parallel_loop3A_358 : i32 to index
      %parallel_loop3A_366 = tpu.vector_load %arg17[%parallel_loop3A_365] {strides = array<i32>} : memref<4096xf32, #tpu.memory_space<vmem>>, vector<16xf32>,
      tpu.vector_store %arg17[%parallel_loop3A_365], %parallel_loop3A_364 {strides = array<i32>} : memref<4096xf32, #tpu.memory_space<vmem>>, vector<16xf32>,
    } {sc.loop_unroll_factor = 8 : i64, sc.parallel_access}
    %dma_start3A_330 = arith.constant 0 : i32
    %dma_start3A_331 = tpu.memref_slice %arg18[%dma_start3A_330] : memref<131072xf32, #tpu.memory_space<vmem_shared>> -> memref<131072xf32, #tpu.memory_space<vmem_shared>>
    tpu.enqueue_indirect_dma source(%arg17 : memref<4096xf32, #tpu.memory_space<vmem>>) target(%dma_start3A_331 : memref<131072xf32, #tpu.memory_space<vmem_shared>>) offsets(%arg14 : memref<4096xi32, #tpu.memory_space<vmem>>) semaphore(%arg23 : memref<!tpu.dma_semaphore, #tpu.memory_space<semaphore_mem>>) {add = true}
    %dma_wait3A_332 = tpu.memref_slice %arg5[%add3A_314] : memref<2097152xi32, #tpu.memory_space<hbm>> -> memref<4096xi32, #tpu.memory_space<hbm>>
    %dma_wait3A_333 = tpu.memref_slice %arg5[%add3A_314] : memref<2097152xi32, #tpu.memory_space<hbm>> -> memref<4096xi32, #tpu.memory_space<hbm>>
    tpu.wait_dma2 semaphore(%arg20 : memref<!tpu.dma_semaphore, #tpu.memory_space<semaphore_mem>>) src(%dma_wait3A_333 : memref<4096xi32, #tpu.memory_space<hbm>>) dst(%arg9 : memref<4096xi32, #tpu.memory_space<vmem>>)
    %dma_wait3A_334 = tpu.memref_slice %arg3[%add3A_314] : memref<2097152xf32, #tpu.memory_space<hbm>> -> memref<4096xf32, #tpu.memory_space<hbm>>
    %dma_wait3A_335 = tpu.memref_slice %arg3[%add3A_314] : memref<2097152xf32, #tpu.memory_space<hbm>> -> memref<4096xf32, #tpu.memory_space<hbm>>
    tpu.wait_dma2 semaphore(%arg20 : memref<!tpu.dma_semaphore, #tpu.memory_space<semaphore_mem>>) src(%dma_wait3A_335 : memref<4096xf32, #tpu.memory_space<hbm>>) dst(%arg11 : memref<4096xf32, #tpu.memory_space<vmem>>)
    %dma_wait3A_336 = tpu.memref_slice %arg4[%add3A_314] : memref<2097152xi32, #tpu.memory_space<hbm>> -> memref<4096xi32, #tpu.memory_space<hbm>>
    %dma_wait3A_337 = tpu.memref_slice %arg4[%add3A_314] : memref<2097152xi32, #tpu.memory_space<hbm>> -> memref<4096xi32, #tpu.memory_space<hbm>>
    tpu.wait_dma2 semaphore(%arg20 : memref<!tpu.dma_semaphore, #tpu.memory_space<semaphore_mem>>) src(%dma_wait3A_337 : memref<4096xi32, #tpu.memory_space<hbm>>) dst(%arg12 : memref<4096xi32, #tpu.memory_space<vmem>>)
    %parallel_loop3A_338 = arith.constant 0 : i32
    %parallel_loop3A_339 = arith.constant 4096 : i32
    %parallel_loop3A_340 = arith.constant 16 : i32
    scf.for %parallel_loop3A_358 = %parallel_loop3A_338 to %parallel_loop3A_339 step %parallel_loop3A_340  : i32 {
      %parallel_loop3A_359 = arith.index_cast %parallel_loop3A_358 : i32 to index
      %parallel_loop3A_360 = tpu.vector_load %arg9[%parallel_loop3A_359] {strides = array<i32>} : memref<4096xi32, #tpu.memory_space<vmem>>, vector<16xi32>,
      %parallel_loop3A_361 = tpu.vector_load_idx %arg7[%parallel_loop3A_360] : memref<65536xf32, #tpu.memory_space<vmem>>[vector<16xi32>], vector<16xf32>,
      %parallel_loop3A_362 = arith.index_cast %parallel_loop3A_358 : i32 to index
      %parallel_loop3A_363 = tpu.vector_load %arg11[%parallel_loop3A_362] {strides = array<i32>} : memref<4096xf32, #tpu.memory_space<vmem>>, vector<16xf32>,
      %parallel_loop3A_364 = arith.mulf %parallel_loop3A_363, %parallel_loop3A_361 : vector<16xf32>
      %parallel_loop3A_365 = arith.index_cast %parallel_loop3A_358 : i32 to index
      %parallel_loop3A_366 = tpu.vector_load %arg15[%parallel_loop3A_365] {strides = array<i32>} : memref<4096xf32, #tpu.memory_space<vmem>>, vector<16xf32>,
      tpu.vector_store %arg15[%parallel_loop3A_365], %parallel_loop3A_364 {strides = array<i32>} : memref<4096xf32, #tpu.memory_space<vmem>>, vector<16xf32>,
    } {sc.loop_unroll_factor = 8 : i64, sc.parallel_access}
    %dma_start3A_341 = arith.constant 0 : i32
    %dma_start3A_342 = tpu.memref_slice %arg18[%dma_start3A_341] : memref<131072xf32, #tpu.memory_space<vmem_shared>> -> memref<131072xf32, #tpu.memory_space<vmem_shared>>
    tpu.enqueue_indirect_dma source(%arg15 : memref<4096xf32, #tpu.memory_space<vmem>>) target(%dma_start3A_342 : memref<131072xf32, #tpu.memory_space<vmem_shared>>) offsets(%arg12 : memref<4096xi32, #tpu.memory_space<vmem>>) semaphore(%arg21 : memref<!tpu.dma_semaphore, #tpu.memory_space<semaphore_mem>>) {add = true}
    %dma_wait3A_343 = arith.constant 0 : i32
    %dma_wait3A_344 = tpu.memref_slice %arg18[%dma_wait3A_343] : memref<131072xf32, #tpu.memory_space<vmem_shared>> -> memref<131072xf32, #tpu.memory_space<vmem_shared>>
    tpu.wait_indirect_dma semaphore(%arg22 : memref<!tpu.dma_semaphore, #tpu.memory_space<semaphore_mem>>) src(%arg16 : memref<4096xf32, #tpu.memory_space<vmem>>) dst(%dma_wait3A_344 : memref<131072xf32, #tpu.memory_space<vmem_shared>>)
    %dma_wait3A_345 = arith.constant 0 : i32
    %dma_wait3A_346 = tpu.memref_slice %arg18[%dma_wait3A_345] : memref<131072xf32, #tpu.memory_space<vmem_shared>> -> memref<131072xf32, #tpu.memory_space<vmem_shared>>
    tpu.wait_indirect_dma semaphore(%arg23 : memref<!tpu.dma_semaphore, #tpu.memory_space<semaphore_mem>>) src(%arg17 : memref<4096xf32, #tpu.memory_space<vmem>>) dst(%dma_wait3A_346 : memref<131072xf32, #tpu.memory_space<vmem_shared>>)
    %dma_wait3A_347 = arith.constant 0 : i32
    %dma_wait3A_348 = tpu.memref_slice %arg18[%dma_wait3A_347] : memref<131072xf32, #tpu.memory_space<vmem_shared>> -> memref<131072xf32, #tpu.memory_space<vmem_shared>>
    tpu.wait_indirect_dma semaphore(%arg21 : memref<!tpu.dma_semaphore, #tpu.memory_space<semaphore_mem>>) src(%arg15 : memref<4096xf32, #tpu.memory_space<vmem>>) dst(%dma_wait3A_348 : memref<131072xf32, #tpu.memory_space<vmem_shared>>)
    %barrier3A_349 = arith.constant 0 : index
    tpu.barrier barrier_id(%barrier3A_349)
    %mul3A_350 = arith.constant 8192 : i32
    %mul3A_351 = arith.muli %arg1, %mul3A_350 : i32
    %add3A_352 = arith.constant 0 : i32
    %add3A_353 = arith.addi %mul3A_351, %add3A_352 : i32
    "tpu.region"() ({
      %run_scoped3A = tpu.sem_alloc : memref<!tpu.dma_semaphore, #tpu.memory_space<semaphore_mem>>
      %dma_start3A_358 = tpu.memref_slice %arg18[%add3A_353] : memref<131072xf32, #tpu.memory_space<vmem_shared>> -> memref<4096xf32, #tpu.memory_space<vmem_shared>>
      %dma_start3A_359 = tpu.memref_slice %arg18[%add3A_353] : memref<131072xf32, #tpu.memory_space<vmem_shared>> -> memref<4096xf32, #tpu.memory_space<vmem_shared>>
      tpu.enqueue_dma source(%dma_start3A_359 : memref<4096xf32, #tpu.memory_space<vmem_shared>>) target(%arg15 : memref<4096xf32, #tpu.memory_space<vmem>>) target_semaphore(%run_scoped3A : memref<!tpu.dma_semaphore, #tpu.memory_space<semaphore_mem>>)
      %dma_wait3A_360 = tpu.memref_slice %arg18[%add3A_353] : memref<131072xf32, #tpu.memory_space<vmem_shared>> -> memref<4096xf32, #tpu.memory_space<vmem_shared>>
      %dma_wait3A_361 = tpu.memref_slice %arg18[%add3A_353] : memref<131072xf32, #tpu.memory_space<vmem_shared>> -> memref<4096xf32, #tpu.memory_space<vmem_shared>>
      tpu.wait_dma2 semaphore(%run_scoped3A : memref<!tpu.dma_semaphore, #tpu.memory_space<semaphore_mem>>) src(%dma_wait3A_361 : memref<4096xf32, #tpu.memory_space<vmem_shared>>) dst(%arg15 : memref<4096xf32, #tpu.memory_space<vmem>>)
      tpu.yield
    }) : () -> ()
    "tpu.region"() ({
      %run_scoped3A = tpu.sem_alloc : memref<!tpu.dma_semaphore, #tpu.memory_space<semaphore_mem>>
      %dma_start3A_358 = tpu.memref_slice %arg6[%arg0, %add3A_353] : memref<2x131072xf32, #tpu.memory_space<hbm>> -> memref<1x4096xf32, #tpu.memory_space<hbm>>
      %dma_start3A_359 = tpu.memref_squeeze %dma_start3A_358 : memref<1x4096xf32, #tpu.memory_space<hbm>> -> memref<4096xf32, #tpu.memory_space<hbm>>
      %dma_start3A_360 = tpu.memref_slice %arg6[%arg0, %add3A_353] : memref<2x131072xf32, #tpu.memory_space<hbm>> -> memref<1x4096xf32, #tpu.memory_space<hbm>>
      %dma_start3A_361 = tpu.memref_squeeze %dma_start3A_360 : memref<1x4096xf32, #tpu.memory_space<hbm>> -> memref<4096xf32, #tpu.memory_space<hbm>>
      tpu.enqueue_dma source(%arg15 : memref<4096xf32, #tpu.memory_space<vmem>>) target(%dma_start3A_361 : memref<4096xf32, #tpu.memory_space<hbm>>) target_semaphore(%run_scoped3A : memref<!tpu.dma_semaphore, #tpu.memory_space<semaphore_mem>>)
      %dma_wait3A_362 = tpu.memref_slice %arg6[%arg0, %add3A_353] : memref<2x131072xf32, #tpu.memory_space<hbm>> -> memref<1x4096xf32, #tpu.memory_space<hbm>>
      %dma_wait3A_363 = tpu.memref_squeeze %dma_wait3A_362 : memref<1x4096xf32, #tpu.memory_space<hbm>> -> memref<4096xf32, #tpu.memory_space<hbm>>
      %dma_wait3A_364 = tpu.memref_slice %arg6[%arg0, %add3A_353] : memref<2x131072xf32, #tpu.memory_space<hbm>> -> memref<1x4096xf32, #tpu.memory_space<hbm>>
      %dma_wait3A_365 = tpu.memref_squeeze %dma_wait3A_364 : memref<1x4096xf32, #tpu.memory_space<hbm>> -> memref<4096xf32, #tpu.memory_space<hbm>>
      tpu.wait_dma2 semaphore(%run_scoped3A : memref<!tpu.dma_semaphore, #tpu.memory_space<semaphore_mem>>) src(%arg15 : memref<4096xf32, #tpu.memory_space<vmem>>) dst(%dma_wait3A_365 : memref<4096xf32, #tpu.memory_space<hbm>>)
      tpu.yield
    }) : () -> ()
    %mul3A_354 = arith.constant 8192 : i32
    %mul3A_355 = arith.muli %arg1, %mul3A_354 : i32
    %add3A_356 = arith.constant 4096 : i32
    %add3A_357 = arith.addi %mul3A_355, %add3A_356 : i32
    "tpu.region"() ({
      %run_scoped3A = tpu.sem_alloc : memref<!tpu.dma_semaphore, #tpu.memory_space<semaphore_mem>>
      %dma_start3A_358 = tpu.memref_slice %arg18[%add3A_357] : memref<131072xf32, #tpu.memory_space<vmem_shared>> -> memref<4096xf32, #tpu.memory_space<vmem_shared>>
      %dma_start3A_359 = tpu.memref_slice %arg18[%add3A_357] : memref<131072xf32, #tpu.memory_space<vmem_shared>> -> memref<4096xf32, #tpu.memory_space<vmem_shared>>
      tpu.enqueue_dma source(%dma_start3A_359 : memref<4096xf32, #tpu.memory_space<vmem_shared>>) target(%arg16 : memref<4096xf32, #tpu.memory_space<vmem>>) target_semaphore(%run_scoped3A : memref<!tpu.dma_semaphore, #tpu.memory_space<semaphore_mem>>)
      %dma_wait3A_360 = tpu.memref_slice %arg18[%add3A_357] : memref<131072xf32, #tpu.memory_space<vmem_shared>> -> memref<4096xf32, #tpu.memory_space<vmem_shared>>
      %dma_wait3A_361 = tpu.memref_slice %arg18[%add3A_357] : memref<131072xf32, #tpu.memory_space<vmem_shared>> -> memref<4096xf32, #tpu.memory_space<vmem_shared>>
      tpu.wait_dma2 semaphore(%run_scoped3A : memref<!tpu.dma_semaphore, #tpu.memory_space<semaphore_mem>>) src(%dma_wait3A_361 : memref<4096xf32, #tpu.memory_space<vmem_shared>>) dst(%arg16 : memref<4096xf32, #tpu.memory_space<vmem>>)
      tpu.yield
    }) : () -> ()
    "tpu.region"() ({
      %run_scoped3A = tpu.sem_alloc : memref<!tpu.dma_semaphore, #tpu.memory_space<semaphore_mem>>
      %dma_start3A_358 = tpu.memref_slice %arg6[%arg0, %add3A_357] : memref<2x131072xf32, #tpu.memory_space<hbm>> -> memref<1x4096xf32, #tpu.memory_space<hbm>>
      %dma_start3A_359 = tpu.memref_squeeze %dma_start3A_358 : memref<1x4096xf32, #tpu.memory_space<hbm>> -> memref<4096xf32, #tpu.memory_space<hbm>>
      %dma_start3A_360 = tpu.memref_slice %arg6[%arg0, %add3A_357] : memref<2x131072xf32, #tpu.memory_space<hbm>> -> memref<1x4096xf32, #tpu.memory_space<hbm>>
      %dma_start3A_361 = tpu.memref_squeeze %dma_start3A_360 : memref<1x4096xf32, #tpu.memory_space<hbm>> -> memref<4096xf32, #tpu.memory_space<hbm>>
      tpu.enqueue_dma source(%arg16 : memref<4096xf32, #tpu.memory_space<vmem>>) target(%dma_start3A_361 : memref<4096xf32, #tpu.memory_space<hbm>>) target_semaphore(%run_scoped3A : memref<!tpu.dma_semaphore, #tpu.memory_space<semaphore_mem>>)
      %dma_wait3A_362 = tpu.memref_slice %arg6[%arg0, %add3A_357] : memref<2x131072xf32, #tpu.memory_space<hbm>> -> memref<1x4096xf32, #tpu.memory_space<hbm>>
      %dma_wait3A_363 = tpu.memref_squeeze %dma_wait3A_362 : memref<1x4096xf32, #tpu.memory_space<hbm>> -> memref<4096xf32, #tpu.memory_space<hbm>>
      %dma_wait3A_364 = tpu.memref_slice %arg6[%arg0, %add3A_357] : memref<2x131072xf32, #tpu.memory_space<hbm>> -> memref<1x4096xf32, #tpu.memory_space<hbm>>
      %dma_wait3A_365 = tpu.memref_squeeze %dma_wait3A_364 : memref<1x4096xf32, #tpu.memory_space<hbm>> -> memref<4096xf32, #tpu.memory_space<hbm>>
      tpu.wait_dma2 semaphore(%run_scoped3A : memref<!tpu.dma_semaphore, #tpu.memory_space<semaphore_mem>>) src(%arg16 : memref<4096xf32, #tpu.memory_space<vmem>>) dst(%dma_wait3A_365 : memref<4096xf32, #tpu.memory_space<hbm>>)
      tpu.yield
    }) : () -> ()
    return
  }
}

module attributes {stable_mosaic.version = 14 : i64} {
  func.func @body(%arg0: memref<2x1024x128xf32, #tpu.memory_space<vmem>>, %arg1: memref<1024x128xf32, #tpu.memory_space<vmem>>) attributes {dimension_semantics = [], scalar_prefetch = 0 : i64, scratch_operands = 0 : i64, tpu.core_type = #tpu.core_type<tc>} {
    %get3A = arith.constant 0 : index
    %get3A_0 = arith.constant 0 : index
    %get3A_1 = arith.constant 0 : index
    %get3A_2 = vector.load %arg0[%get3A, %get3A_0, %get3A_1] : memref<2x1024x128xf32, #tpu.memory_space<vmem>>, vector<1x1024x128xf32>
    %get3A_3 = vector.shape_cast %get3A_2 : vector<1x1024x128xf32> to vector<1024x128xf32>
    %get3A_4 = arith.constant 1 : index
    %get3A_5 = arith.constant 0 : index
    %get3A_6 = arith.constant 0 : index
    %get3A_7 = vector.load %arg0[%get3A_4, %get3A_5, %get3A_6] : memref<2x1024x128xf32, #tpu.memory_space<vmem>>, vector<1x1024x128xf32>
    %get3A_8 = vector.shape_cast %get3A_7 : vector<1x1024x128xf32> to vector<1024x128xf32>
    %add3A = arith.addf %get3A_3, %get3A_8 : vector<1024x128xf32>
    %mul3A = arith.constant 3.81825113 : f32
    %mul3A_9 = vector.broadcast %mul3A : f32 to vector<1024x128xf32>
    %mul3A_10 = arith.mulf %add3A, %mul3A_9 : vector<1024x128xf32>
    %swap3A = arith.constant 0 : index
    %swap3A_11 = arith.constant 0 : index
    %swap3A_12 = vector.load %arg1[%swap3A, %swap3A_11] : memref<1024x128xf32, #tpu.memory_space<vmem>>, vector<1024x128xf32>
    tpu.vector_store %arg1[%swap3A, %swap3A_11], %mul3A_10 {strides = array<i32>} : memref<1024x128xf32, #tpu.memory_space<vmem>>, vector<1024x128xf32>,
    return
  }
}

</mosaic_0001>

<sc_bundles>
// kernel: kernel.4.cloned.1.call-start
scs
__scs_entry_jumppad:
0x0: {  	(pc) =	sbr.rel $0x88, $3  }
0x1: {  	(tag) =	ssettag $0x0;
	lr =	simm.s32 $0x1  }
0x2: {  	[smem:$0x3F9D] =	sst lr;
	_ =	strace $0xD0000000  }
0x3: {  	_ = 	snop  }
0x4: {  	_ = 	snop  }
0x5: {  	_ = 	snop  }
0x6: {  	_ = 	snop  }
0x7: {  	_ = 	snop  }
__scs_overlays_trampoline_lowered:
0x8: {  	[smem:$0x3FAC] =	sst s0  }
0x9: {  	[smem:$0x3FAD] =	sst s1  }
0xa: {  	[smem:$0x3FAE] =	sst s2  }
0xb: {  	[smem:$0x3FAF] =	sst s3  }
0xc: {  	[smem:$0x3FB0] =	sst s4  }
0xd: {  	[smem:$0x3FB1] =	sst s5  }
0xe: {  	[smem:$0x3FB2] =	sst s6  }
0xf: {  	[smem:$0x3FB3] =	sst s7  }
0x10: {  	[smem:$0x3FB4] =	sst s8  }
0x11: {  	[smem:$0x3FB5] =	sst s9;
	s0 =	simm.s32 @!p0 $0x0  }
0x12: {  	s1 =	sld [smem:$0x3F9B];
	s0 =	simm.s32 @p0 $0x1  }
0x13: {  	[smem:$0x3FB6] =	sst s0;
	s0 =	simm.s32 @!p1 $0x0  }
0x14: {  	s2 =	sld [smem:$0x3F9A];
	s0 =	simm.s32 @p1 $0x1  }
0x15: {  	[smem:$0x3FB7] =	sst s0;
	s0 =	simm.s32 @!p2 $0x0  }
0x16: {  	s3 =	sld [smem:$0x3FDB];
	s0 =	simm.s32 @p2 $0x1  }
0x17: {  	s4 =	simm.s32 $0x1BF5;
	[smem:$0x3FB9] =	sst s0  }
0x18: {  	s0 =	sld [smem:$0x3F9C];
	_ =	swait.ge [sflag:s4], $0x0  }
0x19: {  	s7 =	sld [smem:$0x3F9D]  }
0x1a: {  	s8 =	sadd.s32 $0xFFFFE003, lr  }
0x1b: {  	s9 =	sadd.s32 $0xFFFFFEF7, lr;
	s5 =	simm.s32 $0xFFFFFFFF;
	p2 =	slt.u32 s8, $0xFFFFF086  }
0x1c: {  	p1 =	slt.u32 s9, $0xF7A;
	s5 =	simm.s32 @!p2 $0x0  }
0x1d: {  	s5 =	simm.s32 @p1 $0x1;
	p0 =	seq.s32 s7, s2  }
0x1e: {  	s7 =	smul.u32 @!p0 $0xF7A, s2;
	p2 =	seq.s32 @!p0 s5, $0x0  }
0x1f: {  	s9 =	smul.u32 $0xF7A, s1;
	s8 =	simm.s32 @!p0 $0x1BF5;
	p2 =	por !p2, p0  }
0x20: {  	[sflag:s8] =	ssyncset.s32 @!p0 $0xFFFFF086;
	s6 =	sadd.s32 @!p0 s3, s7;
	s7 =	simm.s32 @!p0 $0x108  }
0x21: {  	s3 =	sadd.s32 s3, s9;
	s6 =	sadd.s32 @!p0 $0x88, s6;
	s7 =	simm.s32 @p2 $0x1082  }
0x22: {  	[simem:s7], [sflag:s8] =	dma.local @!p0 [hbm:s6], $0xF7A  }
0x23: {  	s9 =	sor.u32 $0xD0000000, s2;
	s6 =	simm.s32 $0x108;
	_ =	swait.ge @!p0 [sflag:s8], $0x0  }
0x24: {  	s3 =	sadd.s32 $0x88, s3;
	s6 =	simm.s32 @!p1 $0x1082;
	[sflag:s4] =	ssyncset.s32 $0xFFFFF086  }
0x25: {  	[simem:s6], [sflag:s4] =	dma.local [hbm:s3], $0xF7A  }
0x26: {  	[smem:$0x3F9D] =	sst s1;
	(tag) =	ssettag s2;
	_ =	strace s9  }
0x27: {  	s1 =	sld [smem:$0x3FAD]  }
0x28: {  	s2 =	sld [smem:$0x3FAE]  }
0x29: {  	s4 =	sld [smem:$0x3FB0]  }
0x2a: {  	p0 =	seq.s32 s5, $0x0;
	s5 =	sld [smem:$0x3FB1]  }
0x2b: {  	s6 =	sld [smem:$0x3FB2]  }
0x2c: {  	s7 =	sld [smem:$0x3FB3]  }
0x2d: {  	s3 =	simm.s32 $0x108;
	s8 =	sld [smem:$0x3FB4]  }
0x2e: {  	s3 =	simm.s32 @!p0 $0x1082;
	s9 =	sld [smem:$0x3FB5]  }
0x2f: {  	lr =	sadd.s32 s0, s3;
	s0 =	sld [smem:$0x3FAC]  }
0x30: {  	s3 =	sld [smem:$0x3FAF]  }
0x31: {  	[smem:$0x3FB8] =	sst s10  }
0x32: {  	s10 =	sld [smem:$0x3FB6];
	_ =	sdelay $0x3  }
0x33: {  	p0 =	seq.s32 s10, $0x1;
	s10 =	sld [smem:$0x3FB8];
	_ =	sdelay $0x3  }
0x34: {  	[smem:$0x3FB8] =	sst s10  }
0x35: {  	s10 =	sld [smem:$0x3FB7];
	_ =	sdelay $0x3  }
0x36: {  	p1 =	seq.s32 s10, $0x1;
	s10 =	sld [smem:$0x3FB8];
	_ =	sdelay $0x3  }
0x37: {  	[smem:$0x3FB8] =	sst s10  }
0x38: {  	s10 =	sld [smem:$0x3FB9]  }
0x39: {  	_ = 	snop;
	(pc) =	sbr.ind lr, $3  }
0x3a: {  	_ = 	snop  }
0x3b: {  	_ = 	snop  }
0x3c: {  	p2 =	seq.s32 s10, $0x1;
	s10 =	sld [smem:$0x3FB8]  }
0x3d: {  	_ =	shalt  }
0x3e: {  	_ =	shalt  }
0x3f: {  	_ =	shalt  }
0x40: {  	_ =	shalt  }
0x41: {  	_ =	shalt  }
0x42: {  	_ =	shalt  }
0x43: {  	_ =	shalt  }
0x44: {  	_ =	shalt  }
0x45: {  	_ =	shalt  }
0x46: {  	_ =	shalt  }
0x47: {  	_ =	shalt  }
0x48: {  	_ =	shalt  }
0x49: {  	_ =	shalt  }
0x4a: {  	_ =	shalt  }
0x4b: {  	_ =	shalt  }
0x4c: {  	_ =	shalt  }
0x4d: {  	_ =	shalt  }
0x4e: {  	_ =	shalt  }
0x4f: {  	_ =	shalt  }
0x50: {  	_ =	shalt  }
0x51: {  	_ =	shalt  }
0x52: {  	_ =	shalt  }
0x53: {  	_ =	shalt  }
0x54: {  	_ =	shalt  }
0x55: {  	_ =	shalt  }
0x56: {  	_ =	shalt  }
0x57: {  	_ =	shalt  }
0x58: {  	_ =	shalt  }
0x59: {  	_ =	shalt  }
0x5a: {  	_ =	shalt  }
0x5b: {  	_ =	shalt  }
0x5c: {  	_ =	shalt  }
0x5d: {  	_ =	shalt  }
0x5e: {  	_ =	shalt  }
0x5f: {  	_ =	shalt  }
0x60: {  	_ =	shalt  }
0x61: {  	_ =	shalt  }
0x62: {  	_ =	shalt  }
0x63: {  	_ =	shalt  }
0x64: {  	_ =	shalt  }
0x65: {  	_ =	shalt  }
0x66: {  	_ =	shalt  }
0x67: {  	_ =	shalt  }
0x68: {  	_ =	shalt  }
0x69: {  	_ =	shalt  }
0x6a: {  	_ =	shalt  }
0x6b: {  	_ =	shalt  }
0x6c: {  	_ =	shalt  }
0x6d: {  	_ =	shalt  }
0x6e: {  	_ =	shalt  }
0x6f: {  	_ =	shalt  }
0x70: {  	_ =	shalt  }
0x71: {  	_ =	shalt  }
0x72: {  	_ =	shalt  }
0x73: {  	_ =	shalt  }
0x74: {  	_ =	shalt  }
0x75: {  	_ =	shalt  }
0x76: {  	_ =	shalt  }
0x77: {  	_ =	shalt  }
0x78: {  	_ =	shalt  }
0x79: {  	_ =	shalt  }
0x7a: {  	_ =	shalt  }
0x7b: {  	_ =	shalt  }
0x7c: {  	_ =	shalt  }
0x7d: {  	_ =	shalt  }
0x7e: {  	_ =	shalt  }
0x7f: {  	_ =	shalt  }
0x80: {  	_ =	shalt  }
0x81: {  	_ =	shalt  }
0x82: {  	_ =	shalt  }
0x83: {  	_ =	shalt  }
0x84: {  	_ =	shalt  }
0x85: {  	_ =	shalt  }
0x86: {  	_ =	shalt  }
0x87: {  	_ =	shalt  }
.Lfunc_end0:
.L_simem_size_0:
called_computation_lowered:
.L_overlay_start_0:
0x88: {  	s2 =	sld [smem:$0x3FD9]  }
0x89: {  	s3 =	sld [smem:$0x3FFE];
	_ =	sdelay $0x1  }
0x8a: {  	s1 =	srdreg.scid  }
0x8b: {  	s0 =	sand.u32 $0x1, s1  }
0x8c: {  	s17 =	sshll.u32 s0, $0xA;
	s2 =	sadd.s32 s3, s2  }
0x8d: {  	s2 =	sadd.s32 s2, s17  }
0x8e: {  	[smem:$0x3FC4] =	sst s2  }
0x8f: {  	_ = 	snop  }
0x90: {  	s2 =	sld [smem:$0x3FC8]  }
0x91: {  	s18 =	sld [smem:$0x3FC7]  }
0x92: {  	s4 =	sld [smem:$0x3FC6]  }
0x93: {  	s5 =	sld [smem:$0x3FD0];
	(tm) =	ssettm $0x1  }
0x94: {  	s6 =	sld [smem:$0x3FFB];
	_ =	sdelay $0x3  }
0x95: {  	_ =	strace s6  }
0x96: {  	s6 =	sld [smem:$0x3FFC];
	_ =	sdelay $0x3  }
0x97: {  	_ =	strace s6  }
0x98: {  	s6 =	sld [smem:$0x3FFD];
	_ =	sdelay $0x3  }
0x99: {  	_ =	strace s6  }
0x9a: {  	_ =	strace $0x8FFFFFFF  }
0x9b: {  	s19 =	sld [smem:$0x3FDB];
	_ =	sdelay $0x1  }
0x9c: {  	s7 =	simm.s32 $_scs_section_size  }
0x9d: {  	s8 =	simm.s32 $_size__tile_overlayer_lowered;
	s9 =	simm.s32 $_tile_overlayer_lowered  }
0x9e: {  	s22 =	simm.s32 $0x1BFF;
	s21 =	sshll.u32 s9, $0x1;
	s6 =	sadd.s32 s7, s19  }
0x9f: {  	s10 =	simm.s32 $0x0;
	s20 =	sshll.u32 s8, $0x1;
	s8 =	sadd.s32 s21, s6  }
0xa0: {  	[timem:s10], [sflag:s22] =	dma.local [hbm:s8], s20  }
0xa1: {  	_ =	swait.ge [sflag:s22], s20  }
0xa2: {  	s7 =	ssub.s32 $0x0, s20;
	[sflag:s22] =	ssyncset.done $0x0  }
0xa3: {  	[sflag:s22] =	ssyncadd.s32 s7;
	_ =	sdelay $0x1  }
0xa4: {  	s23 =	simm.s32 $0x1B8B  }
0xa5: {  	_ =	swait.ge [sflag:s23], $0x1  }
0xa6: {  	[sflag:s23] =	ssyncset.done $0x0  }
0xa7: {  	s25 =	simm.s32 $0x1B8E;
	s24 =	sld [smem:$0x3FFE];
	[sflag:s23] =	ssyncadd.s32 $0xFFFFFFFF  }
0xa8: {  	s26 =	simm.s32 $execute0_lowered;
	[smem:$0x3FD2] =	sst s25  }
0xa9: {  	s8 =	sshll.u32 s26, $0x1;
	_ =	strace $0x80000046;
	[dreg:$0x1] =	wrdreg $0xFFFFFFFF  }
0xaa: {  	s28 =	simm.s32 $_size_execute0_lowered;
	s6 =	sadd.s32 s6, s8;
	[dreg:$0x0] =	wrdreg $0x0  }
0xab: {  	s8 =	sshll.u32 s28, $0x1;
	[dreg:$0x2] =	wrdreg s6  }
0xac: {  	[dreg:$0x3] =	wrdreg s8  }
0xad: {  	[dreg:$0x4] =	wrdreg $0xC0  }
0xae: {  	_ =	task [dreg:s10], $0x5FFFF  }
0xaf: {  	[dreg:$0x1] =	wrdreg $0xFFFFFFFF  }
0xb0: {  	[dreg:$0x0] =	wrdreg $0x60  }
0xb1: {  	[dreg:$0x2] =	wrdreg s5  }
0xb2: {  	[dreg:$0x3] =	wrdreg s2  }
0xb3: {  	[dreg:$0x4] =	wrdreg s18  }
0xb4: {  	[dreg:$0x5] =	wrdreg s4  }
0xb5: {  	[dreg:$0x6] =	wrdreg s24  }
0xb6: {  	[dreg:$0x7] =	wrdreg $0x1A0000  }
0xb7: {  	[dreg:$0x8] =	wrdreg $0x9  }
0xb8: {  	_ =	task.clear_ibuf [dreg:s10], $0x9FFFF;
	_ =	strace $0x90000046  }
0xb9: {  	s29 =	simm.s32 $0x9;
	_ =	strace $0x80000048  }
0xba: {  	_ =	swait.ge [sflag:s29], $0x1  }
0xbb: {  	[sflag:s29] =	ssyncadd.s32 $0xFFFFFFFF  }
0xbc: {  	_ =	strace $0x90000048  }
0xbd: {  	_ =	sfence  }
0xbe: {  	s30 =	sld [smem:$0x0];
	_ =	sdelay $0x2  }
0xbf: {  	s31 =	sshll.u32 s1, $0xD;
	s1 =	sshrl.u32 s1, $0x2  }
0xc0: {  	s3 =	sand.u32 $0x4000, s31;
	s1 =	sadd.s32 s1, s30  }
0xc1: {  	s0 =	sor.u32 s3, s0;
	s1 =	sshll.u32 s1, $0x11  }
0xc2: {  	s0 =	sor.u32 s1, s0  }
0xc3: {  	s0 =	sadd.s32 $0x8F2B, s0  }
0xc4: {  	[sflag:s0] =	ssyncadd.remote.s32 $0x1  }
0xc5: {  	_ =	sfence.sel $0xFFFF  }
0xc6: {  	[dreg:$0x0] =	wrdreg $0xFFFFFFFF;
	(pc) =	sbr.abs _section_cstart, $3  }
0xc7: {  	[dreg:$0x1] =	wrdreg $0xFFFFFFFF  }
0xc8: {  	_ =	task.clear_ibuf [dreg:s10], $0x2FFFF;
	_ =	strace $0x9FFFFFFF  }
0xc9: {  	(tm) =	ssettm $0x7FFFFFFF  }
tec
execute0_lowered:
.L_overlay_start_1:
0x0: {  	(tag) =	ssettag $0x1  }
0x1: {  	s0 =	srdreg.scid  }
0x2: {  	s9 =	stileid.u32;
	s2 =	sand.u32 $0x1, s0  }
0x3: {  	s0 =	sshll.u32 s9, $0xD;
	s5 =	sshll.u32 s2, $0x11  }
0x4: {  	s3 =	rddreg [dreg:$0x1];
	s5 =	sor.u32 s0, s5  }
0x5: {  	s7 =	rddreg [dreg:$0x3];
	s1 =	ssub.s32 $0x2, s2;
	s12 =	sor.u32 $0x200, s5  }
0x6: {  	s4 =	rddreg [dreg:$0x2];
	s6 =	sshrl.u32 s1, $0x1;
	s8 =	sadd.s32 s7, s12  }
0x7: {  	s1 =	ssub.s32 s1, s6;
	s13 =	sadd.s32 s3, s12;
	[dreg:$0x7] =	wrdreg s8  }
0x8: {  	s14 =	sor.u32 $0x400, s5;
	s6 =	sadd.s32 s4, s12;
	[dreg:$0x8] =	wrdreg s13  }
0x9: {  	s15 =	sadd.s32 s7, s14;
	[dreg:$0x9] =	wrdreg s6  }
0xa: {  	s16 =	sor.u32 $0x600, s5;
	s10 =	sadd.s32 s3, s14;
	[dreg:$0xa] =	wrdreg s15  }
0xb: {  	s17 =	sadd.s32 s7, s16;
	[dreg:$0xb] =	wrdreg s10  }
0xc: {  	s19 =	sor.u32 $0x800, s5;
	s18 =	sadd.s32 s3, s16;
	[dreg:$0xd] =	wrdreg s17  }
0xd: {  	s20 =	sadd.s32 s7, s19;
	[dreg:$0xe] =	wrdreg s18  }
0xe: {  	s22 =	sor.u32 $0xA00, s5;
	s21 =	sadd.s32 s3, s19;
	[dreg:$0x10] =	wrdreg s20  }
0xf: {  	s23 =	sadd.s32 s7, s22;
	[dreg:$0x11] =	wrdreg s21  }
0x10: {  	s24 =	sor.u32 $0xC00, s5;
	s25 =	sadd.s32 s3, s22;
	[dreg:$0x13] =	wrdreg s23  }
0x11: {  	s11 =	sor.u32 $0xE00, s5;
	s26 =	sadd.s32 s7, s24;
	[dreg:$0x14] =	wrdreg s25  }
0x12: {  	s12 =	sadd.s32 s7, s11;
	[dreg:$0x16] =	wrdreg s26  }
0x13: {  	s8 =	sadd.s32 s4, s14;
	[dreg:$0x19] =	wrdreg s12  }
0x14: {  	s6 =	sadd.s32 s4, s16;
	[dreg:$0xc] =	wrdreg s8  }
0x15: {  	s10 =	sadd.s32 s3, s24;
	[dreg:$0xf] =	wrdreg s6  }
0x16: {  	s13 =	sadd.s32 s3, s11;
	[dreg:$0x17] =	wrdreg s10  }
0x17: {  	s6 =	sadd.s32 s4, s19;
	[dreg:$0x1a] =	wrdreg s13  }
0x18: {  	s14 =	sor.u32 $0x1000, s5;
	s8 =	sadd.s32 s4, s22;
	[dreg:$0x12] =	wrdreg s6  }
0x19: {  	s15 =	sadd.s32 s7, s14;
	[dreg:$0x15] =	wrdreg s8  }
0x1a: {  	s16 =	sor.u32 $0x1200, s5;
	s17 =	sadd.s32 s3, s14;
	[dreg:$0x1c] =	wrdreg s15  }
0x1b: {  	s18 =	sadd.s32 s7, s16;
	[dreg:$0x1d] =	wrdreg s17  }
0x1c: {  	s20 =	sor.u32 $0x1400, s5;
	s19 =	sadd.s32 s3, s16;
	[dreg:$0x1f] =	wrdreg s18  }
0x1d: {  	s21 =	sadd.s32 s7, s20;
	[smem:$0x7E7] =	sst s19  }
0x1e: {  	s23 =	sor.u32 $0x1600, s5;
	s22 =	sadd.s32 s3, s20;
	[smem:$0x7E9] =	sst s21  }
0x1f: {  	s25 =	sor.u32 $0x1800, s5;
	s26 =	sadd.s32 s3, s23;
	[smem:$0x7EA] =	sst s22  }
0x20: {  	s12 =	sor.u32 $0x1A00, s5;
	s10 =	sadd.s32 s7, s25;
	[smem:$0x7ED] =	sst s26  }
0x21: {  	s13 =	sadd.s32 s7, s12;
	[smem:$0x7EF] =	sst s10  }
0x22: {  	s6 =	sadd.s32 s4, s24;
	[smem:$0x7F2] =	sst s13  }
0x23: {  	s8 =	sadd.s32 s4, s14;
	[dreg:$0x18] =	wrdreg s6  }
0x24: {  	s24 =	sadd.s32 s7, s23;
	[dreg:$0x1e] =	wrdreg s8  }
0x25: {  	s14 =	sadd.s32 s3, s12;
	[smem:$0x7EC] =	sst s24  }
0x26: {  	s15 =	sadd.s32 s7, s5;
	[smem:$0x7F3] =	sst s14  }
0x27: {  	s18 =	sadd.s32 s4, s5;
	[smem:$0x7F5] =	sst s15  }
0x28: {  	s28 =	simm.s32 $0x10000;
	s6 =	sadd.s32 s4, s11;
	[smem:$0x7F7] =	sst s18  }
0x29: {  	s29 =	simm.s32 $0x12000;
	s8 =	sadd.s32 s4, s23;
	[dreg:$0x1b] =	wrdreg s6  }
0x2a: {  	s17 =	sor.u32 $0x1C00, s5;
	s11 =	sadd.s32 s3, s25;
	[smem:$0x7EE] =	sst s8  }
0x2b: {  	s30 =	simm.s32 $0x14000;
	s19 =	sadd.s32 s7, s17;
	[smem:$0x7F0] =	sst s11  }
0x2c: {  	s31 =	simm.s32 $0x11000;
	s6 =	sadd.s32 s4, s16;
	[smem:$0x7F8] =	sst s19  }
0x2d: {  	s2 =	sshll.u32 s2, $0x7;
	s16 =	sadd.s32 s3, s5;
	[smem:$0x7E8] =	sst s6  }
0x2e: {  	s22 =	sshll.u32 s9, $0x6;
	s6 =	sadd.s32 s4, s20;
	[smem:$0x7F6] =	sst s16  }
0x2f: {  	s5 =	sor.u32 $0x1E00, s5;
	s20 =	sadd.s32 s3, s17;
	[smem:$0x7EB] =	sst s6  }
0x30: {  	s10 =	simm.s32 $0x5;
	s21 =	sadd.s32 s7, s5;
	[smem:$0x7F9] =	sst s20  }
0x31: {  	s13 =	simm.s32 $0x0;
	s3 =	sadd.s32 s3, s5;
	[smem:$0x7FB] =	sst s21  }
0x32: {  	s23 =	sshll.u32 s9, $0xE;
	s9 =	simm.s32 $0x4;
	[smem:$0x7FC] =	sst s3  }
0x33: {  	s8 =	simm.s32 $0x19000;
	s6 =	sadd.s32 s4, s25;
	s25 =	rddreg [dreg:$0x4]  }
0x34: {  	s11 =	simm.s32 $0x80;
	s7 =	simm.s32 $0x3;
	s20 =	rddreg [dreg:$0x5]  }
0x35: {  	s3 =	sor.u32 $0x20, s22;
	[smem:$0x7F1] =	sst s6;
	s6 =	sadd.s32 s4, s12  }
0x36: {  	s24 =	sshll.u32 s3, $0x8;
	s26 =	sshll.u32 s3, $0x7;
	s22 =	sadd.s32 s0, s20  }
0x37: {  	s0 =	simm.s32 $0x13000;
	[smem:$0x7F4] =	sst s6;
	s6 =	sadd.s32 s4, s17  }
0x38: {  	s3 =	simm.s32 $0x1000;
	s4 =	sadd.s32 s4, s5;
	[smem:$0x7FA] =	sst s6  }
0x39: {  	s12 =	simm.s32 $0x100;
	s17 =	simm.s32 $0x0;
	[smem:$0x7FD] =	sst s4  }
0x3a: {  	s5 =	sadd.s32 $0x400, s25;
	s25 =	simm.s32 $0x6;
	[smem:$0x7FF] =	sst s17  }
0x3b: {  	s4 =	sor.u32 s2, s23;
	s2 =	sor.u32 s2, s24;
	s23 =	sadd.s32 s26, s20  }
0x3c: {  	s24 =	smax.u32 s1, $0x1;
	s26 =	simm.s32 $0x17000;
	s1 =	simm.s32 $0x15000  }
0x3d: {  	s6 =	simm.s32 $0x18000;
	s4 =	sshrl.u32 s4, $0x3;
	s2 =	sshrl.u32 s2, $0x3  }
0x3e: {  	_ =	strace $0x80000047;
	s19 =	sadd.s32 s5, s4;
	s21 =	sadd.s32 s5, s2  }
0x3f: {  	v0 =	vimm.f32 $0.0e+00;
	s2 =	simm.s32 $0x1;
	s4 =	simm.s32 $0x16000;
	s5 =	simm.s32 $0x2  }
.LBB2_1:
0x40: {  	s14 =	rddreg [dreg:$0x0]  }
0x41: {  	[tilespmem:s17], [sflag:$0x6] =	stream.linear.gather [hbm4b:s14+s17], $0x10000, $0x38;
	[tilespmem:$0x1C000] =	vst v63  }
0x42: {  	_ =	swait.ge [sflag:s25], $0x10000  }
0x43: {  	[sflag:s25] =	ssyncset.done $0x0  }
0x44: {  	s15 =	simm.s32 $0x0;
	s14 =	simm.s32 $0x40;
	[sflag:s25] =	ssyncadd.s32 $0xFFFF0000  }
.LBB2_2:
0x45: {  	p0 =	sne.s32 s14, $0x3FC0;
	[tilespmem:s15+$0x17000] =	vst v0;
	s15 =	smov.u32 s14;
	s14 =	sadd.s32 $0x40, s14  }
.Ltmp0:
0x46: {  	(pc) =	sbr.rel @p0 .LBB2_2-.Ltmp0, $2  }
0x47: {  	_ =	sdelay $0x2  }
0x48: {  	s15 =	sshra.s32 s15, $0x2  }
0x49: {  	[tilespmem:s15+$0x17000] =	vst v0  }
0x4a: {  	[spmem:s22] =	stream.linear.scatter [tilespmem:s26], [sflag:$0x6], $0x1000, $0x38;
	[tilespmem:$0x1C000] =	vst v63  }
0x4b: {  	_ =	swait.ge [sflag:s25], $0x1000  }
0x4c: {  	[sflag:s25] =	ssyncset.done $0x0  }
0x4d: {  	[sflag:s25] =	ssyncadd.s32 $0xFFFFF000  }
0x4e: {  	[spmem:s23] =	stream.linear.scatter [tilespmem:s26], [sflag:$0x6], $0x1000, $0x38;
	[tilespmem:$0x1C000] =	vst v63  }
0x4f: {  	_ =	swait.ge [sflag:s25], $0x1000  }
0x50: {  	[sflag:s25] =	ssyncset.done $0x0  }
0x51: {  	[sflag:s25] =	ssyncadd.s32 $0xFFFFF000  }
0x52: {  	[bflag:$0x0] =	sbarrier.arrive $0xFFFF  }
0x53: {  	s14 =	sld [smem:$0x7F5];
	_ =	sdelay $0x1  }
0x54: {  	s15 =	sld [smem:$0x7F6]  }
0x55: {  	[tilespmem:s28], [sflag:$0x1] =	stream.linear.gather [hbm4b:s14+s17], $0x1000, $0x38;
	[tilespmem:$0x1C000] =	vst v63  }
0x56: {  	s16 =	sld [smem:$0x7F7]  }
0x57: {  	[tilespmem:s29], [sflag:$0x1] =	stream.linear.gather [hbm4b:s15+s17], $0x1000, $0x38;
	[tilespmem:$0x1C000] =	vst v63  }
0x58: {  	_ = 	snop  }
0x59: {  	[tilespmem:s30], [sflag:$0x1] =	stream.linear.gather [hbm4b:s16+s17], $0x1000, $0x38;
	[tilespmem:$0x1C000] =	vst v63  }
0x5a: {  	s18 =	rddreg [dreg:$0x7]  }
0x5b: {  	[tilespmem:s31], [sflag:$0x2] =	stream.linear.gather [hbm4b:s18+s17], $0x1000, $0x38;
	[tilespmem:$0x1C000] =	vst v63  }
0x5c: {  	s15 =	rddreg [dreg:$0x8]  }
0x5d: {  	[tilespmem:s0], [sflag:$0x2] =	stream.linear.gather [hbm4b:s15+s17], $0x1000, $0x38;
	[tilespmem:$0x1C000] =	vst v63  }
0x5e: {  	s16 =	rddreg [dreg:$0x9]  }
0x5f: {  	[tilespmem:s1], [sflag:$0x2] =	stream.linear.gather [hbm4b:s16+s17], $0x1000, $0x38;
	[tilespmem:$0x1C000] =	vst v63  }
0x60: {  	_ =	swait.ge [sflag:s2], $0x1000  }
0x61: {  	[sflag:s2] =	ssyncset.done $0x0  }
0x62: {  	[sflag:s2] =	ssyncadd.s32 $0xFFFFF000  }
0x63: {  	_ =	swait.ge [sflag:s2], $0x1000  }
0x64: {  	[sflag:s2] =	ssyncset.done $0x0  }
0x65: {  	[sflag:s2] =	ssyncadd.s32 $0xFFFFF000  }
0x66: {  	_ =	swait.ge [sflag:s2], $0x1000  }
0x67: {  	[sflag:s2] =	ssyncset.done $0x0  }
0x68: {  	s18 =	simm.s32 $0x10040;
	[sflag:s2] =	ssyncadd.s32 $0xFFFFF000  }
0x69: {  	v1 =	vld [tilespmem:s18+$0x30]  }
0x6a: {  	v2 =	vld [tilespmem:s18+$0xFFFFFFD0]  }
0x6b: {  	v3 =	vld [tilespmem:s18+$0xFFFFFFE0]  }
0x6c: {  	v4 =	vld [tilespmem:s18+$0xFFFFFFF0]  }
0x6d: {  	v6 =	vld [tilespmem:s18+$0x0]  }
0x6e: {  	v7 =	vld [tilespmem:s18+$0x10]  }
0x6f: {  	v8 =	vld [tilespmem:s18+$0x20]  }
0x70: {  	s14 =	simm.s32 $0x12040;
	v9 =	vld [tilespmem:s18+$0xFFFFFFC0]  }
0x71: {  	v12 =	vld [tilespmem:s14+$0x30]  }
0x72: {  	v15 =	vld [tilespmem:s14+$0xFFFFFFD0]  }
0x73: {  	v10 =	vld [tilespmem:s14+$0xFFFFFFE0]  }
0x74: {  	v11 =	vld.idx.msk [tilespmem:v1+s17+$0x0], $0xffff  }
0x75: {  	v13 =	vld.idx.msk [tilespmem:v2+s17+$0x0], $0xffff  }
0x76: {  	v5 =	vld.idx.msk [tilespmem:v3+s17+$0x0], $0xffff  }
0x77: {  	v4 =	vld.idx.msk [tilespmem:v4+s17+$0x0], $0xffff  }
0x78: {  	v14 =	vld.idx.msk [tilespmem:v9+s17+$0x0], $0xffff  }
0x79: {  	v2 =	vld.idx.msk [tilespmem:v8+s17+$0x0], $0xffff  }
0x7a: {  	v8 =	vld [tilespmem:s14+$0xFFFFFFC0]  }
0x7b: {  	v3 =	vld.idx.msk [tilespmem:v6+s17+$0x0], $0xffff  }
0x7c: {  	v1 =	vld.idx.msk [tilespmem:v7+s17+$0x0], $0xffff  }
0x7d: {  	v9 =	vld [tilespmem:s14+$0xFFFFFFF0]  }
0x7e: {  	v7 =	vld [tilespmem:s14+$0x0];
	v11 =	vmul.f32 v12, v11  }
0x7f: {  	s15 =	simm.s32 $0x17040;
	v6 =	vld [tilespmem:s14+$0x10];
	v12 =	vmul.f32 v8, v14  }
0x80: {  	s16 =	simm.s32 $0x0;
	s18 =	simm.s32 $0x100C0;
	v8 =	vld [tilespmem:s14+$0x20];
	[tilespmem:s15+$0x30] =	vst v11;
	v11 =	vmul.f32 v15, v13  }
.LBB2_4:
0x81: {  	v13 =	vld [tilespmem:s18+$0x30];
	s16 =	sadd.s32 $0x80, s16;
	[tilespmem:s15+$0xFFFFFFC0] =	vst v12;
	v5 =	vmul.f32 v10, v5  }
0x82: {  	v10 =	vld [tilespmem:s18+$0xFFFFFFD0];
	p0 =	slt.u32 s16, $0xF80;
	[tilespmem:s15+$0xFFFFFFD0] =	vst v11;
	v4 =	vmul.f32 v9, v4  }
0x83: {  	v9 =	vld [tilespmem:s18+$0xFFFFFFE0];
	[tilespmem:s15+$0xFFFFFFE0] =	vst v5;
	v3 =	vmul.f32 v7, v3  }
0x84: {  	v7 =	vld [tilespmem:s18+$0xFFFFFFF0];
	[tilespmem:s15+$0xFFFFFFF0] =	vst v4;
	v1 =	vmul.f32 v6, v1  }
0x85: {  	v6 =	vld [tilespmem:s18+$0x0];
	[tilespmem:s15+$0x0] =	vst v3;
	v2 =	vmul.f32 v8, v2  }
0x86: {  	v8 =	vld [tilespmem:s18+$0x10];
	[tilespmem:s15+$0x10] =	vst v1  }
0x87: {  	v11 =	vld [tilespmem:s18+$0x20];
	[tilespmem:s15+$0x20] =	vst v2  }
0x88: {  	v2 =	vld [tilespmem:s18+$0xFFFFFFC0]  }
0x89: {  	s14 =	sadd.s32 $0x80, s14;
	v12 =	vld.idx.msk [tilespmem:v13+s17+$0x0], $0xffff  }
0x8a: {  	v13 =	vld [tilespmem:s14+$0x30]  }
0x8b: {  	v14 =	vld.idx.msk [tilespmem:v10+s17+$0x0], $0xffff  }
0x8c: {  	v5 =	vld.idx.msk [tilespmem:v9+s17+$0x0], $0xffff  }
0x8d: {  	v4 =	vld.idx.msk [tilespmem:v7+s17+$0x0], $0xffff  }
0x8e: {  	v3 =	vld.idx.msk [tilespmem:v6+s17+$0x0], $0xffff  }
0x8f: {  	v1 =	vld.idx.msk [tilespmem:v8+s17+$0x0], $0xffff;
	v6 =	vmul.f32 v13, v12  }
0x90: {  	s15 =	sadd.s32 $0x80, s15;
	v8 =	vld.idx.msk [tilespmem:v2+s17+$0x0], $0xffff  }
0x91: {  	v2 =	vld.idx.msk [tilespmem:v11+s17+$0x0], $0xffff;
	[tilespmem:s15+$0x30] =	vst v6  }
0x92: {  	v6 =	vld [tilespmem:s14+$0xFFFFFFC0]  }
0x93: {  	v11 =	vld [tilespmem:s14+$0xFFFFFFD0]  }
.Ltmp1:
0x94: {  	v10 =	vld [tilespmem:s14+$0xFFFFFFE0];
	(pc) =	sbr.rel @p0 .LBB2_4-.Ltmp1, $4  }
0x95: {  	v9 =	vld [tilespmem:s14+$0xFFFFFFF0]  }
0x96: {  	v7 =	vld [tilespmem:s14+$0x0]  }
0x97: {  	v12 =	vmul.f32 v6, v8;
	v6 =	vld [tilespmem:s14+$0x10]  }
0x98: {  	s18 =	sadd.s32 $0x80, s18;
	v11 =	vmul.f32 v11, v14;
	v8 =	vld [tilespmem:s14+$0x20]  }
0x99: {  	[tilespmem:s15+$0xFFFFFFC0] =	vst v12;
	v5 =	vmul.f32 v10, v5  }
0x9a: {  	[tilespmem:s15+$0xFFFFFFD0] =	vst v11;
	v4 =	vmul.f32 v9, v4  }
0x9b: {  	[tilespmem:s15+$0xFFFFFFE0] =	vst v5;
	v3 =	vmul.f32 v7, v3  }
0x9c: {  	[tilespmem:s15+$0xFFFFFFF0] =	vst v4;
	v1 =	vmul.f32 v6, v1  }
0x9d: {  	[tilespmem:s15+$0x0] =	vst v3;
	v2 =	vmul.f32 v8, v2  }
0x9e: {  	[tilespmem:s15+$0x10] =	vst v1  }
0x9f: {  	[tilespmem:s15+$0x20] =	vst v2  }
0xa0: {  	[spmem:s20] =	stream.indirect.scatter.add.f32 [tilespmem:s26], [sflag:$0x3], $0x1, s30, s3, $0xb8;
	[tilespmem:$0x1C000] =	vst v63  }
0xa1: {  	s14 =	rddreg [dreg:$0xa]  }
0xa2: {  	[tilespmem:s28], [sflag:$0x1] =	stream.linear.gather [hbm4b:s14+s17], $0x1000, $0x38;
	[tilespmem:$0x1C000] =	vst v63  }
0xa3: {  	s15 =	rddreg [dreg:$0xb]  }
0xa4: {  	[tilespmem:s29], [sflag:$0x1] =	stream.linear.gather [hbm4b:s15+s17], $0x1000, $0x38;
	[tilespmem:$0x1C000] =	vst v63  }
0xa5: {  	s16 =	rddreg [dreg:$0xc]  }
0xa6: {  	[tilespmem:s4], [sflag:$0x1] =	stream.linear.gather [hbm4b:s16+s17], $0x1000, $0x38;
	[tilespmem:$0x1C000] =	vst v63  }
0xa7: {  	_ =	swait.ge [sflag:s5], $0x1000  }
0xa8: {  	[sflag:s5] =	ssyncset.done $0x0  }
0xa9: {  	[sflag:s5] =	ssyncadd.s32 $0xFFFFF000  }
0xaa: {  	_ =	swait.ge [sflag:s5], $0x1000  }
0xab: {  	[sflag:s5] =	ssyncset.done $0x0  }
0xac: {  	[sflag:s5] =	ssyncadd.s32 $0xFFFFF000  }
0xad: {  	_ =	swait.ge [sflag:s5], $0x1000  }
0xae: {  	[sflag:s5] =	ssyncset.done $0x0  }
0xaf: {  	s18 =	simm.s32 $0x11040;
	[sflag:s5] =	ssyncadd.s32 $0xFFFFF000  }
0xb0: {  	v1 =	vld [tilespmem:s18+$0x30]  }
0xb1: {  	v2 =	vld [tilespmem:s18+$0xFFFFFFD0]  }
0xb2: {  	v3 =	vld [tilespmem:s18+$0xFFFFFFE0]  }
0xb3: {  	v4 =	vld [tilespmem:s18+$0xFFFFFFF0]  }
0xb4: {  	v6 =	vld [tilespmem:s18+$0x0]  }
0xb5: {  	v7 =	vld [tilespmem:s18+$0x10]  }
0xb6: {  	v8 =	vld [tilespmem:s18+$0x20]  }
0xb7: {  	s14 =	simm.s32 $0x13040;
	v9 =	vld [tilespmem:s18+$0xFFFFFFC0]  }
0xb8: {  	v12 =	vld [tilespmem:s14+$0x30]  }
0xb9: {  	v15 =	vld [tilespmem:s14+$0xFFFFFFD0]  }
0xba: {  	v10 =	vld [tilespmem:s14+$0xFFFFFFE0]  }
0xbb: {  	v11 =	vld.idx.msk [tilespmem:v1+s17+$0x0], $0xffff  }
0xbc: {  	v13 =	vld.idx.msk [tilespmem:v2+s17+$0x0], $0xffff  }
0xbd: {  	v5 =	vld.idx.msk [tilespmem:v3+s17+$0x0], $0xffff  }
0xbe: {  	v4 =	vld.idx.msk [tilespmem:v4+s17+$0x0], $0xffff  }
0xbf: {  	v14 =	vld.idx.msk [tilespmem:v9+s17+$0x0], $0xffff  }
0xc0: {  	v2 =	vld.idx.msk [tilespmem:v8+s17+$0x0], $0xffff  }
0xc1: {  	v8 =	vld [tilespmem:s14+$0xFFFFFFC0]  }
0xc2: {  	v3 =	vld.idx.msk [tilespmem:v6+s17+$0x0], $0xffff  }
0xc3: {  	v1 =	vld.idx.msk [tilespmem:v7+s17+$0x0], $0xffff  }
0xc4: {  	v9 =	vld [tilespmem:s14+$0xFFFFFFF0]  }
0xc5: {  	v7 =	vld [tilespmem:s14+$0x0];
	v11 =	vmul.f32 v12, v11  }
0xc6: {  	s15 =	simm.s32 $0x18040;
	v6 =	vld [tilespmem:s14+$0x10];
	v12 =	vmul.f32 v8, v14  }
0xc7: {  	s16 =	simm.s32 $0x0;
	s18 =	simm.s32 $0x110C0;
	v8 =	vld [tilespmem:s14+$0x20];
	[tilespmem:s15+$0x30] =	vst v11;
	v11 =	vmul.f32 v15, v13  }
.LBB2_6:
0xc8: {  	v13 =	vld [tilespmem:s18+$0x30];
	s16 =	sadd.s32 $0x80, s16;
	[tilespmem:s15+$0xFFFFFFC0] =	vst v12;
	v5 =	vmul.f32 v10, v5  }
0xc9: {  	v10 =	vld [tilespmem:s18+$0xFFFFFFD0];
	p0 =	slt.u32 s16, $0xF80;
	[tilespmem:s15+$0xFFFFFFD0] =	vst v11;
	v4 =	vmul.f32 v9, v4  }
0xca: {  	v9 =	vld [tilespmem:s18+$0xFFFFFFE0];
	[tilespmem:s15+$0xFFFFFFE0] =	vst v5;
	v3 =	vmul.f32 v7, v3  }
0xcb: {  	v7 =	vld [tilespmem:s18+$0xFFFFFFF0];
	[tilespmem:s15+$0xFFFFFFF0] =	vst v4;
	v1 =	vmul.f32 v6, v1  }
0xcc: {  	v6 =	vld [tilespmem:s18+$0x0];
	[tilespmem:s15+$0x0] =	vst v3;
	v2 =	vmul.f32 v8, v2  }
0xcd: {  	v8 =	vld [tilespmem:s18+$0x10];
	[tilespmem:s15+$0x10] =	vst v1  }
0xce: {  	v11 =	vld [tilespmem:s18+$0x20];
	[tilespmem:s15+$0x20] =	vst v2  }
0xcf: {  	v2 =	vld [tilespmem:s18+$0xFFFFFFC0]  }
0xd0: {  	s14 =	sadd.s32 $0x80, s14;
	v12 =	vld.idx.msk [tilespmem:v13+s17+$0x0], $0xffff  }
0xd1: {  	v13 =	vld [tilespmem:s14+$0x30]  }
0xd2: {  	v14 =	vld.idx.msk [tilespmem:v10+s17+$0x0], $0xffff  }
0xd3: {  	v5 =	vld.idx.msk [tilespmem:v9+s17+$0x0], $0xffff  }
0xd4: {  	v4 =	vld.idx.msk [tilespmem:v7+s17+$0x0], $0xffff  }
0xd5: {  	v3 =	vld.idx.msk [tilespmem:v6+s17+$0x0], $0xffff  }
0xd6: {  	v1 =	vld.idx.msk [tilespmem:v8+s17+$0x0], $0xffff;
	v6 =	vmul.f32 v13, v12  }
0xd7: {  	s15 =	sadd.s32 $0x80, s15;
	v8 =	vld.idx.msk [tilespmem:v2+s17+$0x0], $0xffff  }
0xd8: {  	v2 =	vld.idx.msk [tilespmem:v11+s17+$0x0], $0xffff;
	[tilespmem:s15+$0x30] =	vst v6  }
0xd9: {  	v6 =	vld [tilespmem:s14+$0xFFFFFFC0]  }
0xda: {  	v11 =	vld [tilespmem:s14+$0xFFFFFFD0]  }
.Ltmp2:
0xdb: {  	v10 =	vld [tilespmem:s14+$0xFFFFFFE0];
	(pc) =	sbr.rel @p0 .LBB2_6-.Ltmp2, $4  }
0xdc: {  	v9 =	vld [tilespmem:s14+$0xFFFFFFF0]  }
0xdd: {  	v7 =	vld [tilespmem:s14+$0x0]  }
0xde: {  	v12 =	vmul.f32 v6, v8;
	v6 =	vld [tilespmem:s14+$0x10]  }
0xdf: {  	s18 =	sadd.s32 $0x80, s18;
	v11 =	vmul.f32 v11, v14;
	v8 =	vld [tilespmem:s14+$0x20]  }
0xe0: {  	[tilespmem:s15+$0xFFFFFFC0] =	vst v12;
	v5 =	vmul.f32 v10, v5  }
0xe1: {  	[tilespmem:s15+$0xFFFFFFD0] =	vst v11;
	v4 =	vmul.f32 v9, v4  }
0xe2: {  	[tilespmem:s15+$0xFFFFFFE0] =	vst v5;
	v3 =	vmul.f32 v7, v3  }
0xe3: {  	[tilespmem:s15+$0xFFFFFFF0] =	vst v4;
	v1 =	vmul.f32 v6, v1  }
0xe4: {  	[tilespmem:s15+$0x0] =	vst v3;
	v2 =	vmul.f32 v8, v2  }
0xe5: {  	[tilespmem:s15+$0x10] =	vst v1  }
0xe6: {  	[tilespmem:s15+$0x20] =	vst v2  }
0xe7: {  	[spmem:s20] =	stream.indirect.scatter.add.f32 [tilespmem:s6], [sflag:$0x4], $0x1, s1, s3, $0xb8;
	[tilespmem:$0x1C000] =	vst v63  }
0xe8: {  	_ =	swait.ge [sflag:s7], $0x1000  }
0xe9: {  	[sflag:s7] =	ssyncset.done $0x0  }
0xea: {  	s14 =	rddreg [dreg:$0xd];
	[sflag:s7] =	ssyncadd.s32 $0xFFFFF000  }
0xeb: {  	[tilespmem:s31], [sflag:$0x2] =	stream.linear.gather [hbm4b:s14+s17], $0x1000, $0x38;
	[tilespmem:$0x1C000] =	vst v63  }
0xec: {  	s15 =	rddreg [dreg:$0xe]  }
0xed: {  	[tilespmem:s0], [sflag:$0x2] =	stream.linear.gather [hbm4b:s15+s17], $0x1000, $0x38;
	[tilespmem:$0x1C000] =	vst v63  }
0xee: {  	s16 =	rddreg [dreg:$0xf]  }
0xef: {  	[tilespmem:s30], [sflag:$0x2] =	stream.linear.gather [hbm4b:s16+s17], $0x1000, $0x38;
	[tilespmem:$0x1C000] =	vst v63  }
0xf0: {  	_ =	swait.ge [sflag:s2], $0x1000  }
0xf1: {  	[sflag:s2] =	ssyncset.done $0x0  }
0xf2: {  	[sflag:s2] =	ssyncadd.s32 $0xFFFFF000  }
0xf3: {  	_ =	swait.ge [sflag:s2], $0x1000  }
0xf4: {  	[sflag:s2] =	ssyncset.done $0x0  }
0xf5: {  	[sflag:s2] =	ssyncadd.s32 $0xFFFFF000  }
0xf6: {  	_ =	swait.ge [sflag:s2], $0x1000  }
0xf7: {  	[sflag:s2] =	ssyncset.done $0x0  }
0xf8: {  	s18 =	simm.s32 $0x10040;
	[sflag:s2] =	ssyncadd.s32 $0xFFFFF000  }
0xf9: {  	v1 =	vld [tilespmem:s18+$0x30]  }
0xfa: {  	v2 =	vld [tilespmem:s18+$0xFFFFFFD0]  }
0xfb: {  	v3 =	vld [tilespmem:s18+$0xFFFFFFE0]  }
0xfc: {  	v4 =	vld [tilespmem:s18+$0xFFFFFFF0]  }
0xfd: {  	v6 =	vld [tilespmem:s18+$0x0]  }
0xfe: {  	v7 =	vld [tilespmem:s18+$0x10]  }
0xff: {  	v8 =	vld [tilespmem:s18+$0x20]  }
0x100: {  	s14 =	simm.s32 $0x12040;
	v9 =	vld [tilespmem:s18+$0xFFFFFFC0]  }
0x101: {  	v12 =	vld [tilespmem:s14+$0x30]  }
0x102: {  	v15 =	vld [tilespmem:s14+$0xFFFFFFD0]  }
0x103: {  	v10 =	vld [tilespmem:s14+$0xFFFFFFE0]  }
0x104: {  	v11 =	vld.idx.msk [tilespmem:v1+s17+$0x0], $0xffff  }
0x105: {  	v13 =	vld.idx.msk [tilespmem:v2+s17+$0x0], $0xffff  }
0x106: {  	v5 =	vld.idx.msk [tilespmem:v3+s17+$0x0], $0xffff  }
0x107: {  	v4 =	vld.idx.msk [tilespmem:v4+s17+$0x0], $0xffff  }
0x108: {  	v14 =	vld.idx.msk [tilespmem:v9+s17+$0x0], $0xffff  }
0x109: {  	v2 =	vld.idx.msk [tilespmem:v8+s17+$0x0], $0xffff  }
0x10a: {  	v8 =	vld [tilespmem:s14+$0xFFFFFFC0]  }
0x10b: {  	v3 =	vld.idx.msk [tilespmem:v6+s17+$0x0], $0xffff  }
0x10c: {  	v1 =	vld.idx.msk [tilespmem:v7+s17+$0x0], $0xffff  }
0x10d: {  	v9 =	vld [tilespmem:s14+$0xFFFFFFF0]  }
0x10e: {  	v7 =	vld [tilespmem:s14+$0x0];
	v11 =	vmul.f32 v12, v11  }
0x10f: {  	s15 =	simm.s32 $0x19040;
	v6 =	vld [tilespmem:s14+$0x10];
	v12 =	vmul.f32 v8, v14  }
0x110: {  	s16 =	simm.s32 $0x0;
	s18 =	simm.s32 $0x100C0;
	v8 =	vld [tilespmem:s14+$0x20];
	[tilespmem:s15+$0x30] =	vst v11;
	v11 =	vmul.f32 v15, v13  }
.LBB2_8:
0x111: {  	v13 =	vld [tilespmem:s18+$0x30];
	s16 =	sadd.s32 $0x80, s16;
	[tilespmem:s15+$0xFFFFFFC0] =	vst v12;
	v5 =	vmul.f32 v10, v5  }
0x112: {  	v10 =	vld [tilespmem:s18+$0xFFFFFFD0];
	p0 =	slt.u32 s16, $0xF80;
	[tilespmem:s15+$0xFFFFFFD0] =	vst v11;
	v4 =	vmul.f32 v9, v4  }
0x113: {  	v9 =	vld [tilespmem:s18+$0xFFFFFFE0];
	[tilespmem:s15+$0xFFFFFFE0] =	vst v5;
	v3 =	vmul.f32 v7, v3  }
0x114: {  	v7 =	vld [tilespmem:s18+$0xFFFFFFF0];
	[tilespmem:s15+$0xFFFFFFF0] =	vst v4;
	v1 =	vmul.f32 v6, v1  }
0x115: {  	v6 =	vld [tilespmem:s18+$0x0];
	[tilespmem:s15+$0x0] =	vst v3;
	v2 =	vmul.f32 v8, v2  }
0x116: {  	v8 =	vld [tilespmem:s18+$0x10];
	[tilespmem:s15+$0x10] =	vst v1  }
0x117: {  	v11 =	vld [tilespmem:s18+$0x20];
	[tilespmem:s15+$0x20] =	vst v2  }
0x118: {  	v2 =	vld [tilespmem:s18+$0xFFFFFFC0]  }
0x119: {  	s14 =	sadd.s32 $0x80, s14;
	v12 =	vld.idx.msk [tilespmem:v13+s17+$0x0], $0xffff  }
0x11a: {  	v13 =	vld [tilespmem:s14+$0x30]  }
0x11b: {  	v14 =	vld.idx.msk [tilespmem:v10+s17+$0x0], $0xffff  }
0x11c: {  	v5 =	vld.idx.msk [tilespmem:v9+s17+$0x0], $0xffff  }
0x11d: {  	v4 =	vld.idx.msk [tilespmem:v7+s17+$0x0], $0xffff  }
0x11e: {  	v3 =	vld.idx.msk [tilespmem:v6+s17+$0x0], $0xffff  }
0x11f: {  	v1 =	vld.idx.msk [tilespmem:v8+s17+$0x0], $0xffff;
	v6 =	vmul.f32 v13, v12  }
0x120: {  	s15 =	sadd.s32 $0x80, s15;
	v8 =	vld.idx.msk [tilespmem:v2+s17+$0x0], $0xffff  }
0x121: {  	v2 =	vld.idx.msk [tilespmem:v11+s17+$0x0], $0xffff;
	[tilespmem:s15+$0x30] =	vst v6  }
0x122: {  	v6 =	vld [tilespmem:s14+$0xFFFFFFC0]  }
0x123: {  	v11 =	vld [tilespmem:s14+$0xFFFFFFD0]  }
.Ltmp3:
0x124: {  	v10 =	vld [tilespmem:s14+$0xFFFFFFE0];
	(pc) =	sbr.rel @p0 .LBB2_8-.Ltmp3, $4  }
0x125: {  	v9 =	vld [tilespmem:s14+$0xFFFFFFF0]  }
0x126: {  	v7 =	vld [tilespmem:s14+$0x0]  }
0x127: {  	v12 =	vmul.f32 v6, v8;
	v6 =	vld [tilespmem:s14+$0x10]  }
0x128: {  	s18 =	sadd.s32 $0x80, s18;
	v11 =	vmul.f32 v11, v14;
	v8 =	vld [tilespmem:s14+$0x20]  }
0x129: {  	[tilespmem:s15+$0xFFFFFFC0] =	vst v12;
	v5 =	vmul.f32 v10, v5  }
0x12a: {  	[tilespmem:s15+$0xFFFFFFD0] =	vst v11;
	v4 =	vmul.f32 v9, v4  }
0x12b: {  	[tilespmem:s15+$0xFFFFFFE0] =	vst v5;
	v3 =	vmul.f32 v7, v3  }
0x12c: {  	[tilespmem:s15+$0xFFFFFFF0] =	vst v4;
	v1 =	vmul.f32 v6, v1  }
0x12d: {  	[tilespmem:s15+$0x0] =	vst v3;
	v2 =	vmul.f32 v8, v2  }
0x12e: {  	[tilespmem:s15+$0x10] =	vst v1  }
0x12f: {  	[tilespmem:s15+$0x20] =	vst v2  }
0x130: {  	[spmem:s20] =	stream.indirect.scatter.add.f32 [tilespmem:s8], [sflag:$0x5], $0x1, s4, s3, $0xb8;
	[tilespmem:$0x1C000] =	vst v63  }
0x131: {  	_ =	swait.ge [sflag:s9], $0x1000  }
0x132: {  	[sflag:s9] =	ssyncset.done $0x0  }
0x133: {  	s14 =	rddreg [dreg:$0x10];
	[sflag:s9] =	ssyncadd.s32 $0xFFFFF000  }
0x134: {  	[tilespmem:s28], [sflag:$0x1] =	stream.linear.gather [hbm4b:s14+s17], $0x1000, $0x38;
	[tilespmem:$0x1C000] =	vst v63  }
0x135: {  	s15 =	rddreg [dreg:$0x11]  }
0x136: {  	[tilespmem:s29], [sflag:$0x1] =	stream.linear.gather [hbm4b:s15+s17], $0x1000, $0x38;
	[tilespmem:$0x1C000] =	vst v63  }
0x137: {  	s16 =	rddreg [dreg:$0x12]  }
0x138: {  	[tilespmem:s1], [sflag:$0x1] =	stream.linear.gather [hbm4b:s16+s17], $0x1000, $0x38;
	[tilespmem:$0x1C000] =	vst v63  }
0x139: {  	_ =	swait.ge [sflag:s5], $0x1000  }
0x13a: {  	[sflag:s5] =	ssyncset.done $0x0  }
0x13b: {  	[sflag:s5] =	ssyncadd.s32 $0xFFFFF000  }
0x13c: {  	_ =	swait.ge [sflag:s5], $0x1000  }
0x13d: {  	[sflag:s5] =	ssyncset.done $0x0  }
0x13e: {  	[sflag:s5] =	ssyncadd.s32 $0xFFFFF000  }
0x13f: {  	_ =	swait.ge [sflag:s5], $0x1000  }
0x140: {  	[sflag:s5] =	ssyncset.done $0x0  }
0x141: {  	s18 =	simm.s32 $0x11040;
	[sflag:s5] =	ssyncadd.s32 $0xFFFFF000  }
0x142: {  	v1 =	vld [tilespmem:s18+$0x30]  }
0x143: {  	v2 =	vld [tilespmem:s18+$0xFFFFFFD0]  }
0x144: {  	v3 =	vld [tilespmem:s18+$0xFFFFFFE0]  }
0x145: {  	v4 =	vld [tilespmem:s18+$0xFFFFFFF0]  }
0x146: {  	v6 =	vld [tilespmem:s18+$0x0]  }
0x147: {  	v7 =	vld [tilespmem:s18+$0x10]  }
0x148: {  	v8 =	vld [tilespmem:s18+$0x20]  }
0x149: {  	s14 =	simm.s32 $0x13040;
	v9 =	vld [tilespmem:s18+$0xFFFFFFC0]  }
0x14a: {  	v12 =	vld [tilespmem:s14+$0x30]  }
0x14b: {  	v15 =	vld [tilespmem:s14+$0xFFFFFFD0]  }
0x14c: {  	v10 =	vld [tilespmem:s14+$0xFFFFFFE0]  }
0x14d: {  	v11 =	vld.idx.msk [tilespmem:v1+s17+$0x0], $0xffff  }
0x14e: {  	v13 =	vld.idx.msk [tilespmem:v2+s17+$0x0], $0xffff  }
0x14f: {  	v5 =	vld.idx.msk [tilespmem:v3+s17+$0x0], $0xffff  }
0x150: {  	v4 =	vld.idx.msk [tilespmem:v4+s17+$0x0], $0xffff  }
0x151: {  	v14 =	vld.idx.msk [tilespmem:v9+s17+$0x0], $0xffff  }
0x152: {  	v2 =	vld.idx.msk [tilespmem:v8+s17+$0x0], $0xffff  }
0x153: {  	v8 =	vld [tilespmem:s14+$0xFFFFFFC0]  }
0x154: {  	v3 =	vld.idx.msk [tilespmem:v6+s17+$0x0], $0xffff  }
0x155: {  	v1 =	vld.idx.msk [tilespmem:v7+s17+$0x0], $0xffff  }
0x156: {  	v9 =	vld [tilespmem:s14+$0xFFFFFFF0]  }
0x157: {  	v7 =	vld [tilespmem:s14+$0x0];
	v11 =	vmul.f32 v12, v11  }
0x158: {  	s15 =	simm.s32 $0x17040;
	v6 =	vld [tilespmem:s14+$0x10];
	v12 =	vmul.f32 v8, v14  }
0x159: {  	s16 =	simm.s32 $0x0;
	s18 =	simm.s32 $0x110C0;
	v8 =	vld [tilespmem:s14+$0x20];
	[tilespmem:s15+$0x30] =	vst v11;
	v11 =	vmul.f32 v15, v13  }
.LBB2_10:
0x15a: {  	v13 =	vld [tilespmem:s18+$0x30];
	s16 =	sadd.s32 $0x80, s16;
	[tilespmem:s15+$0xFFFFFFC0] =	vst v12;
	v5 =	vmul.f32 v10, v5  }
0x15b: {  	v10 =	vld [tilespmem:s18+$0xFFFFFFD0];
	p0 =	slt.u32 s16, $0xF80;
	[tilespmem:s15+$0xFFFFFFD0] =	vst v11;
	v4 =	vmul.f32 v9, v4  }
0x15c: {  	v9 =	vld [tilespmem:s18+$0xFFFFFFE0];
	[tilespmem:s15+$0xFFFFFFE0] =	vst v5;
	v3 =	vmul.f32 v7, v3  }
0x15d: {  	v7 =	vld [tilespmem:s18+$0xFFFFFFF0];
	[tilespmem:s15+$0xFFFFFFF0] =	vst v4;
	v1 =	vmul.f32 v6, v1  }
0x15e: {  	v6 =	vld [tilespmem:s18+$0x0];
	[tilespmem:s15+$0x0] =	vst v3;
	v2 =	vmul.f32 v8, v2  }
0x15f: {  	v8 =	vld [tilespmem:s18+$0x10];
	[tilespmem:s15+$0x10] =	vst v1  }
0x160: {  	v11 =	vld [tilespmem:s18+$0x20];
	[tilespmem:s15+$0x20] =	vst v2  }
0x161: {  	v2 =	vld [tilespmem:s18+$0xFFFFFFC0]  }
0x162: {  	s14 =	sadd.s32 $0x80, s14;
	v12 =	vld.idx.msk [tilespmem:v13+s17+$0x0], $0xffff  }
0x163: {  	v13 =	vld [tilespmem:s14+$0x30]  }
0x164: {  	v14 =	vld.idx.msk [tilespmem:v10+s17+$0x0], $0xffff  }
0x165: {  	v5 =	vld.idx.msk [tilespmem:v9+s17+$0x0], $0xffff  }
0x166: {  	v4 =	vld.idx.msk [tilespmem:v7+s17+$0x0], $0xffff  }
0x167: {  	v3 =	vld.idx.msk [tilespmem:v6+s17+$0x0], $0xffff  }
0x168: {  	v1 =	vld.idx.msk [tilespmem:v8+s17+$0x0], $0xffff;
	v6 =	vmul.f32 v13, v12  }
0x169: {  	s15 =	sadd.s32 $0x80, s15;
	v8 =	vld.idx.msk [tilespmem:v2+s17+$0x0], $0xffff  }
0x16a: {  	v2 =	vld.idx.msk [tilespmem:v11+s17+$0x0], $0xffff;
	[tilespmem:s15+$0x30] =	vst v6  }
0x16b: {  	v6 =	vld [tilespmem:s14+$0xFFFFFFC0]  }
0x16c: {  	v11 =	vld [tilespmem:s14+$0xFFFFFFD0]  }
.Ltmp4:
0x16d: {  	v10 =	vld [tilespmem:s14+$0xFFFFFFE0];
	(pc) =	sbr.rel @p0 .LBB2_10-.Ltmp4, $4  }
0x16e: {  	v9 =	vld [tilespmem:s14+$0xFFFFFFF0]  }
0x16f: {  	v7 =	vld [tilespmem:s14+$0x0]  }
0x170: {  	v12 =	vmul.f32 v6, v8;
	v6 =	vld [tilespmem:s14+$0x10]  }
0x171: {  	s18 =	sadd.s32 $0x80, s18;
	v11 =	vmul.f32 v11, v14;
	v8 =	vld [tilespmem:s14+$0x20]  }
0x172: {  	[tilespmem:s15+$0xFFFFFFC0] =	vst v12;
	v5 =	vmul.f32 v10, v5  }
0x173: {  	[tilespmem:s15+$0xFFFFFFD0] =	vst v11;
	v4 =	vmul.f32 v9, v4  }
0x174: {  	[tilespmem:s15+$0xFFFFFFE0] =	vst v5;
	v3 =	vmul.f32 v7, v3  }
0x175: {  	[tilespmem:s15+$0xFFFFFFF0] =	vst v4;
	v1 =	vmul.f32 v6, v1  }
0x176: {  	[tilespmem:s15+$0x0] =	vst v3;
	v2 =	vmul.f32 v8, v2  }
0x177: {  	[tilespmem:s15+$0x10] =	vst v1  }
0x178: {  	[tilespmem:s15+$0x20] =	vst v2  }
0x179: {  	[spmem:s20] =	stream.indirect.scatter.add.f32 [tilespmem:s26], [sflag:$0x3], $0x1, s30, s3, $0xb8;
	[tilespmem:$0x1C000] =	vst v63  }
0x17a: {  	_ =	swait.ge [sflag:s10], $0x1000  }
0x17b: {  	[sflag:s10] =	ssyncset.done $0x0  }
0x17c: {  	s14 =	rddreg [dreg:$0x13];
	[sflag:s10] =	ssyncadd.s32 $0xFFFFF000  }
0x17d: {  	[tilespmem:s31], [sflag:$0x2] =	stream.linear.gather [hbm4b:s14+s17], $0x1000, $0x38;
	[tilespmem:$0x1C000] =	vst v63  }
0x17e: {  	s15 =	rddreg [dreg:$0x14]  }
0x17f: {  	[tilespmem:s0], [sflag:$0x2] =	stream.linear.gather [hbm4b:s15+s17], $0x1000, $0x38;
	[tilespmem:$0x1C000] =	vst v63  }
0x180: {  	s16 =	rddreg [dreg:$0x15]  }
0x181: {  	[tilespmem:s4], [sflag:$0x2] =	stream.linear.gather [hbm4b:s16+s17], $0x1000, $0x38;
	[tilespmem:$0x1C000] =	vst v63  }
0x182: {  	_ =	swait.ge [sflag:s2], $0x1000  }
0x183: {  	[sflag:s2] =	ssyncset.done $0x0  }
0x184: {  	[sflag:s2] =	ssyncadd.s32 $0xFFFFF000  }
0x185: {  	_ =	swait.ge [sflag:s2], $0x1000  }
0x186: {  	[sflag:s2] =	ssyncset.done $0x0  }
0x187: {  	[sflag:s2] =	ssyncadd.s32 $0xFFFFF000  }
0x188: {  	_ =	swait.ge [sflag:s2], $0x1000  }
0x189: {  	[sflag:s2] =	ssyncset.done $0x0  }
0x18a: {  	s18 =	simm.s32 $0x10040;
	[sflag:s2] =	ssyncadd.s32 $0xFFFFF000  }
0x18b: {  	v1 =	vld [tilespmem:s18+$0x30]  }
0x18c: {  	v2 =	vld [tilespmem:s18+$0xFFFFFFD0]  }
0x18d: {  	v3 =	vld [tilespmem:s18+$0xFFFFFFE0]  }
0x18e: {  	v4 =	vld [tilespmem:s18+$0xFFFFFFF0]  }
0x18f: {  	v6 =	vld [tilespmem:s18+$0x0]  }
0x190: {  	v7 =	vld [tilespmem:s18+$0x10]  }
0x191: {  	v8 =	vld [tilespmem:s18+$0x20]  }
0x192: {  	s14 =	simm.s32 $0x12040;
	v9 =	vld [tilespmem:s18+$0xFFFFFFC0]  }
0x193: {  	v12 =	vld [tilespmem:s14+$0x30]  }
0x194: {  	v15 =	vld [tilespmem:s14+$0xFFFFFFD0]  }
0x195: {  	v10 =	vld [tilespmem:s14+$0xFFFFFFE0]  }
0x196: {  	v11 =	vld.idx.msk [tilespmem:v1+s17+$0x0], $0xffff  }
0x197: {  	v13 =	vld.idx.msk [tilespmem:v2+s17+$0x0], $0xffff  }
0x198: {  	v5 =	vld.idx.msk [tilespmem:v3+s17+$0x0], $0xffff  }
0x199: {  	v4 =	vld.idx.msk [tilespmem:v4+s17+$0x0], $0xffff  }
0x19a: {  	v14 =	vld.idx.msk [tilespmem:v9+s17+$0x0], $0xffff  }
0x19b: {  	v2 =	vld.idx.msk [tilespmem:v8+s17+$0x0], $0xffff  }
0x19c: {  	v8 =	vld [tilespmem:s14+$0xFFFFFFC0]  }
0x19d: {  	v3 =	vld.idx.msk [tilespmem:v6+s17+$0x0], $0xffff  }
0x19e: {  	v1 =	vld.idx.msk [tilespmem:v7+s17+$0x0], $0xffff  }
0x19f: {  	v9 =	vld [tilespmem:s14+$0xFFFFFFF0]  }
0x1a0: {  	v7 =	vld [tilespmem:s14+$0x0];
	v11 =	vmul.f32 v12, v11  }
0x1a1: {  	s15 =	simm.s32 $0x18040;
	v6 =	vld [tilespmem:s14+$0x10];
	v12 =	vmul.f32 v8, v14  }
0x1a2: {  	s16 =	simm.s32 $0x0;
	s18 =	simm.s32 $0x100C0;
	v8 =	vld [tilespmem:s14+$0x20];
	[tilespmem:s15+$0x30] =	vst v11;
	v11 =	vmul.f32 v15, v13  }
.LBB2_12:
0x1a3: {  	v13 =	vld [tilespmem:s18+$0x30];
	s16 =	sadd.s32 $0x80, s16;
	[tilespmem:s15+$0xFFFFFFC0] =	vst v12;
	v5 =	vmul.f32 v10, v5  }
0x1a4: {  	v10 =	vld [tilespmem:s18+$0xFFFFFFD0];
	p0 =	slt.u32 s16, $0xF80;
	[tilespmem:s15+$0xFFFFFFD0] =	vst v11;
	v4 =	vmul.f32 v9, v4  }
0x1a5: {  	v9 =	vld [tilespmem:s18+$0xFFFFFFE0];
	[tilespmem:s15+$0xFFFFFFE0] =	vst v5;
	v3 =	vmul.f32 v7, v3  }
0x1a6: {  	v7 =	vld [tilespmem:s18+$0xFFFFFFF0];
	[tilespmem:s15+$0xFFFFFFF0] =	vst v4;
	v1 =	vmul.f32 v6, v1  }
0x1a7: {  	v6 =	vld [tilespmem:s18+$0x0];
	[tilespmem:s15+$0x0] =	vst v3;
	v2 =	vmul.f32 v8, v2  }
0x1a8: {  	v8 =	vld [tilespmem:s18+$0x10];
	[tilespmem:s15+$0x10] =	vst v1  }
0x1a9: {  	v11 =	vld [tilespmem:s18+$0x20];
	[tilespmem:s15+$0x20] =	vst v2  }
0x1aa: {  	v2 =	vld [tilespmem:s18+$0xFFFFFFC0]  }
0x1ab: {  	s14 =	sadd.s32 $0x80, s14;
	v12 =	vld.idx.msk [tilespmem:v13+s17+$0x0], $0xffff  }
0x1ac: {  	v13 =	vld [tilespmem:s14+$0x30]  }
0x1ad: {  	v14 =	vld.idx.msk [tilespmem:v10+s17+$0x0], $0xffff  }
0x1ae: {  	v5 =	vld.idx.msk [tilespmem:v9+s17+$0x0], $0xffff  }
0x1af: {  	v4 =	vld.idx.msk [tilespmem:v7+s17+$0x0], $0xffff  }
0x1b0: {  	v3 =	vld.idx.msk [tilespmem:v6+s17+$0x0], $0xffff  }
0x1b1: {  	v1 =	vld.idx.msk [tilespmem:v8+s17+$0x0], $0xffff;
	v6 =	vmul.f32 v13, v12  }
0x1b2: {  	s15 =	sadd.s32 $0x80, s15;
	v8 =	vld.idx.msk [tilespmem:v2+s17+$0x0], $0xffff  }
0x1b3: {  	v2 =	vld.idx.msk [tilespmem:v11+s17+$0x0], $0xffff;
	[tilespmem:s15+$0x30] =	vst v6  }
0x1b4: {  	v6 =	vld [tilespmem:s14+$0xFFFFFFC0]  }
0x1b5: {  	v11 =	vld [tilespmem:s14+$0xFFFFFFD0]  }
.Ltmp5:
0x1b6: {  	v10 =	vld [tilespmem:s14+$0xFFFFFFE0];
	(pc) =	sbr.rel @p0 .LBB2_12-.Ltmp5, $4  }
0x1b7: {  	v9 =	vld [tilespmem:s14+$0xFFFFFFF0]  }
0x1b8: {  	v7 =	vld [tilespmem:s14+$0x0]  }
0x1b9: {  	v12 =	vmul.f32 v6, v8;
	v6 =	vld [tilespmem:s14+$0x10]  }
0x1ba: {  	s18 =	sadd.s32 $0x80, s18;
	v11 =	vmul.f32 v11, v14;
	v8 =	vld [tilespmem:s14+$0x20]  }
0x1bb: {  	[tilespmem:s15+$0xFFFFFFC0] =	vst v12;
	v5 =	vmul.f32 v10, v5  }
0x1bc: {  	[tilespmem:s15+$0xFFFFFFD0] =	vst v11;
	v4 =	vmul.f32 v9, v4  }
0x1bd: {  	[tilespmem:s15+$0xFFFFFFE0] =	vst v5;
	v3 =	vmul.f32 v7, v3  }
0x1be: {  	[tilespmem:s15+$0xFFFFFFF0] =	vst v4;
	v1 =	vmul.f32 v6, v1  }
0x1bf: {  	[tilespmem:s15+$0x0] =	vst v3;
	v2 =	vmul.f32 v8, v2  }
0x1c0: {  	[tilespmem:s15+$0x10] =	vst v1  }
0x1c1: {  	[tilespmem:s15+$0x20] =	vst v2  }
0x1c2: {  	[spmem:s20] =	stream.indirect.scatter.add.f32 [tilespmem:s6], [sflag:$0x4], $0x1, s1, s3, $0xb8;
	[tilespmem:$0x1C000] =	vst v63  }
0x1c3: {  	_ =	swait.ge [sflag:s7], $0x1000  }
0x1c4: {  	[sflag:s7] =	ssyncset.done $0x0  }
0x1c5: {  	s14 =	rddreg [dreg:$0x16];
	[sflag:s7] =	ssyncadd.s32 $0xFFFFF000  }
0x1c6: {  	[tilespmem:s28], [sflag:$0x1] =	stream.linear.gather [hbm4b:s14+s17], $0x1000, $0x38;
	[tilespmem:$0x1C000] =	vst v63  }
0x1c7: {  	s15 =	rddreg [dreg:$0x17]  }
0x1c8: {  	[tilespmem:s29], [sflag:$0x1] =	stream.linear.gather [hbm4b:s15+s17], $0x1000, $0x38;
	[tilespmem:$0x1C000] =	vst v63  }
0x1c9: {  	s16 =	rddreg [dreg:$0x18]  }
0x1ca: {  	[tilespmem:s30], [sflag:$0x1] =	stream.linear.gather [hbm4b:s16+s17], $0x1000, $0x38;
	[tilespmem:$0x1C000] =	vst v63  }
0x1cb: {  	_ =	swait.ge [sflag:s5], $0x1000  }
0x1cc: {  	[sflag:s5] =	ssyncset.done $0x0  }
0x1cd: {  	[sflag:s5] =	ssyncadd.s32 $0xFFFFF000  }
0x1ce: {  	_ =	swait.ge [sflag:s5], $0x1000  }
0x1cf: {  	[sflag:s5] =	ssyncset.done $0x0  }
0x1d0: {  	[sflag:s5] =	ssyncadd.s32 $0xFFFFF000  }
0x1d1: {  	_ =	swait.ge [sflag:s5], $0x1000  }
0x1d2: {  	[sflag:s5] =	ssyncset.done $0x0  }
0x1d3: {  	s18 =	simm.s32 $0x11040;
	[sflag:s5] =	ssyncadd.s32 $0xFFFFF000  }
0x1d4: {  	v1 =	vld [tilespmem:s18+$0x30]  }
0x1d5: {  	v2 =	vld [tilespmem:s18+$0xFFFFFFD0]  }
0x1d6: {  	v3 =	vld [tilespmem:s18+$0xFFFFFFE0]  }
0x1d7: {  	v4 =	vld [tilespmem:s18+$0xFFFFFFF0]  }
0x1d8: {  	v6 =	vld [tilespmem:s18+$0x0]  }
0x1d9: {  	v7 =	vld [tilespmem:s18+$0x10]  }
0x1da: {  	v8 =	vld [tilespmem:s18+$0x20]  }
0x1db: {  	s14 =	simm.s32 $0x13040;
	v9 =	vld [tilespmem:s18+$0xFFFFFFC0]  }
0x1dc: {  	v12 =	vld [tilespmem:s14+$0x30]  }
0x1dd: {  	v15 =	vld [tilespmem:s14+$0xFFFFFFD0]  }
0x1de: {  	v10 =	vld [tilespmem:s14+$0xFFFFFFE0]  }
0x1df: {  	v11 =	vld.idx.msk [tilespmem:v1+s17+$0x0], $0xffff  }
0x1e0: {  	v13 =	vld.idx.msk [tilespmem:v2+s17+$0x0], $0xffff  }
0x1e1: {  	v5 =	vld.idx.msk [tilespmem:v3+s17+$0x0], $0xffff  }
0x1e2: {  	v4 =	vld.idx.msk [tilespmem:v4+s17+$0x0], $0xffff  }
0x1e3: {  	v14 =	vld.idx.msk [tilespmem:v9+s17+$0x0], $0xffff  }
0x1e4: {  	v2 =	vld.idx.msk [tilespmem:v8+s17+$0x0], $0xffff  }
0x1e5: {  	v8 =	vld [tilespmem:s14+$0xFFFFFFC0]  }
0x1e6: {  	v3 =	vld.idx.msk [tilespmem:v6+s17+$0x0], $0xffff  }
0x1e7: {  	v1 =	vld.idx.msk [tilespmem:v7+s17+$0x0], $0xffff  }
0x1e8: {  	v9 =	vld [tilespmem:s14+$0xFFFFFFF0]  }
0x1e9: {  	v7 =	vld [tilespmem:s14+$0x0];
	v11 =	vmul.f32 v12, v11  }
0x1ea: {  	s15 =	simm.s32 $0x19040;
	v6 =	vld [tilespmem:s14+$0x10];
	v12 =	vmul.f32 v8, v14  }
0x1eb: {  	s16 =	simm.s32 $0x0;
	s18 =	simm.s32 $0x110C0;
	v8 =	vld [tilespmem:s14+$0x20];
	[tilespmem:s15+$0x30] =	vst v11;
	v11 =	vmul.f32 v15, v13  }
.LBB2_14:
0x1ec: {  	v13 =	vld [tilespmem:s18+$0x30];
	s16 =	sadd.s32 $0x80, s16;
	[tilespmem:s15+$0xFFFFFFC0] =	vst v12;
	v5 =	vmul.f32 v10, v5  }
0x1ed: {  	v10 =	vld [tilespmem:s18+$0xFFFFFFD0];
	p0 =	slt.u32 s16, $0xF80;
	[tilespmem:s15+$0xFFFFFFD0] =	vst v11;
	v4 =	vmul.f32 v9, v4  }
0x1ee: {  	v9 =	vld [tilespmem:s18+$0xFFFFFFE0];
	[tilespmem:s15+$0xFFFFFFE0] =	vst v5;
	v3 =	vmul.f32 v7, v3  }
0x1ef: {  	v7 =	vld [tilespmem:s18+$0xFFFFFFF0];
	[tilespmem:s15+$0xFFFFFFF0] =	vst v4;
	v1 =	vmul.f32 v6, v1  }
0x1f0: {  	v6 =	vld [tilespmem:s18+$0x0];
	[tilespmem:s15+$0x0] =	vst v3;
	v2 =	vmul.f32 v8, v2  }
0x1f1: {  	v8 =	vld [tilespmem:s18+$0x10];
	[tilespmem:s15+$0x10] =	vst v1  }
0x1f2: {  	v11 =	vld [tilespmem:s18+$0x20];
	[tilespmem:s15+$0x20] =	vst v2  }
0x1f3: {  	v2 =	vld [tilespmem:s18+$0xFFFFFFC0]  }
0x1f4: {  	s14 =	sadd.s32 $0x80, s14;
	v12 =	vld.idx.msk [tilespmem:v13+s17+$0x0], $0xffff  }
0x1f5: {  	v13 =	vld [tilespmem:s14+$0x30]  }
0x1f6: {  	v14 =	vld.idx.msk [tilespmem:v10+s17+$0x0], $0xffff  }
0x1f7: {  	v5 =	vld.idx.msk [tilespmem:v9+s17+$0x0], $0xffff  }
0x1f8: {  	v4 =	vld.idx.msk [tilespmem:v7+s17+$0x0], $0xffff  }
0x1f9: {  	v3 =	vld.idx.msk [tilespmem:v6+s17+$0x0], $0xffff  }
0x1fa: {  	v1 =	vld.idx.msk [tilespmem:v8+s17+$0x0], $0xffff;
	v6 =	vmul.f32 v13, v12  }
0x1fb: {  	s15 =	sadd.s32 $0x80, s15;
	v8 =	vld.idx.msk [tilespmem:v2+s17+$0x0], $0xffff  }
0x1fc: {  	v2 =	vld.idx.msk [tilespmem:v11+s17+$0x0], $0xffff;
	[tilespmem:s15+$0x30] =	vst v6  }
0x1fd: {  	v6 =	vld [tilespmem:s14+$0xFFFFFFC0]  }
0x1fe: {  	v11 =	vld [tilespmem:s14+$0xFFFFFFD0]  }
.Ltmp6:
0x1ff: {  	v10 =	vld [tilespmem:s14+$0xFFFFFFE0];
	(pc) =	sbr.rel @p0 .LBB2_14-.Ltmp6, $4  }
0x200: {  	v9 =	vld [tilespmem:s14+$0xFFFFFFF0]  }
0x201: {  	v7 =	vld [tilespmem:s14+$0x0]  }
0x202: {  	v12 =	vmul.f32 v6, v8;
	v6 =	vld [tilespmem:s14+$0x10]  }
0x203: {  	s18 =	sadd.s32 $0x80, s18;
	v11 =	vmul.f32 v11, v14;
	v8 =	vld [tilespmem:s14+$0x20]  }
0x204: {  	[tilespmem:s15+$0xFFFFFFC0] =	vst v12;
	v5 =	vmul.f32 v10, v5  }
0x205: {  	[tilespmem:s15+$0xFFFFFFD0] =	vst v11;
	v4 =	vmul.f32 v9, v4  }
0x206: {  	[tilespmem:s15+$0xFFFFFFE0] =	vst v5;
	v3 =	vmul.f32 v7, v3  }
0x207: {  	[tilespmem:s15+$0xFFFFFFF0] =	vst v4;
	v1 =	vmul.f32 v6, v1  }
0x208: {  	[tilespmem:s15+$0x0] =	vst v3;
	v2 =	vmul.f32 v8, v2  }
0x209: {  	[tilespmem:s15+$0x10] =	vst v1  }
0x20a: {  	[tilespmem:s15+$0x20] =	vst v2  }
0x20b: {  	[spmem:s20] =	stream.indirect.scatter.add.f32 [tilespmem:s8], [sflag:$0x5], $0x1, s4, s3, $0xb8;
	[tilespmem:$0x1C000] =	vst v63  }
0x20c: {  	_ =	swait.ge [sflag:s9], $0x1000  }
0x20d: {  	[sflag:s9] =	ssyncset.done $0x0  }
0x20e: {  	s14 =	rddreg [dreg:$0x19];
	[sflag:s9] =	ssyncadd.s32 $0xFFFFF000  }
0x20f: {  	[tilespmem:s31], [sflag:$0x2] =	stream.linear.gather [hbm4b:s14+s17], $0x1000, $0x38;
	[tilespmem:$0x1C000] =	vst v63  }
0x210: {  	s15 =	rddreg [dreg:$0x1a]  }
0x211: {  	[tilespmem:s0], [sflag:$0x2] =	stream.linear.gather [hbm4b:s15+s17], $0x1000, $0x38;
	[tilespmem:$0x1C000] =	vst v63  }
0x212: {  	s16 =	rddreg [dreg:$0x1b]  }
0x213: {  	[tilespmem:s1], [sflag:$0x2] =	stream.linear.gather [hbm4b:s16+s17], $0x1000, $0x38;
	[tilespmem:$0x1C000] =	vst v63  }
0x214: {  	_ =	swait.ge [sflag:s2], $0x1000  }
0x215: {  	[sflag:s2] =	ssyncset.done $0x0  }
0x216: {  	[sflag:s2] =	ssyncadd.s32 $0xFFFFF000  }
0x217: {  	_ =	swait.ge [sflag:s2], $0x1000  }
0x218: {  	[sflag:s2] =	ssyncset.done $0x0  }
0x219: {  	[sflag:s2] =	ssyncadd.s32 $0xFFFFF000  }
0x21a: {  	_ =	swait.ge [sflag:s2], $0x1000  }
0x21b: {  	[sflag:s2] =	ssyncset.done $0x0  }
0x21c: {  	s18 =	simm.s32 $0x10040;
	[sflag:s2] =	ssyncadd.s32 $0xFFFFF000  }
0x21d: {  	v1 =	vld [tilespmem:s18+$0x30]  }
0x21e: {  	v2 =	vld [tilespmem:s18+$0xFFFFFFD0]  }
0x21f: {  	v3 =	vld [tilespmem:s18+$0xFFFFFFE0]  }
0x220: {  	v4 =	vld [tilespmem:s18+$0xFFFFFFF0]  }
0x221: {  	v6 =	vld [tilespmem:s18+$0x0]  }
0x222: {  	v7 =	vld [tilespmem:s18+$0x10]  }
0x223: {  	v8 =	vld [tilespmem:s18+$0x20]  }
0x224: {  	s14 =	simm.s32 $0x12040;
	v9 =	vld [tilespmem:s18+$0xFFFFFFC0]  }
0x225: {  	v12 =	vld [tilespmem:s14+$0x30]  }
0x226: {  	v15 =	vld [tilespmem:s14+$0xFFFFFFD0]  }
0x227: {  	v10 =	vld [tilespmem:s14+$0xFFFFFFE0]  }
0x228: {  	v11 =	vld.idx.msk [tilespmem:v1+s17+$0x0], $0xffff  }
0x229: {  	v13 =	vld.idx.msk [tilespmem:v2+s17+$0x0], $0xffff  }
0x22a: {  	v5 =	vld.idx.msk [tilespmem:v3+s17+$0x0], $0xffff  }
0x22b: {  	v4 =	vld.idx.msk [tilespmem:v4+s17+$0x0], $0xffff  }
0x22c: {  	v14 =	vld.idx.msk [tilespmem:v9+s17+$0x0], $0xffff  }
0x22d: {  	v2 =	vld.idx.msk [tilespmem:v8+s17+$0x0], $0xffff  }
0x22e: {  	v8 =	vld [tilespmem:s14+$0xFFFFFFC0]  }
0x22f: {  	v3 =	vld.idx.msk [tilespmem:v6+s17+$0x0], $0xffff  }
0x230: {  	v1 =	vld.idx.msk [tilespmem:v7+s17+$0x0], $0xffff  }
0x231: {  	v9 =	vld [tilespmem:s14+$0xFFFFFFF0]  }
0x232: {  	v7 =	vld [tilespmem:s14+$0x0];
	v11 =	vmul.f32 v12, v11  }
0x233: {  	s15 =	simm.s32 $0x17040;
	v6 =	vld [tilespmem:s14+$0x10];
	v12 =	vmul.f32 v8, v14  }
0x234: {  	s16 =	simm.s32 $0x0;
	s18 =	simm.s32 $0x100C0;
	v8 =	vld [tilespmem:s14+$0x20];
	[tilespmem:s15+$0x30] =	vst v11;
	v11 =	vmul.f32 v15, v13  }
.LBB2_16:
0x235: {  	v13 =	vld [tilespmem:s18+$0x30];
	s16 =	sadd.s32 $0x80, s16;
	[tilespmem:s15+$0xFFFFFFC0] =	vst v12;
	v5 =	vmul.f32 v10, v5  }
0x236: {  	v10 =	vld [tilespmem:s18+$0xFFFFFFD0];
	p0 =	slt.u32 s16, $0xF80;
	[tilespmem:s15+$0xFFFFFFD0] =	vst v11;
	v4 =	vmul.f32 v9, v4  }
0x237: {  	v9 =	vld [tilespmem:s18+$0xFFFFFFE0];
	[tilespmem:s15+$0xFFFFFFE0] =	vst v5;
	v3 =	vmul.f32 v7, v3  }
0x238: {  	v7 =	vld [tilespmem:s18+$0xFFFFFFF0];
	[tilespmem:s15+$0xFFFFFFF0] =	vst v4;
	v1 =	vmul.f32 v6, v1  }
0x239: {  	v6 =	vld [tilespmem:s18+$0x0];
	[tilespmem:s15+$0x0] =	vst v3;
	v2 =	vmul.f32 v8, v2  }
0x23a: {  	v8 =	vld [tilespmem:s18+$0x10];
	[tilespmem:s15+$0x10] =	vst v1  }
0x23b: {  	v11 =	vld [tilespmem:s18+$0x20];
	[tilespmem:s15+$0x20] =	vst v2  }
0x23c: {  	v2 =	vld [tilespmem:s18+$0xFFFFFFC0]  }
0x23d: {  	s14 =	sadd.s32 $0x80, s14;
	v12 =	vld.idx.msk [tilespmem:v13+s17+$0x0], $0xffff  }
0x23e: {  	v13 =	vld [tilespmem:s14+$0x30]  }
0x23f: {  	v14 =	vld.idx.msk [tilespmem:v10+s17+$0x0], $0xffff  }
0x240: {  	v5 =	vld.idx.msk [tilespmem:v9+s17+$0x0], $0xffff  }
0x241: {  	v4 =	vld.idx.msk [tilespmem:v7+s17+$0x0], $0xffff  }
0x242: {  	v3 =	vld.idx.msk [tilespmem:v6+s17+$0x0], $0xffff  }
0x243: {  	v1 =	vld.idx.msk [tilespmem:v8+s17+$0x0], $0xffff;
	v6 =	vmul.f32 v13, v12  }
0x244: {  	s15 =	sadd.s32 $0x80, s15;
	v8 =	vld.idx.msk [tilespmem:v2+s17+$0x0], $0xffff  }
0x245: {  	v2 =	vld.idx.msk [tilespmem:v11+s17+$0x0], $0xffff;
	[tilespmem:s15+$0x30] =	vst v6  }
0x246: {  	v6 =	vld [tilespmem:s14+$0xFFFFFFC0]  }
0x247: {  	v11 =	vld [tilespmem:s14+$0xFFFFFFD0]  }
.Ltmp7:
0x248: {  	v10 =	vld [tilespmem:s14+$0xFFFFFFE0];
	(pc) =	sbr.rel @p0 .LBB2_16-.Ltmp7, $4  }
0x249: {  	v9 =	vld [tilespmem:s14+$0xFFFFFFF0]  }
0x24a: {  	v7 =	vld [tilespmem:s14+$0x0]  }
0x24b: {  	v12 =	vmul.f32 v6, v8;
	v6 =	vld [tilespmem:s14+$0x10]  }
0x24c: {  	s18 =	sadd.s32 $0x80, s18;
	v11 =	vmul.f32 v11, v14;
	v8 =	vld [tilespmem:s14+$0x20]  }
0x24d: {  	[tilespmem:s15+$0xFFFFFFC0] =	vst v12;
	v5 =	vmul.f32 v10, v5  }
0x24e: {  	[tilespmem:s15+$0xFFFFFFD0] =	vst v11;
	v4 =	vmul.f32 v9, v4  }
0x24f: {  	[tilespmem:s15+$0xFFFFFFE0] =	vst v5;
	v3 =	vmul.f32 v7, v3  }
0x250: {  	[tilespmem:s15+$0xFFFFFFF0] =	vst v4;
	v1 =	vmul.f32 v6, v1  }
0x251: {  	[tilespmem:s15+$0x0] =	vst v3;
	v2 =	vmul.f32 v8, v2  }
0x252: {  	[tilespmem:s15+$0x10] =	vst v1  }
0x253: {  	[tilespmem:s15+$0x20] =	vst v2  }
0x254: {  	[spmem:s20] =	stream.indirect.scatter.add.f32 [tilespmem:s26], [sflag:$0x3], $0x1, s30, s3, $0xb8;
	[tilespmem:$0x1C000] =	vst v63  }
0x255: {  	_ =	swait.ge [sflag:s10], $0x1000  }
0x256: {  	[sflag:s10] =	ssyncset.done $0x0  }
0x257: {  	s14 =	rddreg [dreg:$0x1c];
	[sflag:s10] =	ssyncadd.s32 $0xFFFFF000  }
0x258: {  	[tilespmem:s28], [sflag:$0x1] =	stream.linear.gather [hbm4b:s14+s17], $0x1000, $0x38;
	[tilespmem:$0x1C000] =	vst v63  }
0x259: {  	s15 =	rddreg [dreg:$0x1d]  }
0x25a: {  	[tilespmem:s29], [sflag:$0x1] =	stream.linear.gather [hbm4b:s15+s17], $0x1000, $0x38;
	[tilespmem:$0x1C000] =	vst v63  }
0x25b: {  	s16 =	rddreg [dreg:$0x1e]  }
0x25c: {  	[tilespmem:s4], [sflag:$0x1] =	stream.linear.gather [hbm4b:s16+s17], $0x1000, $0x38;
	[tilespmem:$0x1C000] =	vst v63  }
0x25d: {  	_ =	swait.ge [sflag:s5], $0x1000  }
0x25e: {  	[sflag:s5] =	ssyncset.done $0x0  }
0x25f: {  	[sflag:s5] =	ssyncadd.s32 $0xFFFFF000  }
0x260: {  	_ =	swait.ge [sflag:s5], $0x1000  }
0x261: {  	[sflag:s5] =	ssyncset.done $0x0  }
0x262: {  	[sflag:s5] =	ssyncadd.s32 $0xFFFFF000  }
0x263: {  	_ =	swait.ge [sflag:s5], $0x1000  }
0x264: {  	[sflag:s5] =	ssyncset.done $0x0  }
0x265: {  	s18 =	simm.s32 $0x11040;
	[sflag:s5] =	ssyncadd.s32 $0xFFFFF000  }
0x266: {  	v1 =	vld [tilespmem:s18+$0x30]  }
0x267: {  	v2 =	vld [tilespmem:s18+$0xFFFFFFD0]  }
0x268: {  	v3 =	vld [tilespmem:s18+$0xFFFFFFE0]  }
0x269: {  	v4 =	vld [tilespmem:s18+$0xFFFFFFF0]  }
0x26a: {  	v6 =	vld [tilespmem:s18+$0x0]  }
0x26b: {  	v7 =	vld [tilespmem:s18+$0x10]  }
0x26c: {  	v8 =	vld [tilespmem:s18+$0x20]  }
0x26d: {  	s14 =	simm.s32 $0x13040;
	v9 =	vld [tilespmem:s18+$0xFFFFFFC0]  }
0x26e: {  	v12 =	vld [tilespmem:s14+$0x30]  }
0x26f: {  	v15 =	vld [tilespmem:s14+$0xFFFFFFD0]  }
0x270: {  	v10 =	vld [tilespmem:s14+$0xFFFFFFE0]  }
0x271: {  	v11 =	vld.idx.msk [tilespmem:v1+s17+$0x0], $0xffff  }
0x272: {  	v13 =	vld.idx.msk [tilespmem:v2+s17+$0x0], $0xffff  }
0x273: {  	v5 =	vld.idx.msk [tilespmem:v3+s17+$0x0], $0xffff  }
0x274: {  	v4 =	vld.idx.msk [tilespmem:v4+s17+$0x0], $0xffff  }
0x275: {  	v14 =	vld.idx.msk [tilespmem:v9+s17+$0x0], $0xffff  }
0x276: {  	v2 =	vld.idx.msk [tilespmem:v8+s17+$0x0], $0xffff  }
0x277: {  	v8 =	vld [tilespmem:s14+$0xFFFFFFC0]  }
0x278: {  	v3 =	vld.idx.msk [tilespmem:v6+s17+$0x0], $0xffff  }
0x279: {  	v1 =	vld.idx.msk [tilespmem:v7+s17+$0x0], $0xffff  }
0x27a: {  	v9 =	vld [tilespmem:s14+$0xFFFFFFF0]  }
0x27b: {  	v7 =	vld [tilespmem:s14+$0x0];
	v11 =	vmul.f32 v12, v11  }
0x27c: {  	s15 =	simm.s32 $0x18040;
	v6 =	vld [tilespmem:s14+$0x10];
	v12 =	vmul.f32 v8, v14  }
0x27d: {  	s16 =	simm.s32 $0x0;
	s18 =	simm.s32 $0x110C0;
	v8 =	vld [tilespmem:s14+$0x20];
	[tilespmem:s15+$0x30] =	vst v11;
	v11 =	vmul.f32 v15, v13  }
.LBB2_18:
0x27e: {  	v13 =	vld [tilespmem:s18+$0x30];
	s16 =	sadd.s32 $0x80, s16;
	[tilespmem:s15+$0xFFFFFFC0] =	vst v12;
	v5 =	vmul.f32 v10, v5  }
0x27f: {  	v10 =	vld [tilespmem:s18+$0xFFFFFFD0];
	p0 =	slt.u32 s16, $0xF80;
	[tilespmem:s15+$0xFFFFFFD0] =	vst v11;
	v4 =	vmul.f32 v9, v4  }
0x280: {  	v9 =	vld [tilespmem:s18+$0xFFFFFFE0];
	[tilespmem:s15+$0xFFFFFFE0] =	vst v5;
	v3 =	vmul.f32 v7, v3  }
0x281: {  	v7 =	vld [tilespmem:s18+$0xFFFFFFF0];
	[tilespmem:s15+$0xFFFFFFF0] =	vst v4;
	v1 =	vmul.f32 v6, v1  }
0x282: {  	v6 =	vld [tilespmem:s18+$0x0];
	[tilespmem:s15+$0x0] =	vst v3;
	v2 =	vmul.f32 v8, v2  }
0x283: {  	v8 =	vld [tilespmem:s18+$0x10];
	[tilespmem:s15+$0x10] =	vst v1  }
0x284: {  	v11 =	vld [tilespmem:s18+$0x20];
	[tilespmem:s15+$0x20] =	vst v2  }
0x285: {  	v2 =	vld [tilespmem:s18+$0xFFFFFFC0]  }
0x286: {  	s14 =	sadd.s32 $0x80, s14;
	v12 =	vld.idx.msk [tilespmem:v13+s17+$0x0], $0xffff  }
0x287: {  	v13 =	vld [tilespmem:s14+$0x30]  }
0x288: {  	v14 =	vld.idx.msk [tilespmem:v10+s17+$0x0], $0xffff  }
0x289: {  	v5 =	vld.idx.msk [tilespmem:v9+s17+$0x0], $0xffff  }
0x28a: {  	v4 =	vld.idx.msk [tilespmem:v7+s17+$0x0], $0xffff  }
0x28b: {  	v3 =	vld.idx.msk [tilespmem:v6+s17+$0x0], $0xffff  }
0x28c: {  	v1 =	vld.idx.msk [tilespmem:v8+s17+$0x0], $0xffff;
	v6 =	vmul.f32 v13, v12  }
0x28d: {  	s15 =	sadd.s32 $0x80, s15;
	v8 =	vld.idx.msk [tilespmem:v2+s17+$0x0], $0xffff  }
0x28e: {  	v2 =	vld.idx.msk [tilespmem:v11+s17+$0x0], $0xffff;
	[tilespmem:s15+$0x30] =	vst v6  }
0x28f: {  	v6 =	vld [tilespmem:s14+$0xFFFFFFC0]  }
0x290: {  	v11 =	vld [tilespmem:s14+$0xFFFFFFD0]  }
.Ltmp8:
0x291: {  	v10 =	vld [tilespmem:s14+$0xFFFFFFE0];
	(pc) =	sbr.rel @p0 .LBB2_18-.Ltmp8, $4  }
0x292: {  	v9 =	vld [tilespmem:s14+$0xFFFFFFF0]  }
0x293: {  	v7 =	vld [tilespmem:s14+$0x0]  }
0x294: {  	v12 =	vmul.f32 v6, v8;
	v6 =	vld [tilespmem:s14+$0x10]  }
0x295: {  	s18 =	sadd.s32 $0x80, s18;
	v11 =	vmul.f32 v11, v14;
	v8 =	vld [tilespmem:s14+$0x20]  }
0x296: {  	[tilespmem:s15+$0xFFFFFFC0] =	vst v12;
	v5 =	vmul.f32 v10, v5  }
0x297: {  	[tilespmem:s15+$0xFFFFFFD0] =	vst v11;
	v4 =	vmul.f32 v9, v4  }
0x298: {  	[tilespmem:s15+$0xFFFFFFE0] =	vst v5;
	v3 =	vmul.f32 v7, v3  }
0x299: {  	[tilespmem:s15+$0xFFFFFFF0] =	vst v4;
	v1 =	vmul.f32 v6, v1  }
0x29a: {  	[tilespmem:s15+$0x0] =	vst v3;
	v2 =	vmul.f32 v8, v2  }
0x29b: {  	[tilespmem:s15+$0x10] =	vst v1  }
0x29c: {  	[tilespmem:s15+$0x20] =	vst v2  }
0x29d: {  	[spmem:s20] =	stream.indirect.scatter.add.f32 [tilespmem:s6], [sflag:$0x4], $0x1, s1, s3, $0xb8;
	[tilespmem:$0x1C000] =	vst v63  }
0x29e: {  	_ =	swait.ge [sflag:s7], $0x1000  }
0x29f: {  	[sflag:s7] =	ssyncset.done $0x0;
	s14 =	rddreg [dreg:$0x1f]  }
0x2a0: {  	s15 =	sld [smem:$0x7E7];
	[sflag:s7] =	ssyncadd.s32 $0xFFFFF000  }
0x2a1: {  	[tilespmem:s31], [sflag:$0x2] =	stream.linear.gather [hbm4b:s14+s17], $0x1000, $0x38;
	[tilespmem:$0x1C000] =	vst v63  }
0x2a2: {  	s16 =	sld [smem:$0x7E8]  }
0x2a3: {  	[tilespmem:s0], [sflag:$0x2] =	stream.linear.gather [hbm4b:s15+s17], $0x1000, $0x38;
	[tilespmem:$0x1C000] =	vst v63  }
0x2a4: {  	_ = 	snop  }
0x2a5: {  	[tilespmem:s30], [sflag:$0x2] =	stream.linear.gather [hbm4b:s16+s17], $0x1000, $0x38;
	[tilespmem:$0x1C000] =	vst v63  }
0x2a6: {  	_ =	swait.ge [sflag:s2], $0x1000  }
0x2a7: {  	[sflag:s2] =	ssyncset.done $0x0  }
0x2a8: {  	[sflag:s2] =	ssyncadd.s32 $0xFFFFF000  }
0x2a9: {  	_ =	swait.ge [sflag:s2], $0x1000  }
0x2aa: {  	[sflag:s2] =	ssyncset.done $0x0  }
0x2ab: {  	[sflag:s2] =	ssyncadd.s32 $0xFFFFF000  }
0x2ac: {  	_ =	swait.ge [sflag:s2], $0x1000  }
0x2ad: {  	[sflag:s2] =	ssyncset.done $0x0  }
0x2ae: {  	s18 =	simm.s32 $0x10040;
	[sflag:s2] =	ssyncadd.s32 $0xFFFFF000  }
0x2af: {  	v1 =	vld [tilespmem:s18+$0x30]  }
0x2b0: {  	v2 =	vld [tilespmem:s18+$0xFFFFFFD0]  }
0x2b1: {  	v3 =	vld [tilespmem:s18+$0xFFFFFFE0]  }
0x2b2: {  	v4 =	vld [tilespmem:s18+$0xFFFFFFF0]  }
0x2b3: {  	v6 =	vld [tilespmem:s18+$0x0]  }
0x2b4: {  	v7 =	vld [tilespmem:s18+$0x10]  }
0x2b5: {  	v8 =	vld [tilespmem:s18+$0x20]  }
0x2b6: {  	s14 =	simm.s32 $0x12040;
	v9 =	vld [tilespmem:s18+$0xFFFFFFC0]  }
0x2b7: {  	v12 =	vld [tilespmem:s14+$0x30]  }
0x2b8: {  	v15 =	vld [tilespmem:s14+$0xFFFFFFD0]  }
0x2b9: {  	v10 =	vld [tilespmem:s14+$0xFFFFFFE0]  }
0x2ba: {  	v11 =	vld.idx.msk [tilespmem:v1+s17+$0x0], $0xffff  }
0x2bb: {  	v13 =	vld.idx.msk [tilespmem:v2+s17+$0x0], $0xffff  }
0x2bc: {  	v5 =	vld.idx.msk [tilespmem:v3+s17+$0x0], $0xffff  }
0x2bd: {  	v4 =	vld.idx.msk [tilespmem:v4+s17+$0x0], $0xffff  }
0x2be: {  	v14 =	vld.idx.msk [tilespmem:v9+s17+$0x0], $0xffff  }
0x2bf: {  	v2 =	vld.idx.msk [tilespmem:v8+s17+$0x0], $0xffff  }
0x2c0: {  	v8 =	vld [tilespmem:s14+$0xFFFFFFC0]  }
0x2c1: {  	v3 =	vld.idx.msk [tilespmem:v6+s17+$0x0], $0xffff  }
0x2c2: {  	v1 =	vld.idx.msk [tilespmem:v7+s17+$0x0], $0xffff  }
0x2c3: {  	v9 =	vld [tilespmem:s14+$0xFFFFFFF0]  }
0x2c4: {  	v7 =	vld [tilespmem:s14+$0x0];
	v11 =	vmul.f32 v12, v11  }
0x2c5: {  	s15 =	simm.s32 $0x19040;
	v6 =	vld [tilespmem:s14+$0x10];
	v12 =	vmul.f32 v8, v14  }
0x2c6: {  	s16 =	simm.s32 $0x0;
	s18 =	simm.s32 $0x100C0;
	v8 =	vld [tilespmem:s14+$0x20];
	[tilespmem:s15+$0x30] =	vst v11;
	v11 =	vmul.f32 v15, v13  }
.LBB2_20:
0x2c7: {  	v13 =	vld [tilespmem:s18+$0x30];
	s16 =	sadd.s32 $0x80, s16;
	[tilespmem:s15+$0xFFFFFFC0] =	vst v12;
	v5 =	vmul.f32 v10, v5  }
0x2c8: {  	v10 =	vld [tilespmem:s18+$0xFFFFFFD0];
	p0 =	slt.u32 s16, $0xF80;
	[tilespmem:s15+$0xFFFFFFD0] =	vst v11;
	v4 =	vmul.f32 v9, v4  }
0x2c9: {  	v9 =	vld [tilespmem:s18+$0xFFFFFFE0];
	[tilespmem:s15+$0xFFFFFFE0] =	vst v5;
	v3 =	vmul.f32 v7, v3  }
0x2ca: {  	v7 =	vld [tilespmem:s18+$0xFFFFFFF0];
	[tilespmem:s15+$0xFFFFFFF0] =	vst v4;
	v1 =	vmul.f32 v6, v1  }
0x2cb: {  	v6 =	vld [tilespmem:s18+$0x0];
	[tilespmem:s15+$0x0] =	vst v3;
	v2 =	vmul.f32 v8, v2  }
0x2cc: {  	v8 =	vld [tilespmem:s18+$0x10];
	[tilespmem:s15+$0x10] =	vst v1  }
0x2cd: {  	v11 =	vld [tilespmem:s18+$0x20];
	[tilespmem:s15+$0x20] =	vst v2  }
0x2ce: {  	v2 =	vld [tilespmem:s18+$0xFFFFFFC0]  }
0x2cf: {  	s14 =	sadd.s32 $0x80, s14;
	v12 =	vld.idx.msk [tilespmem:v13+s17+$0x0], $0xffff  }
0x2d0: {  	v13 =	vld [tilespmem:s14+$0x30]  }
0x2d1: {  	v14 =	vld.idx.msk [tilespmem:v10+s17+$0x0], $0xffff  }
0x2d2: {  	v5 =	vld.idx.msk [tilespmem:v9+s17+$0x0], $0xffff  }
0x2d3: {  	v4 =	vld.idx.msk [tilespmem:v7+s17+$0x0], $0xffff  }
0x2d4: {  	v3 =	vld.idx.msk [tilespmem:v6+s17+$0x0], $0xffff  }
0x2d5: {  	v1 =	vld.idx.msk [tilespmem:v8+s17+$0x0], $0xffff;
	v6 =	vmul.f32 v13, v12  }
0x2d6: {  	s15 =	sadd.s32 $0x80, s15;
	v8 =	vld.idx.msk [tilespmem:v2+s17+$0x0], $0xffff  }
0x2d7: {  	v2 =	vld.idx.msk [tilespmem:v11+s17+$0x0], $0xffff;
	[tilespmem:s15+$0x30] =	vst v6  }
0x2d8: {  	v6 =	vld [tilespmem:s14+$0xFFFFFFC0]  }
0x2d9: {  	v11 =	vld [tilespmem:s14+$0xFFFFFFD0]  }
.Ltmp9:
0x2da: {  	v10 =	vld [tilespmem:s14+$0xFFFFFFE0];
	(pc) =	sbr.rel @p0 .LBB2_20-.Ltmp9, $4  }
0x2db: {  	v9 =	vld [tilespmem:s14+$0xFFFFFFF0]  }
0x2dc: {  	v7 =	vld [tilespmem:s14+$0x0]  }
0x2dd: {  	v12 =	vmul.f32 v6, v8;
	v6 =	vld [tilespmem:s14+$0x10]  }
0x2de: {  	s18 =	sadd.s32 $0x80, s18;
	v11 =	vmul.f32 v11, v14;
	v8 =	vld [tilespmem:s14+$0x20]  }
0x2df: {  	[tilespmem:s15+$0xFFFFFFC0] =	vst v12;
	v5 =	vmul.f32 v10, v5  }
0x2e0: {  	[tilespmem:s15+$0xFFFFFFD0] =	vst v11;
	v4 =	vmul.f32 v9, v4  }
0x2e1: {  	[tilespmem:s15+$0xFFFFFFE0] =	vst v5;
	v3 =	vmul.f32 v7, v3  }
0x2e2: {  	[tilespmem:s15+$0xFFFFFFF0] =	vst v4;
	v1 =	vmul.f32 v6, v1  }
0x2e3: {  	[tilespmem:s15+$0x0] =	vst v3;
	v2 =	vmul.f32 v8, v2  }
0x2e4: {  	[tilespmem:s15+$0x10] =	vst v1  }
0x2e5: {  	[tilespmem:s15+$0x20] =	vst v2  }
0x2e6: {  	[spmem:s20] =	stream.indirect.scatter.add.f32 [tilespmem:s8], [sflag:$0x5], $0x1, s4, s3, $0xb8;
	[tilespmem:$0x1C000] =	vst v63  }
0x2e7: {  	_ =	swait.ge [sflag:s9], $0x1000  }
0x2e8: {  	s14 =	sld [smem:$0x7E9]  }
0x2e9: {  	[sflag:s9] =	ssyncset.done $0x0  }
0x2ea: {  	s15 =	sld [smem:$0x7EA];
	[sflag:s9] =	ssyncadd.s32 $0xFFFFF000  }
0x2eb: {  	[tilespmem:s28], [sflag:$0x1] =	stream.linear.gather [hbm4b:s14+s17], $0x1000, $0x38;
	[tilespmem:$0x1C000] =	vst v63  }
0x2ec: {  	s16 =	sld [smem:$0x7EB]  }
0x2ed: {  	[tilespmem:s29], [sflag:$0x1] =	stream.linear.gather [hbm4b:s15+s17], $0x1000, $0x38;
	[tilespmem:$0x1C000] =	vst v63  }
0x2ee: {  	_ = 	snop  }
0x2ef: {  	[tilespmem:s1], [sflag:$0x1] =	stream.linear.gather [hbm4b:s16+s17], $0x1000, $0x38;
	[tilespmem:$0x1C000] =	vst v63  }
0x2f0: {  	_ =	swait.ge [sflag:s5], $0x1000  }
0x2f1: {  	[sflag:s5] =	ssyncset.done $0x0  }
0x2f2: {  	[sflag:s5] =	ssyncadd.s32 $0xFFFFF000  }
0x2f3: {  	_ =	swait.ge [sflag:s5], $0x1000  }
0x2f4: {  	[sflag:s5] =	ssyncset.done $0x0  }
0x2f5: {  	[sflag:s5] =	ssyncadd.s32 $0xFFFFF000  }
0x2f6: {  	_ =	swait.ge [sflag:s5], $0x1000  }
0x2f7: {  	[sflag:s5] =	ssyncset.done $0x0  }
0x2f8: {  	s18 =	simm.s32 $0x11040;
	[sflag:s5] =	ssyncadd.s32 $0xFFFFF000  }
0x2f9: {  	v1 =	vld [tilespmem:s18+$0x30]  }
0x2fa: {  	v2 =	vld [tilespmem:s18+$0xFFFFFFD0]  }
0x2fb: {  	v3 =	vld [tilespmem:s18+$0xFFFFFFE0]  }
0x2fc: {  	v4 =	vld [tilespmem:s18+$0xFFFFFFF0]  }
0x2fd: {  	v6 =	vld [tilespmem:s18+$0x0]  }
0x2fe: {  	v7 =	vld [tilespmem:s18+$0x10]  }
0x2ff: {  	v8 =	vld [tilespmem:s18+$0x20]  }
0x300: {  	s14 =	simm.s32 $0x13040;
	v9 =	vld [tilespmem:s18+$0xFFFFFFC0]  }
0x301: {  	v12 =	vld [tilespmem:s14+$0x30]  }
0x302: {  	v15 =	vld [tilespmem:s14+$0xFFFFFFD0]  }
0x303: {  	v10 =	vld [tilespmem:s14+$0xFFFFFFE0]  }
0x304: {  	v11 =	vld.idx.msk [tilespmem:v1+s17+$0x0], $0xffff  }
0x305: {  	v13 =	vld.idx.msk [tilespmem:v2+s17+$0x0], $0xffff  }
0x306: {  	v5 =	vld.idx.msk [tilespmem:v3+s17+$0x0], $0xffff  }
0x307: {  	v4 =	vld.idx.msk [tilespmem:v4+s17+$0x0], $0xffff  }
0x308: {  	v14 =	vld.idx.msk [tilespmem:v9+s17+$0x0], $0xffff  }
0x309: {  	v2 =	vld.idx.msk [tilespmem:v8+s17+$0x0], $0xffff  }
0x30a: {  	v8 =	vld [tilespmem:s14+$0xFFFFFFC0]  }
0x30b: {  	v3 =	vld.idx.msk [tilespmem:v6+s17+$0x0], $0xffff  }
0x30c: {  	v1 =	vld.idx.msk [tilespmem:v7+s17+$0x0], $0xffff  }
0x30d: {  	v9 =	vld [tilespmem:s14+$0xFFFFFFF0]  }
0x30e: {  	v7 =	vld [tilespmem:s14+$0x0];
	v11 =	vmul.f32 v12, v11  }
0x30f: {  	s15 =	simm.s32 $0x17040;
	v6 =	vld [tilespmem:s14+$0x10];
	v12 =	vmul.f32 v8, v14  }
0x310: {  	s16 =	simm.s32 $0x0;
	s18 =	simm.s32 $0x110C0;
	v8 =	vld [tilespmem:s14+$0x20];
	[tilespmem:s15+$0x30] =	vst v11;
	v11 =	vmul.f32 v15, v13  }
.LBB2_22:
0x311: {  	v13 =	vld [tilespmem:s18+$0x30];
	s16 =	sadd.s32 $0x80, s16;
	[tilespmem:s15+$0xFFFFFFC0] =	vst v12;
	v5 =	vmul.f32 v10, v5  }
0x312: {  	v10 =	vld [tilespmem:s18+$0xFFFFFFD0];
	p0 =	slt.u32 s16, $0xF80;
	[tilespmem:s15+$0xFFFFFFD0] =	vst v11;
	v4 =	vmul.f32 v9, v4  }
0x313: {  	v9 =	vld [tilespmem:s18+$0xFFFFFFE0];
	[tilespmem:s15+$0xFFFFFFE0] =	vst v5;
	v3 =	vmul.f32 v7, v3  }
0x314: {  	v7 =	vld [tilespmem:s18+$0xFFFFFFF0];
	[tilespmem:s15+$0xFFFFFFF0] =	vst v4;
	v1 =	vmul.f32 v6, v1  }
0x315: {  	v6 =	vld [tilespmem:s18+$0x0];
	[tilespmem:s15+$0x0] =	vst v3;
	v2 =	vmul.f32 v8, v2  }
0x316: {  	v8 =	vld [tilespmem:s18+$0x10];
	[tilespmem:s15+$0x10] =	vst v1  }
0x317: {  	v11 =	vld [tilespmem:s18+$0x20];
	[tilespmem:s15+$0x20] =	vst v2  }
0x318: {  	v2 =	vld [tilespmem:s18+$0xFFFFFFC0]  }
0x319: {  	s14 =	sadd.s32 $0x80, s14;
	v12 =	vld.idx.msk [tilespmem:v13+s17+$0x0], $0xffff  }
0x31a: {  	v13 =	vld [tilespmem:s14+$0x30]  }
0x31b: {  	v14 =	vld.idx.msk [tilespmem:v10+s17+$0x0], $0xffff  }
0x31c: {  	v5 =	vld.idx.msk [tilespmem:v9+s17+$0x0], $0xffff  }
0x31d: {  	v4 =	vld.idx.msk [tilespmem:v7+s17+$0x0], $0xffff  }
0x31e: {  	v3 =	vld.idx.msk [tilespmem:v6+s17+$0x0], $0xffff  }
0x31f: {  	v1 =	vld.idx.msk [tilespmem:v8+s17+$0x0], $0xffff;
	v6 =	vmul.f32 v13, v12  }
0x320: {  	s15 =	sadd.s32 $0x80, s15;
	v8 =	vld.idx.msk [tilespmem:v2+s17+$0x0], $0xffff  }
0x321: {  	v2 =	vld.idx.msk [tilespmem:v11+s17+$0x0], $0xffff;
	[tilespmem:s15+$0x30] =	vst v6  }
0x322: {  	v6 =	vld [tilespmem:s14+$0xFFFFFFC0]  }
0x323: {  	v11 =	vld [tilespmem:s14+$0xFFFFFFD0]  }
.Ltmp10:
0x324: {  	v10 =	vld [tilespmem:s14+$0xFFFFFFE0];
	(pc) =	sbr.rel @p0 .LBB2_22-.Ltmp10, $4  }
0x325: {  	v9 =	vld [tilespmem:s14+$0xFFFFFFF0]  }
0x326: {  	v7 =	vld [tilespmem:s14+$0x0]  }
0x327: {  	v12 =	vmul.f32 v6, v8;
	v6 =	vld [tilespmem:s14+$0x10]  }
0x328: {  	s18 =	sadd.s32 $0x80, s18;
	v11 =	vmul.f32 v11, v14;
	v8 =	vld [tilespmem:s14+$0x20]  }
0x329: {  	[tilespmem:s15+$0xFFFFFFC0] =	vst v12;
	v5 =	vmul.f32 v10, v5  }
0x32a: {  	[tilespmem:s15+$0xFFFFFFD0] =	vst v11;
	v4 =	vmul.f32 v9, v4  }
0x32b: {  	[tilespmem:s15+$0xFFFFFFE0] =	vst v5;
	v3 =	vmul.f32 v7, v3  }
0x32c: {  	[tilespmem:s15+$0xFFFFFFF0] =	vst v4;
	v1 =	vmul.f32 v6, v1  }
0x32d: {  	[tilespmem:s15+$0x0] =	vst v3;
	v2 =	vmul.f32 v8, v2  }
0x32e: {  	[tilespmem:s15+$0x10] =	vst v1  }
0x32f: {  	[tilespmem:s15+$0x20] =	vst v2  }
0x330: {  	[spmem:s20] =	stream.indirect.scatter.add.f32 [tilespmem:s26], [sflag:$0x3], $0x1, s30, s3, $0xb8;
	[tilespmem:$0x1C000] =	vst v63  }
0x331: {  	_ =	swait.ge [sflag:s10], $0x1000  }
0x332: {  	s14 =	sld [smem:$0x7EC]  }
0x333: {  	[sflag:s10] =	ssyncset.done $0x0  }
0x334: {  	s15 =	sld [smem:$0x7ED];
	[sflag:s10] =	ssyncadd.s32 $0xFFFFF000  }
0x335: {  	[tilespmem:s31], [sflag:$0x2] =	stream.linear.gather [hbm4b:s14+s17], $0x1000, $0x38;
	[tilespmem:$0x1C000] =	vst v63  }
0x336: {  	s16 =	sld [smem:$0x7EE]  }
0x337: {  	[tilespmem:s0], [sflag:$0x2] =	stream.linear.gather [hbm4b:s15+s17], $0x1000, $0x38;
	[tilespmem:$0x1C000] =	vst v63  }
0x338: {  	_ = 	snop  }
0x339: {  	[tilespmem:s4], [sflag:$0x2] =	stream.linear.gather [hbm4b:s16+s17], $0x1000, $0x38;
	[tilespmem:$0x1C000] =	vst v63  }
0x33a: {  	_ =	swait.ge [sflag:s2], $0x1000  }
0x33b: {  	[sflag:s2] =	ssyncset.done $0x0  }
0x33c: {  	[sflag:s2] =	ssyncadd.s32 $0xFFFFF000  }
0x33d: {  	_ =	swait.ge [sflag:s2], $0x1000  }
0x33e: {  	[sflag:s2] =	ssyncset.done $0x0  }
0x33f: {  	[sflag:s2] =	ssyncadd.s32 $0xFFFFF000  }
0x340: {  	_ =	swait.ge [sflag:s2], $0x1000  }
0x341: {  	[sflag:s2] =	ssyncset.done $0x0  }
0x342: {  	s18 =	simm.s32 $0x10040;
	[sflag:s2] =	ssyncadd.s32 $0xFFFFF000  }
0x343: {  	v1 =	vld [tilespmem:s18+$0x30]  }
0x344: {  	v2 =	vld [tilespmem:s18+$0xFFFFFFD0]  }
0x345: {  	v3 =	vld [tilespmem:s18+$0xFFFFFFE0]  }
0x346: {  	v4 =	vld [tilespmem:s18+$0xFFFFFFF0]  }
0x347: {  	v6 =	vld [tilespmem:s18+$0x0]  }
0x348: {  	v7 =	vld [tilespmem:s18+$0x10]  }
0x349: {  	v8 =	vld [tilespmem:s18+$0x20]  }
0x34a: {  	s14 =	simm.s32 $0x12040;
	v9 =	vld [tilespmem:s18+$0xFFFFFFC0]  }
0x34b: {  	v12 =	vld [tilespmem:s14+$0x30]  }
0x34c: {  	v15 =	vld [tilespmem:s14+$0xFFFFFFD0]  }
0x34d: {  	v10 =	vld [tilespmem:s14+$0xFFFFFFE0]  }
0x34e: {  	v11 =	vld.idx.msk [tilespmem:v1+s17+$0x0], $0xffff  }
0x34f: {  	v13 =	vld.idx.msk [tilespmem:v2+s17+$0x0], $0xffff  }
0x350: {  	v5 =	vld.idx.msk [tilespmem:v3+s17+$0x0], $0xffff  }
0x351: {  	v4 =	vld.idx.msk [tilespmem:v4+s17+$0x0], $0xffff  }
0x352: {  	v14 =	vld.idx.msk [tilespmem:v9+s17+$0x0], $0xffff  }
0x353: {  	v2 =	vld.idx.msk [tilespmem:v8+s17+$0x0], $0xffff  }
0x354: {  	v8 =	vld [tilespmem:s14+$0xFFFFFFC0]  }
0x355: {  	v3 =	vld.idx.msk [tilespmem:v6+s17+$0x0], $0xffff  }
0x356: {  	v1 =	vld.idx.msk [tilespmem:v7+s17+$0x0], $0xffff  }
0x357: {  	v9 =	vld [tilespmem:s14+$0xFFFFFFF0]  }
0x358: {  	v7 =	vld [tilespmem:s14+$0x0];
	v11 =	vmul.f32 v12, v11  }
0x359: {  	s15 =	simm.s32 $0x18040;
	v6 =	vld [tilespmem:s14+$0x10];
	v12 =	vmul.f32 v8, v14  }
0x35a: {  	s16 =	simm.s32 $0x0;
	s18 =	simm.s32 $0x100C0;
	v8 =	vld [tilespmem:s14+$0x20];
	[tilespmem:s15+$0x30] =	vst v11;
	v11 =	vmul.f32 v15, v13  }
.LBB2_24:
0x35b: {  	v13 =	vld [tilespmem:s18+$0x30];
	s16 =	sadd.s32 $0x80, s16;
	[tilespmem:s15+$0xFFFFFFC0] =	vst v12;
	v5 =	vmul.f32 v10, v5  }
0x35c: {  	v10 =	vld [tilespmem:s18+$0xFFFFFFD0];
	p0 =	slt.u32 s16, $0xF80;
	[tilespmem:s15+$0xFFFFFFD0] =	vst v11;
	v4 =	vmul.f32 v9, v4  }
0x35d: {  	v9 =	vld [tilespmem:s18+$0xFFFFFFE0];
	[tilespmem:s15+$0xFFFFFFE0] =	vst v5;
	v3 =	vmul.f32 v7, v3  }
0x35e: {  	v7 =	vld [tilespmem:s18+$0xFFFFFFF0];
	[tilespmem:s15+$0xFFFFFFF0] =	vst v4;
	v1 =	vmul.f32 v6, v1  }
0x35f: {  	v6 =	vld [tilespmem:s18+$0x0];
	[tilespmem:s15+$0x0] =	vst v3;
	v2 =	vmul.f32 v8, v2  }
0x360: {  	v8 =	vld [tilespmem:s18+$0x10];
	[tilespmem:s15+$0x10] =	vst v1  }
0x361: {  	v11 =	vld [tilespmem:s18+$0x20];
	[tilespmem:s15+$0x20] =	vst v2  }
0x362: {  	v2 =	vld [tilespmem:s18+$0xFFFFFFC0]  }
0x363: {  	s14 =	sadd.s32 $0x80, s14;
	v12 =	vld.idx.msk [tilespmem:v13+s17+$0x0], $0xffff  }
0x364: {  	v13 =	vld [tilespmem:s14+$0x30]  }
0x365: {  	v14 =	vld.idx.msk [tilespmem:v10+s17+$0x0], $0xffff  }
0x366: {  	v5 =	vld.idx.msk [tilespmem:v9+s17+$0x0], $0xffff  }
0x367: {  	v4 =	vld.idx.msk [tilespmem:v7+s17+$0x0], $0xffff  }
0x368: {  	v3 =	vld.idx.msk [tilespmem:v6+s17+$0x0], $0xffff  }
0x369: {  	v1 =	vld.idx.msk [tilespmem:v8+s17+$0x0], $0xffff;
	v6 =	vmul.f32 v13, v12  }
0x36a: {  	s15 =	sadd.s32 $0x80, s15;
	v8 =	vld.idx.msk [tilespmem:v2+s17+$0x0], $0xffff  }
0x36b: {  	v2 =	vld.idx.msk [tilespmem:v11+s17+$0x0], $0xffff;
	[tilespmem:s15+$0x30] =	vst v6  }
0x36c: {  	v6 =	vld [tilespmem:s14+$0xFFFFFFC0]  }
0x36d: {  	v11 =	vld [tilespmem:s14+$0xFFFFFFD0]  }
.Ltmp11:
0x36e: {  	v10 =	vld [tilespmem:s14+$0xFFFFFFE0];
	(pc) =	sbr.rel @p0 .LBB2_24-.Ltmp11, $4  }
0x36f: {  	v9 =	vld [tilespmem:s14+$0xFFFFFFF0]  }
0x370: {  	v7 =	vld [tilespmem:s14+$0x0]  }
0x371: {  	v12 =	vmul.f32 v6, v8;
	v6 =	vld [tilespmem:s14+$0x10]  }
0x372: {  	s18 =	sadd.s32 $0x80, s18;
	v11 =	vmul.f32 v11, v14;
	v8 =	vld [tilespmem:s14+$0x20]  }
0x373: {  	[tilespmem:s15+$0xFFFFFFC0] =	vst v12;
	v5 =	vmul.f32 v10, v5  }
0x374: {  	[tilespmem:s15+$0xFFFFFFD0] =	vst v11;
	v4 =	vmul.f32 v9, v4  }
0x375: {  	[tilespmem:s15+$0xFFFFFFE0] =	vst v5;
	v3 =	vmul.f32 v7, v3  }
0x376: {  	[tilespmem:s15+$0xFFFFFFF0] =	vst v4;
	v1 =	vmul.f32 v6, v1  }
0x377: {  	[tilespmem:s15+$0x0] =	vst v3;
	v2 =	vmul.f32 v8, v2  }
0x378: {  	[tilespmem:s15+$0x10] =	vst v1  }
0x379: {  	[tilespmem:s15+$0x20] =	vst v2  }
0x37a: {  	[spmem:s20] =	stream.indirect.scatter.add.f32 [tilespmem:s6], [sflag:$0x4], $0x1, s1, s3, $0xb8;
	[tilespmem:$0x1C000] =	vst v63  }
0x37b: {  	_ =	swait.ge [sflag:s7], $0x1000  }
0x37c: {  	s14 =	sld [smem:$0x7EF]  }
0x37d: {  	[sflag:s7] =	ssyncset.done $0x0  }
0x37e: {  	s15 =	sld [smem:$0x7F0];
	[sflag:s7] =	ssyncadd.s32 $0xFFFFF000  }
0x37f: {  	[tilespmem:s28], [sflag:$0x1] =	stream.linear.gather [hbm4b:s14+s17], $0x1000, $0x38;
	[tilespmem:$0x1C000] =	vst v63  }
0x380: {  	s16 =	sld [smem:$0x7F1]  }
0x381: {  	[tilespmem:s29], [sflag:$0x1] =	stream.linear.gather [hbm4b:s15+s17], $0x1000, $0x38;
	[tilespmem:$0x1C000] =	vst v63  }
0x382: {  	_ = 	snop  }
0x383: {  	[tilespmem:s30], [sflag:$0x1] =	stream.linear.gather [hbm4b:s16+s17], $0x1000, $0x38;
	[tilespmem:$0x1C000] =	vst v63  }
0x384: {  	_ =	swait.ge [sflag:s5], $0x1000  }
0x385: {  	[sflag:s5] =	ssyncset.done $0x0  }
0x386: {  	[sflag:s5] =	ssyncadd.s32 $0xFFFFF000  }
0x387: {  	_ =	swait.ge [sflag:s5], $0x1000  }
0x388: {  	[sflag:s5] =	ssyncset.done $0x0  }
0x389: {  	[sflag:s5] =	ssyncadd.s32 $0xFFFFF000  }
0x38a: {  	_ =	swait.ge [sflag:s5], $0x1000  }
0x38b: {  	[sflag:s5] =	ssyncset.done $0x0  }
0x38c: {  	s18 =	simm.s32 $0x11040;
	[sflag:s5] =	ssyncadd.s32 $0xFFFFF000  }
0x38d: {  	v1 =	vld [tilespmem:s18+$0x30]  }
0x38e: {  	v2 =	vld [tilespmem:s18+$0xFFFFFFD0]  }
0x38f: {  	v3 =	vld [tilespmem:s18+$0xFFFFFFE0]  }
0x390: {  	v4 =	vld [tilespmem:s18+$0xFFFFFFF0]  }
0x391: {  	v6 =	vld [tilespmem:s18+$0x0]  }
0x392: {  	v7 =	vld [tilespmem:s18+$0x10]  }
0x393: {  	v8 =	vld [tilespmem:s18+$0x20]  }
0x394: {  	s14 =	simm.s32 $0x13040;
	v9 =	vld [tilespmem:s18+$0xFFFFFFC0]  }
0x395: {  	v12 =	vld [tilespmem:s14+$0x30]  }
0x396: {  	v15 =	vld [tilespmem:s14+$0xFFFFFFD0]  }
0x397: {  	v10 =	vld [tilespmem:s14+$0xFFFFFFE0]  }
0x398: {  	v11 =	vld.idx.msk [tilespmem:v1+s17+$0x0], $0xffff  }
0x399: {  	v13 =	vld.idx.msk [tilespmem:v2+s17+$0x0], $0xffff  }
0x39a: {  	v5 =	vld.idx.msk [tilespmem:v3+s17+$0x0], $0xffff  }
0x39b: {  	v4 =	vld.idx.msk [tilespmem:v4+s17+$0x0], $0xffff  }
0x39c: {  	v14 =	vld.idx.msk [tilespmem:v9+s17+$0x0], $0xffff  }
0x39d: {  	v2 =	vld.idx.msk [tilespmem:v8+s17+$0x0], $0xffff  }
0x39e: {  	v8 =	vld [tilespmem:s14+$0xFFFFFFC0]  }
0x39f: {  	v3 =	vld.idx.msk [tilespmem:v6+s17+$0x0], $0xffff  }
0x3a0: {  	v1 =	vld.idx.msk [tilespmem:v7+s17+$0x0], $0xffff  }
0x3a1: {  	v9 =	vld [tilespmem:s14+$0xFFFFFFF0]  }
0x3a2: {  	v7 =	vld [tilespmem:s14+$0x0];
	v11 =	vmul.f32 v12, v11  }
0x3a3: {  	s15 =	simm.s32 $0x19040;
	v6 =	vld [tilespmem:s14+$0x10];
	v12 =	vmul.f32 v8, v14  }
0x3a4: {  	s16 =	simm.s32 $0x0;
	s18 =	simm.s32 $0x110C0;
	v8 =	vld [tilespmem:s14+$0x20];
	[tilespmem:s15+$0x30] =	vst v11;
	v11 =	vmul.f32 v15, v13  }
.LBB2_26:
0x3a5: {  	v13 =	vld [tilespmem:s18+$0x30];
	s16 =	sadd.s32 $0x80, s16;
	[tilespmem:s15+$0xFFFFFFC0] =	vst v12;
	v5 =	vmul.f32 v10, v5  }
0x3a6: {  	v10 =	vld [tilespmem:s18+$0xFFFFFFD0];
	p0 =	slt.u32 s16, $0xF80;
	[tilespmem:s15+$0xFFFFFFD0] =	vst v11;
	v4 =	vmul.f32 v9, v4  }
0x3a7: {  	v9 =	vld [tilespmem:s18+$0xFFFFFFE0];
	[tilespmem:s15+$0xFFFFFFE0] =	vst v5;
	v3 =	vmul.f32 v7, v3  }
0x3a8: {  	v7 =	vld [tilespmem:s18+$0xFFFFFFF0];
	[tilespmem:s15+$0xFFFFFFF0] =	vst v4;
	v1 =	vmul.f32 v6, v1  }
0x3a9: {  	v6 =	vld [tilespmem:s18+$0x0];
	[tilespmem:s15+$0x0] =	vst v3;
	v2 =	vmul.f32 v8, v2  }
0x3aa: {  	v8 =	vld [tilespmem:s18+$0x10];
	[tilespmem:s15+$0x10] =	vst v1  }
0x3ab: {  	v11 =	vld [tilespmem:s18+$0x20];
	[tilespmem:s15+$0x20] =	vst v2  }
0x3ac: {  	v2 =	vld [tilespmem:s18+$0xFFFFFFC0]  }
0x3ad: {  	s14 =	sadd.s32 $0x80, s14;
	v12 =	vld.idx.msk [tilespmem:v13+s17+$0x0], $0xffff  }
0x3ae: {  	v13 =	vld [tilespmem:s14+$0x30]  }
0x3af: {  	v14 =	vld.idx.msk [tilespmem:v10+s17+$0x0], $0xffff  }
0x3b0: {  	v5 =	vld.idx.msk [tilespmem:v9+s17+$0x0], $0xffff  }
0x3b1: {  	v4 =	vld.idx.msk [tilespmem:v7+s17+$0x0], $0xffff  }
0x3b2: {  	v3 =	vld.idx.msk [tilespmem:v6+s17+$0x0], $0xffff  }
0x3b3: {  	v1 =	vld.idx.msk [tilespmem:v8+s17+$0x0], $0xffff;
	v6 =	vmul.f32 v13, v12  }
0x3b4: {  	s15 =	sadd.s32 $0x80, s15;
	v8 =	vld.idx.msk [tilespmem:v2+s17+$0x0], $0xffff  }
0x3b5: {  	v2 =	vld.idx.msk [tilespmem:v11+s17+$0x0], $0xffff;
	[tilespmem:s15+$0x30] =	vst v6  }
0x3b6: {  	v6 =	vld [tilespmem:s14+$0xFFFFFFC0]  }
0x3b7: {  	v11 =	vld [tilespmem:s14+$0xFFFFFFD0]  }
.Ltmp12:
0x3b8: {  	v10 =	vld [tilespmem:s14+$0xFFFFFFE0];
	(pc) =	sbr.rel @p0 .LBB2_26-.Ltmp12, $4  }
0x3b9: {  	v9 =	vld [tilespmem:s14+$0xFFFFFFF0]  }
0x3ba: {  	v7 =	vld [tilespmem:s14+$0x0]  }
0x3bb: {  	v12 =	vmul.f32 v6, v8;
	v6 =	vld [tilespmem:s14+$0x10]  }
0x3bc: {  	s18 =	sadd.s32 $0x80, s18;
	v11 =	vmul.f32 v11, v14;
	v8 =	vld [tilespmem:s14+$0x20]  }
0x3bd: {  	[tilespmem:s15+$0xFFFFFFC0] =	vst v12;
	v5 =	vmul.f32 v10, v5  }
0x3be: {  	[tilespmem:s15+$0xFFFFFFD0] =	vst v11;
	v4 =	vmul.f32 v9, v4  }
0x3bf: {  	[tilespmem:s15+$0xFFFFFFE0] =	vst v5;
	v3 =	vmul.f32 v7, v3  }
0x3c0: {  	[tilespmem:s15+$0xFFFFFFF0] =	vst v4;
	v1 =	vmul.f32 v6, v1  }
0x3c1: {  	[tilespmem:s15+$0x0] =	vst v3;
	v2 =	vmul.f32 v8, v2  }
0x3c2: {  	[tilespmem:s15+$0x10] =	vst v1  }
0x3c3: {  	[tilespmem:s15+$0x20] =	vst v2  }
0x3c4: {  	[spmem:s20] =	stream.indirect.scatter.add.f32 [tilespmem:s8], [sflag:$0x5], $0x1, s4, s3, $0xb8;
	[tilespmem:$0x1C000] =	vst v63  }
0x3c5: {  	_ =	swait.ge [sflag:s9], $0x1000  }
0x3c6: {  	s14 =	sld [smem:$0x7F2]  }
0x3c7: {  	[sflag:s9] =	ssyncset.done $0x0  }
0x3c8: {  	s15 =	sld [smem:$0x7F3];
	[sflag:s9] =	ssyncadd.s32 $0xFFFFF000  }
0x3c9: {  	[tilespmem:s31], [sflag:$0x2] =	stream.linear.gather [hbm4b:s14+s17], $0x1000, $0x38;
	[tilespmem:$0x1C000] =	vst v63  }
0x3ca: {  	s16 =	sld [smem:$0x7F4]  }
0x3cb: {  	[tilespmem:s0], [sflag:$0x2] =	stream.linear.gather [hbm4b:s15+s17], $0x1000, $0x38;
	[tilespmem:$0x1C000] =	vst v63  }
0x3cc: {  	_ = 	snop  }
0x3cd: {  	[tilespmem:s1], [sflag:$0x2] =	stream.linear.gather [hbm4b:s16+s17], $0x1000, $0x38;
	[tilespmem:$0x1C000] =	vst v63  }
0x3ce: {  	_ =	swait.ge [sflag:s2], $0x1000  }
0x3cf: {  	[sflag:s2] =	ssyncset.done $0x0  }
0x3d0: {  	[sflag:s2] =	ssyncadd.s32 $0xFFFFF000  }
0x3d1: {  	_ =	swait.ge [sflag:s2], $0x1000  }
0x3d2: {  	[sflag:s2] =	ssyncset.done $0x0  }
0x3d3: {  	[sflag:s2] =	ssyncadd.s32 $0xFFFFF000  }
0x3d4: {  	_ =	swait.ge [sflag:s2], $0x1000  }
0x3d5: {  	[sflag:s2] =	ssyncset.done $0x0  }
0x3d6: {  	s18 =	simm.s32 $0x10040;
	[sflag:s2] =	ssyncadd.s32 $0xFFFFF000  }
0x3d7: {  	v1 =	vld [tilespmem:s18+$0x30]  }
0x3d8: {  	v2 =	vld [tilespmem:s18+$0xFFFFFFD0]  }
0x3d9: {  	v3 =	vld [tilespmem:s18+$0xFFFFFFE0]  }
0x3da: {  	v4 =	vld [tilespmem:s18+$0xFFFFFFF0]  }
0x3db: {  	v6 =	vld [tilespmem:s18+$0x0]  }
0x3dc: {  	v7 =	vld [tilespmem:s18+$0x10]  }
0x3dd: {  	v8 =	vld [tilespmem:s18+$0x20]  }
0x3de: {  	s14 =	simm.s32 $0x12040;
	v9 =	vld [tilespmem:s18+$0xFFFFFFC0]  }
0x3df: {  	v12 =	vld [tilespmem:s14+$0x30]  }
0x3e0: {  	v15 =	vld [tilespmem:s14+$0xFFFFFFD0]  }
0x3e1: {  	v10 =	vld [tilespmem:s14+$0xFFFFFFE0]  }
0x3e2: {  	v11 =	vld.idx.msk [tilespmem:v1+s17+$0x0], $0xffff  }
0x3e3: {  	v13 =	vld.idx.msk [tilespmem:v2+s17+$0x0], $0xffff  }
0x3e4: {  	v5 =	vld.idx.msk [tilespmem:v3+s17+$0x0], $0xffff  }
0x3e5: {  	v4 =	vld.idx.msk [tilespmem:v4+s17+$0x0], $0xffff  }
0x3e6: {  	v14 =	vld.idx.msk [tilespmem:v9+s17+$0x0], $0xffff  }
0x3e7: {  	v2 =	vld.idx.msk [tilespmem:v8+s17+$0x0], $0xffff  }
0x3e8: {  	v8 =	vld [tilespmem:s14+$0xFFFFFFC0]  }
0x3e9: {  	v3 =	vld.idx.msk [tilespmem:v6+s17+$0x0], $0xffff  }
0x3ea: {  	v1 =	vld.idx.msk [tilespmem:v7+s17+$0x0], $0xffff  }
0x3eb: {  	v9 =	vld [tilespmem:s14+$0xFFFFFFF0]  }
0x3ec: {  	v7 =	vld [tilespmem:s14+$0x0];
	v11 =	vmul.f32 v12, v11  }
0x3ed: {  	s15 =	simm.s32 $0x17040;
	v6 =	vld [tilespmem:s14+$0x10];
	v12 =	vmul.f32 v8, v14  }
0x3ee: {  	s16 =	simm.s32 $0x0;
	s18 =	simm.s32 $0x100C0;
	v8 =	vld [tilespmem:s14+$0x20];
	[tilespmem:s15+$0x30] =	vst v11;
	v11 =	vmul.f32 v15, v13  }
.LBB2_28:
0x3ef: {  	v13 =	vld [tilespmem:s18+$0x30];
	s16 =	sadd.s32 $0x80, s16;
	[tilespmem:s15+$0xFFFFFFC0] =	vst v12;
	v5 =	vmul.f32 v10, v5  }
0x3f0: {  	v10 =	vld [tilespmem:s18+$0xFFFFFFD0];
	p0 =	slt.u32 s16, $0xF80;
	[tilespmem:s15+$0xFFFFFFD0] =	vst v11;
	v4 =	vmul.f32 v9, v4  }
0x3f1: {  	v9 =	vld [tilespmem:s18+$0xFFFFFFE0];
	[tilespmem:s15+$0xFFFFFFE0] =	vst v5;
	v3 =	vmul.f32 v7, v3  }
0x3f2: {  	v7 =	vld [tilespmem:s18+$0xFFFFFFF0];
	[tilespmem:s15+$0xFFFFFFF0] =	vst v4;
	v1 =	vmul.f32 v6, v1  }
0x3f3: {  	v6 =	vld [tilespmem:s18+$0x0];
	[tilespmem:s15+$0x0] =	vst v3;
	v2 =	vmul.f32 v8, v2  }
0x3f4: {  	v8 =	vld [tilespmem:s18+$0x10];
	[tilespmem:s15+$0x10] =	vst v1  }
0x3f5: {  	v11 =	vld [tilespmem:s18+$0x20];
	[tilespmem:s15+$0x20] =	vst v2  }
0x3f6: {  	v2 =	vld [tilespmem:s18+$0xFFFFFFC0]  }
0x3f7: {  	s14 =	sadd.s32 $0x80, s14;
	v12 =	vld.idx.msk [tilespmem:v13+s17+$0x0], $0xffff  }
0x3f8: {  	v13 =	vld [tilespmem:s14+$0x30]  }
0x3f9: {  	v14 =	vld.idx.msk [tilespmem:v10+s17+$0x0], $0xffff  }
0x3fa: {  	v5 =	vld.idx.msk [tilespmem:v9+s17+$0x0], $0xffff  }
0x3fb: {  	v4 =	vld.idx.msk [tilespmem:v7+s17+$0x0], $0xffff  }
0x3fc: {  	v3 =	vld.idx.msk [tilespmem:v6+s17+$0x0], $0xffff  }
0x3fd: {  	v1 =	vld.idx.msk [tilespmem:v8+s17+$0x0], $0xffff;
	v6 =	vmul.f32 v13, v12  }
0x3fe: {  	s15 =	sadd.s32 $0x80, s15;
	v8 =	vld.idx.msk [tilespmem:v2+s17+$0x0], $0xffff  }
0x3ff: {  	v2 =	vld.idx.msk [tilespmem:v11+s17+$0x0], $0xffff;
	[tilespmem:s15+$0x30] =	vst v6  }
0x400: {  	v6 =	vld [tilespmem:s14+$0xFFFFFFC0]  }
0x401: {  	v11 =	vld [tilespmem:s14+$0xFFFFFFD0]  }
.Ltmp13:
0x402: {  	v10 =	vld [tilespmem:s14+$0xFFFFFFE0];
	(pc) =	sbr.rel @p0 .LBB2_28-.Ltmp13, $4  }
0x403: {  	v9 =	vld [tilespmem:s14+$0xFFFFFFF0]  }
0x404: {  	v7 =	vld [tilespmem:s14+$0x0]  }
0x405: {  	v12 =	vmul.f32 v6, v8;
	v6 =	vld [tilespmem:s14+$0x10]  }
0x406: {  	s18 =	sadd.s32 $0x80, s18;
	v11 =	vmul.f32 v11, v14;
	v8 =	vld [tilespmem:s14+$0x20]  }
0x407: {  	[tilespmem:s15+$0xFFFFFFC0] =	vst v12;
	v5 =	vmul.f32 v10, v5  }
0x408: {  	[tilespmem:s15+$0xFFFFFFD0] =	vst v11;
	v4 =	vmul.f32 v9, v4  }
0x409: {  	[tilespmem:s15+$0xFFFFFFE0] =	vst v5;
	v3 =	vmul.f32 v7, v3  }
0x40a: {  	[tilespmem:s15+$0xFFFFFFF0] =	vst v4;
	v1 =	vmul.f32 v6, v1  }
0x40b: {  	[tilespmem:s15+$0x0] =	vst v3;
	v2 =	vmul.f32 v8, v2  }
0x40c: {  	[tilespmem:s15+$0x10] =	vst v1  }
0x40d: {  	[tilespmem:s15+$0x20] =	vst v2  }
0x40e: {  	[spmem:s20] =	stream.indirect.scatter.add.f32 [tilespmem:s26], [sflag:$0x3], $0x1, s30, s3, $0xb8;
	[tilespmem:$0x1C000] =	vst v63  }
0x40f: {  	_ =	swait.ge [sflag:s10], $0x1000  }
0x410: {  	s14 =	sld [smem:$0x7F8]  }
0x411: {  	[sflag:s10] =	ssyncset.done $0x0  }
0x412: {  	s15 =	sld [smem:$0x7F9];
	[sflag:s10] =	ssyncadd.s32 $0xFFFFF000  }
0x413: {  	[tilespmem:s28], [sflag:$0x1] =	stream.linear.gather [hbm4b:s14+s17], $0x1000, $0x38;
	[tilespmem:$0x1C000] =	vst v63  }
0x414: {  	s16 =	sld [smem:$0x7FA]  }
0x415: {  	[tilespmem:s29], [sflag:$0x1] =	stream.linear.gather [hbm4b:s15+s17], $0x1000, $0x38;
	[tilespmem:$0x1C000] =	vst v63  }
0x416: {  	_ = 	snop  }
0x417: {  	[tilespmem:s4], [sflag:$0x1] =	stream.linear.gather [hbm4b:s16+s17], $0x1000, $0x38;
	[tilespmem:$0x1C000] =	vst v63  }
0x418: {  	_ =	swait.ge [sflag:s5], $0x1000  }
0x419: {  	[sflag:s5] =	ssyncset.done $0x0  }
0x41a: {  	[sflag:s5] =	ssyncadd.s32 $0xFFFFF000  }
0x41b: {  	_ =	swait.ge [sflag:s5], $0x1000  }
0x41c: {  	[sflag:s5] =	ssyncset.done $0x0  }
0x41d: {  	[sflag:s5] =	ssyncadd.s32 $0xFFFFF000  }
0x41e: {  	_ =	swait.ge [sflag:s5], $0x1000  }
0x41f: {  	[sflag:s5] =	ssyncset.done $0x0  }
0x420: {  	s18 =	simm.s32 $0x11040;
	[sflag:s5] =	ssyncadd.s32 $0xFFFFF000  }
0x421: {  	v1 =	vld [tilespmem:s18+$0x30]  }
0x422: {  	v2 =	vld [tilespmem:s18+$0xFFFFFFD0]  }
0x423: {  	v3 =	vld [tilespmem:s18+$0xFFFFFFE0]  }
0x424: {  	v4 =	vld [tilespmem:s18+$0xFFFFFFF0]  }
0x425: {  	v6 =	vld [tilespmem:s18+$0x0]  }
0x426: {  	v7 =	vld [tilespmem:s18+$0x10]  }
0x427: {  	v8 =	vld [tilespmem:s18+$0x20]  }
0x428: {  	s14 =	simm.s32 $0x13040;
	v9 =	vld [tilespmem:s18+$0xFFFFFFC0]  }
0x429: {  	v12 =	vld [tilespmem:s14+$0x30]  }
0x42a: {  	v15 =	vld [tilespmem:s14+$0xFFFFFFD0]  }
0x42b: {  	v10 =	vld [tilespmem:s14+$0xFFFFFFE0]  }
0x42c: {  	v11 =	vld.idx.msk [tilespmem:v1+s17+$0x0], $0xffff  }
0x42d: {  	v13 =	vld.idx.msk [tilespmem:v2+s17+$0x0], $0xffff  }
0x42e: {  	v5 =	vld.idx.msk [tilespmem:v3+s17+$0x0], $0xffff  }
0x42f: {  	v4 =	vld.idx.msk [tilespmem:v4+s17+$0x0], $0xffff  }
0x430: {  	v14 =	vld.idx.msk [tilespmem:v9+s17+$0x0], $0xffff  }
0x431: {  	v2 =	vld.idx.msk [tilespmem:v8+s17+$0x0], $0xffff  }
0x432: {  	v8 =	vld [tilespmem:s14+$0xFFFFFFC0]  }
0x433: {  	v3 =	vld.idx.msk [tilespmem:v6+s17+$0x0], $0xffff  }
0x434: {  	v1 =	vld.idx.msk [tilespmem:v7+s17+$0x0], $0xffff  }
0x435: {  	v9 =	vld [tilespmem:s14+$0xFFFFFFF0]  }
0x436: {  	v7 =	vld [tilespmem:s14+$0x0];
	v11 =	vmul.f32 v12, v11  }
0x437: {  	s15 =	simm.s32 $0x18040;
	v6 =	vld [tilespmem:s14+$0x10];
	v12 =	vmul.f32 v8, v14  }
0x438: {  	s16 =	simm.s32 $0x0;
	s18 =	simm.s32 $0x110C0;
	v8 =	vld [tilespmem:s14+$0x20];
	[tilespmem:s15+$0x30] =	vst v11;
	v11 =	vmul.f32 v15, v13  }
.LBB2_30:
0x439: {  	v13 =	vld [tilespmem:s18+$0x30];
	s16 =	sadd.s32 $0x80, s16;
	[tilespmem:s15+$0xFFFFFFC0] =	vst v12;
	v5 =	vmul.f32 v10, v5  }
0x43a: {  	v10 =	vld [tilespmem:s18+$0xFFFFFFD0];
	p0 =	slt.u32 s16, $0xF80;
	[tilespmem:s15+$0xFFFFFFD0] =	vst v11;
	v4 =	vmul.f32 v9, v4  }
0x43b: {  	v9 =	vld [tilespmem:s18+$0xFFFFFFE0];
	[tilespmem:s15+$0xFFFFFFE0] =	vst v5;
	v3 =	vmul.f32 v7, v3  }
0x43c: {  	v7 =	vld [tilespmem:s18+$0xFFFFFFF0];
	[tilespmem:s15+$0xFFFFFFF0] =	vst v4;
	v1 =	vmul.f32 v6, v1  }
0x43d: {  	v6 =	vld [tilespmem:s18+$0x0];
	[tilespmem:s15+$0x0] =	vst v3;
	v2 =	vmul.f32 v8, v2  }
0x43e: {  	v8 =	vld [tilespmem:s18+$0x10];
	[tilespmem:s15+$0x10] =	vst v1  }
0x43f: {  	v11 =	vld [tilespmem:s18+$0x20];
	[tilespmem:s15+$0x20] =	vst v2  }
0x440: {  	v2 =	vld [tilespmem:s18+$0xFFFFFFC0]  }
0x441: {  	s14 =	sadd.s32 $0x80, s14;
	v12 =	vld.idx.msk [tilespmem:v13+s17+$0x0], $0xffff  }
0x442: {  	v13 =	vld [tilespmem:s14+$0x30]  }
0x443: {  	v14 =	vld.idx.msk [tilespmem:v10+s17+$0x0], $0xffff  }
0x444: {  	v5 =	vld.idx.msk [tilespmem:v9+s17+$0x0], $0xffff  }
0x445: {  	v4 =	vld.idx.msk [tilespmem:v7+s17+$0x0], $0xffff  }
0x446: {  	v3 =	vld.idx.msk [tilespmem:v6+s17+$0x0], $0xffff  }
0x447: {  	v1 =	vld.idx.msk [tilespmem:v8+s17+$0x0], $0xffff;
	v6 =	vmul.f32 v13, v12  }
0x448: {  	s15 =	sadd.s32 $0x80, s15;
	v8 =	vld.idx.msk [tilespmem:v2+s17+$0x0], $0xffff  }
0x449: {  	v2 =	vld.idx.msk [tilespmem:v11+s17+$0x0], $0xffff;
	[tilespmem:s15+$0x30] =	vst v6  }
0x44a: {  	v6 =	vld [tilespmem:s14+$0xFFFFFFC0]  }
0x44b: {  	v11 =	vld [tilespmem:s14+$0xFFFFFFD0]  }
.Ltmp14:
0x44c: {  	v10 =	vld [tilespmem:s14+$0xFFFFFFE0];
	(pc) =	sbr.rel @p0 .LBB2_30-.Ltmp14, $4  }
0x44d: {  	v9 =	vld [tilespmem:s14+$0xFFFFFFF0]  }
0x44e: {  	v7 =	vld [tilespmem:s14+$0x0]  }
0x44f: {  	v12 =	vmul.f32 v6, v8;
	v6 =	vld [tilespmem:s14+$0x10]  }
0x450: {  	s18 =	sadd.s32 $0x80, s18;
	v11 =	vmul.f32 v11, v14;
	v8 =	vld [tilespmem:s14+$0x20]  }
0x451: {  	[tilespmem:s15+$0xFFFFFFC0] =	vst v12;
	v5 =	vmul.f32 v10, v5  }
0x452: {  	[tilespmem:s15+$0xFFFFFFD0] =	vst v11;
	v4 =	vmul.f32 v9, v4  }
0x453: {  	[tilespmem:s15+$0xFFFFFFE0] =	vst v5;
	v3 =	vmul.f32 v7, v3  }
0x454: {  	[tilespmem:s15+$0xFFFFFFF0] =	vst v4;
	v1 =	vmul.f32 v6, v1  }
0x455: {  	[tilespmem:s15+$0x0] =	vst v3;
	v2 =	vmul.f32 v8, v2  }
0x456: {  	[tilespmem:s15+$0x10] =	vst v1  }
0x457: {  	[tilespmem:s15+$0x20] =	vst v2  }
0x458: {  	[spmem:s20] =	stream.indirect.scatter.add.f32 [tilespmem:s6], [sflag:$0x4], $0x1, s1, s3, $0xb8;
	[tilespmem:$0x1C000] =	vst v63  }
0x459: {  	_ =	swait.ge [sflag:s7], $0x1000  }
0x45a: {  	s14 =	sld [smem:$0x7FB]  }
0x45b: {  	[sflag:s7] =	ssyncset.done $0x0  }
0x45c: {  	s15 =	sld [smem:$0x7FC];
	[sflag:s7] =	ssyncadd.s32 $0xFFFFF000  }
0x45d: {  	[tilespmem:s31], [sflag:$0x2] =	stream.linear.gather [hbm4b:s14+s17], $0x1000, $0x38;
	[tilespmem:$0x1C000] =	vst v63  }
0x45e: {  	s16 =	sld [smem:$0x7FD]  }
0x45f: {  	[tilespmem:s0], [sflag:$0x2] =	stream.linear.gather [hbm4b:s15+s17], $0x1000, $0x38;
	[tilespmem:$0x1C000] =	vst v63  }
0x460: {  	_ = 	snop  }
0x461: {  	[tilespmem:s30], [sflag:$0x2] =	stream.linear.gather [hbm4b:s16+s17], $0x1000, $0x38;
	[tilespmem:$0x1C000] =	vst v63  }
0x462: {  	_ =	swait.ge [sflag:s2], $0x1000  }
0x463: {  	[sflag:s2] =	ssyncset.done $0x0  }
0x464: {  	[sflag:s2] =	ssyncadd.s32 $0xFFFFF000  }
0x465: {  	_ =	swait.ge [sflag:s2], $0x1000  }
0x466: {  	[sflag:s2] =	ssyncset.done $0x0  }
0x467: {  	[sflag:s2] =	ssyncadd.s32 $0xFFFFF000  }
0x468: {  	_ =	swait.ge [sflag:s2], $0x1000  }
0x469: {  	[sflag:s2] =	ssyncset.done $0x0  }
0x46a: {  	s18 =	simm.s32 $0x10040;
	[sflag:s2] =	ssyncadd.s32 $0xFFFFF000  }
0x46b: {  	v1 =	vld [tilespmem:s18+$0x30]  }
0x46c: {  	v2 =	vld [tilespmem:s18+$0xFFFFFFD0]  }
0x46d: {  	v3 =	vld [tilespmem:s18+$0xFFFFFFE0]  }
0x46e: {  	v4 =	vld [tilespmem:s18+$0xFFFFFFF0]  }
0x46f: {  	v6 =	vld [tilespmem:s18+$0x0]  }
0x470: {  	v7 =	vld [tilespmem:s18+$0x10]  }
0x471: {  	v8 =	vld [tilespmem:s18+$0x20]  }
0x472: {  	s14 =	simm.s32 $0x12040;
	v9 =	vld [tilespmem:s18+$0xFFFFFFC0]  }
0x473: {  	v12 =	vld [tilespmem:s14+$0x30]  }
0x474: {  	v15 =	vld [tilespmem:s14+$0xFFFFFFD0]  }
0x475: {  	v10 =	vld [tilespmem:s14+$0xFFFFFFE0]  }
0x476: {  	v11 =	vld.idx.msk [tilespmem:v1+s17+$0x0], $0xffff  }
0x477: {  	v13 =	vld.idx.msk [tilespmem:v2+s17+$0x0], $0xffff  }
0x478: {  	v5 =	vld.idx.msk [tilespmem:v3+s17+$0x0], $0xffff  }
0x479: {  	v4 =	vld.idx.msk [tilespmem:v4+s17+$0x0], $0xffff  }
0x47a: {  	v14 =	vld.idx.msk [tilespmem:v9+s17+$0x0], $0xffff  }
0x47b: {  	v2 =	vld.idx.msk [tilespmem:v8+s17+$0x0], $0xffff  }
0x47c: {  	v8 =	vld [tilespmem:s14+$0xFFFFFFC0]  }
0x47d: {  	v3 =	vld.idx.msk [tilespmem:v6+s17+$0x0], $0xffff  }
0x47e: {  	v1 =	vld.idx.msk [tilespmem:v7+s17+$0x0], $0xffff  }
0x47f: {  	v9 =	vld [tilespmem:s14+$0xFFFFFFF0]  }
0x480: {  	v7 =	vld [tilespmem:s14+$0x0];
	v11 =	vmul.f32 v12, v11  }
0x481: {  	s15 =	simm.s32 $0x19040;
	v6 =	vld [tilespmem:s14+$0x10];
	v12 =	vmul.f32 v8, v14  }
0x482: {  	s16 =	simm.s32 $0x0;
	s18 =	simm.s32 $0x100C0;
	v8 =	vld [tilespmem:s14+$0x20];
	[tilespmem:s15+$0x30] =	vst v11;
	v11 =	vmul.f32 v15, v13  }
.LBB2_32:
0x483: {  	v13 =	vld [tilespmem:s18+$0x30];
	s16 =	sadd.s32 $0x80, s16;
	[tilespmem:s15+$0xFFFFFFC0] =	vst v12;
	v5 =	vmul.f32 v10, v5  }
0x484: {  	v10 =	vld [tilespmem:s18+$0xFFFFFFD0];
	p0 =	slt.u32 s16, $0xF80;
	[tilespmem:s15+$0xFFFFFFD0] =	vst v11;
	v4 =	vmul.f32 v9, v4  }
0x485: {  	v9 =	vld [tilespmem:s18+$0xFFFFFFE0];
	[tilespmem:s15+$0xFFFFFFE0] =	vst v5;
	v3 =	vmul.f32 v7, v3  }
0x486: {  	v7 =	vld [tilespmem:s18+$0xFFFFFFF0];
	[tilespmem:s15+$0xFFFFFFF0] =	vst v4;
	v1 =	vmul.f32 v6, v1  }
0x487: {  	v6 =	vld [tilespmem:s18+$0x0];
	[tilespmem:s15+$0x0] =	vst v3;
	v2 =	vmul.f32 v8, v2  }
0x488: {  	v8 =	vld [tilespmem:s18+$0x10];
	[tilespmem:s15+$0x10] =	vst v1  }
0x489: {  	v11 =	vld [tilespmem:s18+$0x20];
	[tilespmem:s15+$0x20] =	vst v2  }
0x48a: {  	v2 =	vld [tilespmem:s18+$0xFFFFFFC0]  }
0x48b: {  	s14 =	sadd.s32 $0x80, s14;
	v12 =	vld.idx.msk [tilespmem:v13+s17+$0x0], $0xffff  }
0x48c: {  	v13 =	vld [tilespmem:s14+$0x30]  }
0x48d: {  	v14 =	vld.idx.msk [tilespmem:v10+s17+$0x0], $0xffff  }
0x48e: {  	v5 =	vld.idx.msk [tilespmem:v9+s17+$0x0], $0xffff  }
0x48f: {  	v4 =	vld.idx.msk [tilespmem:v7+s17+$0x0], $0xffff  }
0x490: {  	v3 =	vld.idx.msk [tilespmem:v6+s17+$0x0], $0xffff  }
0x491: {  	v1 =	vld.idx.msk [tilespmem:v8+s17+$0x0], $0xffff;
	v6 =	vmul.f32 v13, v12  }
0x492: {  	s15 =	sadd.s32 $0x80, s15;
	v8 =	vld.idx.msk [tilespmem:v2+s17+$0x0], $0xffff  }
0x493: {  	v2 =	vld.idx.msk [tilespmem:v11+s17+$0x0], $0xffff;
	[tilespmem:s15+$0x30] =	vst v6  }
0x494: {  	v6 =	vld [tilespmem:s14+$0xFFFFFFC0]  }
0x495: {  	v11 =	vld [tilespmem:s14+$0xFFFFFFD0]  }
.Ltmp15:
0x496: {  	v10 =	vld [tilespmem:s14+$0xFFFFFFE0];
	(pc) =	sbr.rel @p0 .LBB2_32-.Ltmp15, $4  }
0x497: {  	v9 =	vld [tilespmem:s14+$0xFFFFFFF0]  }
0x498: {  	v7 =	vld [tilespmem:s14+$0x0]  }
0x499: {  	v12 =	vmul.f32 v6, v8;
	v6 =	vld [tilespmem:s14+$0x10]  }
0x49a: {  	s18 =	sadd.s32 $0x80, s18;
	v11 =	vmul.f32 v11, v14;
	v8 =	vld [tilespmem:s14+$0x20]  }
0x49b: {  	[tilespmem:s15+$0xFFFFFFC0] =	vst v12;
	v5 =	vmul.f32 v10, v5  }
0x49c: {  	[tilespmem:s15+$0xFFFFFFD0] =	vst v11;
	v4 =	vmul.f32 v9, v4  }
0x49d: {  	[tilespmem:s15+$0xFFFFFFE0] =	vst v5;
	v3 =	vmul.f32 v7, v3  }
0x49e: {  	[tilespmem:s15+$0xFFFFFFF0] =	vst v4;
	v1 =	vmul.f32 v6, v1  }
0x49f: {  	[tilespmem:s15+$0x0] =	vst v3;
	v2 =	vmul.f32 v8, v2  }
0x4a0: {  	[tilespmem:s15+$0x10] =	vst v1  }
0x4a1: {  	[tilespmem:s15+$0x20] =	vst v2  }
0x4a2: {  	[spmem:s20] =	stream.indirect.scatter.add.f32 [tilespmem:s8], [sflag:$0x5], $0x1, s4, s3, $0xb8;
	[tilespmem:$0x1C000] =	vst v63  }
0x4a3: {  	_ =	swait.ge [sflag:s5], $0x1000  }
0x4a4: {  	[sflag:s5] =	ssyncset.done $0x0  }
0x4a5: {  	[sflag:s5] =	ssyncadd.s32 $0xFFFFF000  }
0x4a6: {  	_ =	swait.ge [sflag:s5], $0x1000  }
0x4a7: {  	[sflag:s5] =	ssyncset.done $0x0  }
0x4a8: {  	[sflag:s5] =	ssyncadd.s32 $0xFFFFF000  }
0x4a9: {  	_ =	swait.ge [sflag:s5], $0x1000  }
0x4aa: {  	[sflag:s5] =	ssyncset.done $0x0  }
0x4ab: {  	s14 =	simm.s32 $0x11040;
	[sflag:s5] =	ssyncadd.s32 $0xFFFFF000  }
0x4ac: {  	v1 =	vld [tilespmem:s14+$0x30]  }
0x4ad: {  	v2 =	vld [tilespmem:s14+$0xFFFFFFD0]  }
0x4ae: {  	v3 =	vld [tilespmem:s14+$0xFFFFFFE0]  }
0x4af: {  	v4 =	vld [tilespmem:s14+$0xFFFFFFF0]  }
0x4b0: {  	v6 =	vld [tilespmem:s14+$0x0]  }
0x4b1: {  	v7 =	vld [tilespmem:s14+$0x10]  }
0x4b2: {  	v8 =	vld [tilespmem:s14+$0x20]  }
0x4b3: {  	v9 =	vld [tilespmem:s14+$0xFFFFFFC0];
	s14 =	simm.s32 $0x13040  }
0x4b4: {  	v12 =	vld [tilespmem:s14+$0x30]  }
0x4b5: {  	v15 =	vld [tilespmem:s14+$0xFFFFFFD0]  }
0x4b6: {  	v10 =	vld [tilespmem:s14+$0xFFFFFFE0]  }
0x4b7: {  	v11 =	vld.idx.msk [tilespmem:v1+s17+$0x0], $0xffff  }
0x4b8: {  	v13 =	vld.idx.msk [tilespmem:v2+s17+$0x0], $0xffff  }
0x4b9: {  	v5 =	vld.idx.msk [tilespmem:v3+s17+$0x0], $0xffff  }
0x4ba: {  	v4 =	vld.idx.msk [tilespmem:v4+s17+$0x0], $0xffff  }
0x4bb: {  	v14 =	vld.idx.msk [tilespmem:v9+s17+$0x0], $0xffff  }
0x4bc: {  	v2 =	vld.idx.msk [tilespmem:v8+s17+$0x0], $0xffff  }
0x4bd: {  	v8 =	vld [tilespmem:s14+$0xFFFFFFC0]  }
0x4be: {  	v3 =	vld.idx.msk [tilespmem:v6+s17+$0x0], $0xffff  }
0x4bf: {  	v1 =	vld.idx.msk [tilespmem:v7+s17+$0x0], $0xffff  }
0x4c0: {  	v9 =	vld [tilespmem:s14+$0xFFFFFFF0]  }
0x4c1: {  	v7 =	vld [tilespmem:s14+$0x0];
	v11 =	vmul.f32 v12, v11  }
0x4c2: {  	s15 =	simm.s32 $0x17040;
	v6 =	vld [tilespmem:s14+$0x10];
	v12 =	vmul.f32 v8, v14  }
0x4c3: {  	s16 =	simm.s32 $0x0;
	s18 =	simm.s32 $0x110C0;
	v8 =	vld [tilespmem:s14+$0x20];
	[tilespmem:s15+$0x30] =	vst v11;
	v11 =	vmul.f32 v15, v13  }
.LBB2_34:
0x4c4: {  	v13 =	vld [tilespmem:s18+$0x30];
	s16 =	sadd.s32 $0x80, s16;
	[tilespmem:s15+$0xFFFFFFC0] =	vst v12;
	v5 =	vmul.f32 v10, v5  }
0x4c5: {  	v10 =	vld [tilespmem:s18+$0xFFFFFFD0];
	p0 =	slt.u32 s16, $0xF80;
	[tilespmem:s15+$0xFFFFFFD0] =	vst v11;
	v4 =	vmul.f32 v9, v4  }
0x4c6: {  	v9 =	vld [tilespmem:s18+$0xFFFFFFE0];
	[tilespmem:s15+$0xFFFFFFE0] =	vst v5;
	v3 =	vmul.f32 v7, v3  }
0x4c7: {  	v7 =	vld [tilespmem:s18+$0xFFFFFFF0];
	[tilespmem:s15+$0xFFFFFFF0] =	vst v4;
	v1 =	vmul.f32 v6, v1  }
0x4c8: {  	v6 =	vld [tilespmem:s18+$0x0];
	[tilespmem:s15+$0x0] =	vst v3;
	v2 =	vmul.f32 v8, v2  }
0x4c9: {  	v8 =	vld [tilespmem:s18+$0x10];
	[tilespmem:s15+$0x10] =	vst v1  }
0x4ca: {  	v11 =	vld [tilespmem:s18+$0x20];
	[tilespmem:s15+$0x20] =	vst v2  }
0x4cb: {  	v2 =	vld [tilespmem:s18+$0xFFFFFFC0]  }
0x4cc: {  	s14 =	sadd.s32 $0x80, s14;
	v12 =	vld.idx.msk [tilespmem:v13+s17+$0x0], $0xffff  }
0x4cd: {  	v13 =	vld [tilespmem:s14+$0x30]  }
0x4ce: {  	v14 =	vld.idx.msk [tilespmem:v10+s17+$0x0], $0xffff  }
0x4cf: {  	v5 =	vld.idx.msk [tilespmem:v9+s17+$0x0], $0xffff  }
0x4d0: {  	v4 =	vld.idx.msk [tilespmem:v7+s17+$0x0], $0xffff  }
0x4d1: {  	v3 =	vld.idx.msk [tilespmem:v6+s17+$0x0], $0xffff  }
0x4d2: {  	v1 =	vld.idx.msk [tilespmem:v8+s17+$0x0], $0xffff;
	v6 =	vmul.f32 v13, v12  }
0x4d3: {  	s15 =	sadd.s32 $0x80, s15;
	v8 =	vld.idx.msk [tilespmem:v2+s17+$0x0], $0xffff  }
0x4d4: {  	v2 =	vld.idx.msk [tilespmem:v11+s17+$0x0], $0xffff;
	[tilespmem:s15+$0x30] =	vst v6  }
0x4d5: {  	v6 =	vld [tilespmem:s14+$0xFFFFFFC0]  }
0x4d6: {  	v11 =	vld [tilespmem:s14+$0xFFFFFFD0]  }
.Ltmp16:
0x4d7: {  	v10 =	vld [tilespmem:s14+$0xFFFFFFE0];
	(pc) =	sbr.rel @p0 .LBB2_34-.Ltmp16, $4  }
0x4d8: {  	v9 =	vld [tilespmem:s14+$0xFFFFFFF0]  }
0x4d9: {  	v7 =	vld [tilespmem:s14+$0x0]  }
0x4da: {  	v12 =	vmul.f32 v6, v8;
	v6 =	vld [tilespmem:s14+$0x10]  }
0x4db: {  	s18 =	sadd.s32 $0x80, s18;
	v11 =	vmul.f32 v11, v14;
	v8 =	vld [tilespmem:s14+$0x20]  }
0x4dc: {  	[tilespmem:s15+$0xFFFFFFC0] =	vst v12;
	v5 =	vmul.f32 v10, v5  }
0x4dd: {  	[tilespmem:s15+$0xFFFFFFD0] =	vst v11;
	v4 =	vmul.f32 v9, v4  }
0x4de: {  	[tilespmem:s15+$0xFFFFFFE0] =	vst v5;
	v3 =	vmul.f32 v7, v3  }
0x4df: {  	[tilespmem:s15+$0xFFFFFFF0] =	vst v4;
	v1 =	vmul.f32 v6, v1  }
0x4e0: {  	[tilespmem:s15+$0x0] =	vst v3;
	v2 =	vmul.f32 v8, v2  }
0x4e1: {  	[tilespmem:s15+$0x10] =	vst v1  }
0x4e2: {  	[tilespmem:s15+$0x20] =	vst v2  }
0x4e3: {  	[spmem:s20] =	stream.indirect.scatter.add.f32 [tilespmem:s26], [sflag:$0x3], $0x1, s30, s3, $0xb8;
	[tilespmem:$0x1C000] =	vst v63  }
0x4e4: {  	_ =	swait.ge [sflag:s9], $0x1000  }
0x4e5: {  	[sflag:s9] =	ssyncset.done $0x0  }
0x4e6: {  	[sflag:s9] =	ssyncadd.s32 $0xFFFFF000  }
0x4e7: {  	_ =	swait.ge [sflag:s10], $0x1000  }
0x4e8: {  	[sflag:s10] =	ssyncset.done $0x0  }
0x4e9: {  	[sflag:s10] =	ssyncadd.s32 $0xFFFFF000  }
0x4ea: {  	_ =	swait.ge [sflag:s7], $0x1000  }
0x4eb: {  	[sflag:s7] =	ssyncset.done $0x0  }
0x4ec: {  	[sflag:s7] =	ssyncadd.s32 $0xFFFFF000  }
0x4ed: {  	[bflag:$0x0] =	sbarrier.arrive $0xFFFF  }
0x4ee: {  	[tilespmem:s26], [sflag:$0x6] =	stream.linear.gather [spmem:s22], $0x1000, $0x38;
	[tilespmem:$0x1C000] =	vst v63  }
0x4ef: {  	_ =	swait.ge [sflag:s25], $0x1000  }
0x4f0: {  	[sflag:s25] =	ssyncset.done $0x0  }
0x4f1: {  	[sflag:s25] =	ssyncadd.s32 $0xFFFFF000  }
0x4f2: {  	[hbm4b:s19+s11] =	stream.strided.scatter [tilespmem:s26], [sflag:$0x6], $0x1000, s12, s11, $0x38;
	[tilespmem:$0x1C000] =	vst v63  }
0x4f3: {  	_ =	swait.ge [sflag:s25], $0x1000  }
0x4f4: {  	[sflag:s25] =	ssyncset.done $0x0  }
0x4f5: {  	[sflag:s25] =	ssyncadd.s32 $0xFFFFF000  }
0x4f6: {  	[tilespmem:s6], [sflag:$0x6] =	stream.linear.gather [spmem:s23], $0x1000, $0x38;
	[tilespmem:$0x1C000] =	vst v63  }
0x4f7: {  	s13 =	sadd.s32 $0x1, s13;
	_ =	swait.ge [sflag:s25], $0x1000  }
0x4f8: {  	p0 =	sne.s32 s13, s24;
	[sflag:s25] =	ssyncset.done $0x0  }
.Ltmp17:
0x4f9: {  	[sflag:s25] =	ssyncadd.s32 $0xFFFFF000;
	(pc) =	sbr.rel @p0 .LBB2_1-.Ltmp17, $4  }
0x4fa: {  	[hbm4b:s21+s11] =	stream.strided.scatter [tilespmem:s6], [sflag:$0x6], $0x1000, s12, s11, $0x38;
	[tilespmem:$0x1C000] =	vst v63  }
0x4fb: {  	_ =	swait.ge [sflag:s25], $0x1000  }
0x4fc: {  	[sflag:s25] =	ssyncset.done $0x0  }
0x4fd: {  	[sflag:s25] =	ssyncadd.s32 $0xFFFFF000  }
0x4fe: {  	_ =	sfence.sel $0x180000  }
0x4ff: {  	[bflag:$0x0] =	sbarrier.arrive $0xFFFF  }
0x500: {  	_ =	strace $0x90000047  }
0x501: {  	s0 =	stileid.u32;
	[bflag:$0x2] =	sbarrier.arrive $0xFFFF  }
0x502: {  	p0 =	sne.s32 s0, $0x0;
	s0 =	rddreg [dreg:$0x6]  }
0x503: {  	s0 =	sadd.s32 @!p0 $0x100000, s0  }
0x504: {  	[sflag:s0] =	ssyncadd.tile.s32 @!p0 $0x1;
	_ =	shalt  }
.Lfunc_end2:
_tile_overlayer_lowered:
.L_overlay_start_2:
0x505: {  	(tag) =	ssettag $0x2  }
0x506: {  	s0 =	rddreg [dreg:$0x0];
	s2 =	stileid.u32  }
0x507: {  	s1 =	rddreg [dreg:$0x1];
	p0 =	sne.s32 s2, $0x0  }
0x508: {  	s3 =	rddreg [dreg:$0x2];
	[bflag:$0x3] =	sbarrier.arrive $0xFFFF;
	s2 =	simm.s32 @!p0 $0x1C06  }
0x509: {  	[timem:s3], [sflag:s2] =	dma.local @!p0 [hbm:s0], s1  }
0x50a: {  	s0 =	simm.s32 @!p0 $0x6  }
0x50b: {  	_ =	swait.ge @!p0 [sflag:s0], s1  }
0x50c: {  	s1 =	ssub.s32 @!p0 $0x0, s1;
	[sflag:s0] =	ssyncset.done @!p0 $0x0  }
0x50d: {  	[sflag:s0] =	ssyncadd.s32 @!p0 s1  }
0x50e: {  	[bflag:$0x3] =	sbarrier.arrive $0xFFFF  }
0x50f: {  	_ =	shalt  }

</sc_bundles>
